<compile_context>
chip_gen: v7x
topology: tpu7x:2x2x1
jax: 0.10.2.dev20260603
libtpu: 0.0.44.dev20260713+nightly
codegen_flags: <defaults>
</compile_context>

<pallas_src>
import functools

import jax
import jax.numpy as jnp
from jax import lax
from jax.experimental import pallas as pl
from jax.experimental.pallas import tpu as pltpu
from jax.experimental.pallas import tpu_sc as plsc

B, F, V, D = 4096, 26, 100000, 32
NC, NS = 2, 16
NW = NC * NS
BPW = B // NW
LANES = 16
NG = BPW // LANES
FGROUPS = [(0, 13), (13, 26)]
KG = len(FGROUPS)

_mesh = plsc.VectorSubcoreMesh(core_axis_name="c", subcore_axis_name="s",
                               num_cores=NC, num_subcores=NS)
_params = pltpu.CompilerParams(needs_layout_passes=False,
                               use_tc_tiling_on_sc=False)


def _make_group(f0, f1, with_lin):
    nf = f1 - f0

    def body(*args):
        if with_lin:
            (idxT, emb2, lin, s_out, q_out, lb_out,
             idx_v, rowsT_v, lin_v, s_v, q_v, lb_v, emb_sem, lin_sem) = args
        else:
            (idxT, emb2, s_out, q_out,
             idx_v, rowsT_v, s_v, q_v, emb_sem) = args
        wid = lax.axis_index("s") * NC + lax.axis_index("c")
        base = wid * BPW

        if with_lin:
            pltpu.sync_copy(idxT.at[:, pl.ds(base, BPW)], idx_v)
            for f in range(F):
                pltpu.async_copy(lin.at[f].at[idx_v.at[f]],
                                 lin_v.at[f], lin_sem)
        else:
            pltpu.sync_copy(idxT.at[pl.ds(f0, nf), pl.ds(base, BPW)], idx_v)

        def fire_emb(t, carry):
            f = lax.shift_right_logical(t, 5)
            pltpu.async_copy(emb2.at[t].at[idx_v.at[f]],
                             rowsT_v.at[t], emb_sem)
            return carry

        lax.fori_loop(0, nf * D, fire_emb, 0)

        if with_lin:
            pltpu.make_async_copy(lin.at[:, pl.ds(0, BPW)], lin_v,
                                  lin_sem).wait()
        pltpu.make_async_copy(emb2.at[:, pl.ds(0, BPW)], rowsT_v,
                              emb_sem).wait()

        def group_body(c, carry):
            col = c * LANES

            def dim_body(d, qacc):
                s = jnp.zeros((LANES,), jnp.float32)
                q = jnp.zeros((LANES,), jnp.float32)
                for f in range(nf):
                    v = rowsT_v[f * D + d, pl.ds(col, LANES)]
                    s = s + v
                    q = q + v * v
                s_v[d, pl.ds(col, LANES)] = s
                return qacc + q

            qacc = lax.fori_loop(0, D, dim_body,
                                 jnp.zeros((LANES,), jnp.float32))
            q_v[0, pl.ds(col, LANES)] = qacc
            if with_lin:
                lacc = jnp.zeros((LANES,), jnp.float32)
                for f in range(F):
                    lacc = lacc + lin_v[f, pl.ds(col, LANES)]
                lb_v[0, pl.ds(col, LANES)] = lacc
            return carry

        lax.fori_loop(0, NG, group_body, 0)

        pltpu.sync_copy(s_v, s_out.at[wid])
        pltpu.sync_copy(q_v, q_out.at[wid])
        if with_lin:
            pltpu.sync_copy(lb_v, lb_out.at[wid])

    out_types = [jax.ShapeDtypeStruct((NW, D, BPW), jnp.float32),
                 jax.ShapeDtypeStruct((NW, 1, BPW), jnp.float32)]
    scratch = [pltpu.VMEM(((F if with_lin else nf), BPW), jnp.int32),
               pltpu.VMEM((nf * D, BPW), jnp.float32),
               pltpu.VMEM((D, BPW), jnp.float32),
               pltpu.VMEM((1, BPW), jnp.float32),
               pltpu.SemaphoreType.DMA]
    if with_lin:
        out_types.append(jax.ShapeDtypeStruct((NW, 1, BPW), jnp.float32))
        scratch = ([scratch[0], scratch[1],
                    pltpu.VMEM((F, BPW), jnp.float32),
                    scratch[2], scratch[3],
                    pltpu.VMEM((1, BPW), jnp.float32),
                    scratch[4], pltpu.SemaphoreType.DMA])
    return functools.partial(
        pl.kernel, out_type=tuple(out_types), mesh=_mesh,
        compiler_params=_params, scratch_types=scratch)(body)


def _combine_body(*args):
    (*sq, lb, bias16, out, sv, qv, lbv, bv, ov) = args
    s_ins, q_ins = sq[:KG], sq[KG:]
    wid = lax.axis_index("s") * NC + lax.axis_index("c")
    for i, s in enumerate(s_ins):
        pltpu.sync_copy(s.at[wid], sv.at[i])
    for i, q in enumerate(q_ins):
        pltpu.sync_copy(q.at[wid], qv.at[i])
    pltpu.sync_copy(lb.at[wid], lbv)
    pltpu.sync_copy(bias16, bv)

    def group_body(c, carry):
        col = c * LANES

        def dim_body(d, inter):
            s = sv[0, d, pl.ds(col, LANES)]
            for i in range(1, KG):
                s = s + sv[i, d, pl.ds(col, LANES)]
            return inter + s * s

        inter = lax.fori_loop(0, D, dim_body,
                              jnp.zeros((LANES,), jnp.float32))
        qt = qv[0, 0, pl.ds(col, LANES)]
        for i in range(1, KG):
            qt = qt + qv[i, 0, pl.ds(col, LANES)]
        ov[0, pl.ds(col, LANES)] = (0.5 * (inter - qt)
                                    + lbv[0, pl.ds(col, LANES)] + bv[...])
        return carry

    lax.fori_loop(0, NG, group_body, 0)
    pltpu.sync_copy(ov, out.at[wid])


_combine = functools.partial(
    pl.kernel,
    out_type=jax.ShapeDtypeStruct((NW, 1, BPW), jnp.float32),
    mesh=_mesh, compiler_params=_params,
    scratch_types=[
        pltpu.VMEM((KG, D, BPW), jnp.float32),
        pltpu.VMEM((KG, 1, BPW), jnp.float32),
        pltpu.VMEM((1, BPW), jnp.float32),
        pltpu.VMEM((LANES,), jnp.float32),
        pltpu.VMEM((1, BPW), jnp.float32),
    ])(_combine_body)

_group_kerns = [_make_group(f0, f1, with_lin=(g == 0))
                for g, (f0, f1) in enumerate(FGROUPS)]


def kernel(indices, embed_tables, lin_tables, bias):
    idxT = indices.T
    bias16 = jnp.broadcast_to(bias.astype(jnp.float32), (LANES,))
    parts = []
    for g, (f0, f1) in enumerate(FGROUPS):
        nf = f1 - f0
        emb_g = (embed_tables[f0:f1].transpose(0, 2, 1)
                 .reshape(nf * D, V))
        if g == 0:
            parts.append(_group_kerns[g](idxT, emb_g, lin_tables))
        else:
            parts.append(_group_kerns[g](idxT, emb_g))
    s_parts = [p[0] for p in parts]
    q_parts = [p[1] for p in parts]
    lb = parts[0][2]
    out = _combine(*s_parts, *q_parts, lb, bias16)
    return out.reshape(B)

# --- scband reference (transcript-rebuilt; emitter-appended) ---
"""Pipeline reference for scband-fm-2319282340356 (READ-ONLY COPY).

The authoritative reference and input builder live on the scoring server;
editing this copy changes nothing except your own understanding.
"""

import jax, jax.numpy as jnp
import numpy as np

B = 4096
F = 26
V = 100000
D = 32


def setup_inputs(seed: int = 0) -> dict:
    key = jax.random.key(seed)
    k1, k2, k3 = jax.random.split(key, 3)
    # indices[b, f] is the sparse-feature id for field f in sample b (one per field)
    indices = jax.random.randint(k1, (B, F), 0, V, dtype=jnp.int32)
    # per-field embedding tables (nn.ModuleDict of nn.Embedding(V, D)) stacked into one array
    embed_tables = jax.random.normal(k2, (F, V, D), dtype=jnp.float32) * 0.01
    # per-field linear (first-order) weight tables: nn.Embedding(V, 1) stacked, squeezed
    lin_tables = jax.random.normal(k3, (F, V), dtype=jnp.float32) * 0.01
    bias = jnp.zeros((), dtype=jnp.float32)
    return {"indices": indices, "embed_tables": embed_tables, "lin_tables": lin_tables, "bias": bias}


def reference(indices, embed_tables, lin_tables, bias):
    F_ = embed_tables.shape[0]
    field_ids = jnp.arange(F_)[None, :]  # [1, F]
    # Linear (first-order) term: sum_f w_f[idx_f] + bias  -> [B]
    linear_out = jnp.sum(lin_tables[field_ids, indices], axis=1) + bias
    # Embedding lookup per field, concatenated along field dim -> [B, F, D]
    x = embed_tables[field_ids, indices]
    # FMInteraction
    square_of_sum = jnp.power(jnp.sum(x, axis=1, keepdims=True), 2)  # [B, 1, D]
    sum_of_square = jnp.sum(x * x, axis=1, keepdims=True)            # [B, 1, D]
    cross = square_of_sum - sum_of_square
    inter_out = 0.5 * jnp.squeeze(jnp.sum(cross, axis=2, keepdims=False), axis=1)  # [B]
    out = linear_out + inter_out
    return out

if __name__ == "__main__":
    import jax
    _d = setup_inputs()
    print(jax.jit(kernel)(*tuple(_d.values())))

</pallas_src>

<mosaic_0001>
#map = affine_map<(d0, d1) -> (0, 0)>
#map1 = affine_map<(d0, d1) -> (0, 0, 0)>
module attributes {stable_mosaic.version = 14 : i64} {
  func.func @body(%arg0: i32, %arg1: i32, %arg2: memref<26x4096xi32, #tpu.memory_space<hbm>>, %arg3: memref<416x100000xf32, #tpu.memory_space<hbm>>, %arg4: memref<32x32x128xf32, #tpu.memory_space<hbm>>, %arg5: memref<32x1x128xf32, #tpu.memory_space<hbm>>, %arg6: memref<13x128xi32, #tpu.memory_space<vmem>>, %arg7: memref<416x128xf32, #tpu.memory_space<vmem>>, %arg8: memref<32x128xf32, #tpu.memory_space<vmem>>, %arg9: memref<1x128xf32, #tpu.memory_space<vmem>>, %arg10: memref<!tpu.dma_semaphore, #tpu.memory_space<semaphore_mem>>) attributes {dimension_semantics = [#tpu.dimension_semantics<core_parallel>, #tpu.dimension_semantics<subcore_parallel>], iteration_bounds = array<i64: 2, 16>, scalar_prefetch = 0 : i64, scratch_operands = 5 : i64, tpu.core_type = #tpu.core_type<sc_vector_subcore>, window_params = [{transform_indices = #map}, {transform_indices = #map}, {transform_indices = #map1}, {transform_indices = #map1}]} {
    %mul3A = arith.constant 2 : i32
    %mul3A_0 = arith.muli %arg1, %mul3A : i32
    %add3A = arith.addi %mul3A_0, %arg0 : i32
    %mul3A_1 = arith.constant 128 : i32
    %mul3A_2 = arith.muli %add3A, %mul3A_1 : i32
    "tpu.region"() ({
      %run_scoped3A = tpu.sem_alloc : memref<!tpu.dma_semaphore, #tpu.memory_space<semaphore_mem>>
      %dma_start3A = arith.constant 13 : i32
      %dma_start3A_19 = tpu.memref_slice %arg2[%dma_start3A, %mul3A_2] : memref<26x4096xi32, #tpu.memory_space<hbm>> -> memref<13x128xi32, #tpu.memory_space<hbm>>
      %dma_start3A_20 = arith.constant 13 : i32
      %dma_start3A_21 = tpu.memref_slice %arg2[%dma_start3A_20, %mul3A_2] : memref<26x4096xi32, #tpu.memory_space<hbm>> -> memref<13x128xi32, #tpu.memory_space<hbm>>
      tpu.enqueue_dma source(%dma_start3A_21 : memref<13x128xi32, #tpu.memory_space<hbm>>) target(%arg6 : memref<13x128xi32, #tpu.memory_space<vmem>>) target_semaphore(%run_scoped3A : memref<!tpu.dma_semaphore, #tpu.memory_space<semaphore_mem>>)
      %dma_wait3A_22 = arith.constant 13 : i32
      %dma_wait3A_23 = tpu.memref_slice %arg2[%dma_wait3A_22, %mul3A_2] : memref<26x4096xi32, #tpu.memory_space<hbm>> -> memref<13x128xi32, #tpu.memory_space<hbm>>
      %dma_wait3A_24 = arith.constant 13 : i32
      %dma_wait3A_25 = tpu.memref_slice %arg2[%dma_wait3A_24, %mul3A_2] : memref<26x4096xi32, #tpu.memory_space<hbm>> -> memref<13x128xi32, #tpu.memory_space<hbm>>
      tpu.wait_dma2 semaphore(%run_scoped3A : memref<!tpu.dma_semaphore, #tpu.memory_space<semaphore_mem>>) src(%dma_wait3A_25 : memref<13x128xi32, #tpu.memory_space<hbm>>) dst(%arg6 : memref<13x128xi32, #tpu.memory_space<vmem>>)
      tpu.yield
    }) : () -> ()
    %scan3A = arith.constant 0 : i32
    %scan3A_3 = arith.constant 0 : i32
    %scan3A_4 = arith.constant 416 : i32
    %scan3A_5 = arith.addi %scan3A_3, %scan3A_4 : i32
    %scan3A_6 = arith.constant 1 : i32
    scf.for %scan3A_19 = %scan3A_3 to %scan3A_5 step %scan3A_6  : i32 {
      %shift_right_logical3A = arith.constant 5 : i32
      %shift_right_logical3A_20 = arith.shrui %scan3A_19, %shift_right_logical3A : i32
      %dma_start3A = arith.constant 0 : i32
      %dma_start3A_21 = tpu.memref_slice %arg7[%scan3A_19, %dma_start3A] : memref<416x128xf32, #tpu.memory_space<vmem>> -> memref<1x128xf32, #tpu.memory_space<vmem>>
      %dma_start3A_22 = tpu.memref_squeeze %dma_start3A_21 : memref<1x128xf32, #tpu.memory_space<vmem>> -> memref<128xf32, #tpu.memory_space<vmem>>
      %dma_start3A_23 = arith.constant 0 : i32
      %dma_start3A_24 = tpu.memref_slice %arg6[%shift_right_logical3A_20, %dma_start3A_23] : memref<13x128xi32, #tpu.memory_space<vmem>> -> memref<1x128xi32, #tpu.memory_space<vmem>>
      %dma_start3A_25 = tpu.memref_squeeze %dma_start3A_24 : memref<1x128xi32, #tpu.memory_space<vmem>> -> memref<128xi32, #tpu.memory_space<vmem>>
      %dma_start3A_26 = arith.constant 0 : i32
      %dma_start3A_27 = tpu.memref_slice %arg3[%scan3A_19, %dma_start3A_26] : memref<416x100000xf32, #tpu.memory_space<hbm>> -> memref<1x100000xf32, #tpu.memory_space<hbm>>
      %dma_start3A_28 = tpu.memref_squeeze %dma_start3A_27 : memref<1x100000xf32, #tpu.memory_space<hbm>> -> memref<100000xf32, #tpu.memory_space<hbm>>
      %dma_start3A_29 = arith.constant 0 : i32
      %dma_start3A_30 = tpu.memref_slice %dma_start3A_28[%dma_start3A_29] : memref<100000xf32, #tpu.memory_space<hbm>> -> memref<100000xf32, #tpu.memory_space<hbm>>
      tpu.enqueue_indirect_dma source(%dma_start3A_30 : memref<100000xf32, #tpu.memory_space<hbm>>) target(%dma_start3A_22 : memref<128xf32, #tpu.memory_space<vmem>>) offsets(%dma_start3A_25 : memref<128xi32, #tpu.memory_space<vmem>>) semaphore(%arg10 : memref<!tpu.dma_semaphore, #tpu.memory_space<semaphore_mem>>)
    }
    %scan3A_7 = arith.constant 416 : i32
    %dma_wait3A = arith.constant 0 : i32
    %dma_wait3A_8 = arith.constant 0 : i32
    %dma_wait3A_9 = tpu.memref_slice %arg3[%dma_wait3A, %dma_wait3A_8] : memref<416x100000xf32, #tpu.memory_space<hbm>> -> memref<416x128xf32, #tpu.memory_space<hbm>>
    %dma_wait3A_10 = arith.constant 0 : i32
    %dma_wait3A_11 = arith.constant 0 : i32
    %dma_wait3A_12 = tpu.memref_slice %arg3[%dma_wait3A_10, %dma_wait3A_11] : memref<416x100000xf32, #tpu.memory_space<hbm>> -> memref<416x128xf32, #tpu.memory_space<hbm>>
    tpu.wait_dma2 semaphore(%arg10 : memref<!tpu.dma_semaphore, #tpu.memory_space<semaphore_mem>>) src(%dma_wait3A_12 : memref<416x128xf32, #tpu.memory_space<hbm>>) dst(%arg7 : memref<416x128xf32, #tpu.memory_space<vmem>>)
    %scan3A_13 = arith.constant 0 : i32
    %scan3A_14 = arith.constant 0 : i32
    %scan3A_15 = arith.constant 8 : i32
    %scan3A_16 = arith.addi %scan3A_14, %scan3A_15 : i32
    %scan3A_17 = arith.constant 1 : i32
    scf.for %scan3A_19 = %scan3A_14 to %scan3A_16 step %scan3A_17  : i32 {
      %mul3A_20 = arith.constant 16 : i32
      %mul3A_21 = arith.muli %scan3A_19, %mul3A_20 : i32
      %broadcast_in_dim3A = arith.constant 0.000000e+00 : f32
      %broadcast_in_dim3A_22 = vector.broadcast %broadcast_in_dim3A : f32 to vector<16xf32>
      %scan3A_23 = arith.constant 0 : i32
      %scan3A_24 = arith.constant 32 : i32
      %scan3A_25 = arith.addi %scan3A_23, %scan3A_24 : i32
      %scan3A_26 = arith.constant 1 : i32
      %scan3A_27 = scf.for %scan3A_32 = %scan3A_23 to %scan3A_25 step %scan3A_26 iter_args(%scan3A_33 = %broadcast_in_dim3A_22) -> (vector<16xf32>)  : i32 {
        %broadcast_in_dim3A_34 = arith.constant 0.000000e+00 : f32
        %broadcast_in_dim3A_35 = vector.broadcast %broadcast_in_dim3A_34 : f32 to vector<16xf32>
        %broadcast_in_dim3A_36 = arith.constant 0.000000e+00 : f32
        %broadcast_in_dim3A_37 = vector.broadcast %broadcast_in_dim3A_36 : f32 to vector<16xf32>
        %add3A_38 = arith.constant 0 : i32
        %add3A_39 = arith.addi %add3A_38, %scan3A_32 : i32
        %get3A = arith.index_cast %add3A_39 : i32 to index
        %get3A_40 = arith.index_cast %mul3A_21 : i32 to index
        %get3A_41 = tpu.vector_load %arg7[%get3A, %get3A_40] {strides = array<i32>} : memref<416x128xf32, #tpu.memory_space<vmem>>, vector<16xf32>,
        %add3A_42 = arith.addf %broadcast_in_dim3A_35, %get3A_41 : vector<16xf32>
        %mul3A_43 = arith.mulf %get3A_41, %get3A_41 : vector<16xf32>
        %add3A_44 = arith.addf %broadcast_in_dim3A_37, %mul3A_43 : vector<16xf32>
        %add3A_45 = arith.constant 32 : i32
        %add3A_46 = arith.addi %add3A_45, %scan3A_32 : i32
        %get3A_47 = arith.index_cast %add3A_46 : i32 to index
        %get3A_48 = arith.index_cast %mul3A_21 : i32 to index
        %get3A_49 = tpu.vector_load %arg7[%get3A_47, %get3A_48] {strides = array<i32>} : memref<416x128xf32, #tpu.memory_space<vmem>>, vector<16xf32>,
        %add3A_50 = arith.addf %add3A_42, %get3A_49 : vector<16xf32>
        %mul3A_51 = arith.mulf %get3A_49, %get3A_49 : vector<16xf32>
        %add3A_52 = arith.addf %add3A_44, %mul3A_51 : vector<16xf32>
        %add3A_53 = arith.constant 64 : i32
        %add3A_54 = arith.addi %add3A_53, %scan3A_32 : i32
        %get3A_55 = arith.index_cast %add3A_54 : i32 to index
        %get3A_56 = arith.index_cast %mul3A_21 : i32 to index
        %get3A_57 = tpu.vector_load %arg7[%get3A_55, %get3A_56] {strides = array<i32>} : memref<416x128xf32, #tpu.memory_space<vmem>>, vector<16xf32>,
        %add3A_58 = arith.addf %add3A_50, %get3A_57 : vector<16xf32>
        %mul3A_59 = arith.mulf %get3A_57, %get3A_57 : vector<16xf32>
        %add3A_60 = arith.addf %add3A_52, %mul3A_59 : vector<16xf32>
        %add3A_61 = arith.constant 96 : i32
        %add3A_62 = arith.addi %add3A_61, %scan3A_32 : i32
        %get3A_63 = arith.index_cast %add3A_62 : i32 to index
        %get3A_64 = arith.index_cast %mul3A_21 : i32 to index
        %get3A_65 = tpu.vector_load %arg7[%get3A_63, %get3A_64] {strides = array<i32>} : memref<416x128xf32, #tpu.memory_space<vmem>>, vector<16xf32>,
        %add3A_66 = arith.addf %add3A_58, %get3A_65 : vector<16xf32>
        %mul3A_67 = arith.mulf %get3A_65, %get3A_65 : vector<16xf32>
        %add3A_68 = arith.addf %add3A_60, %mul3A_67 : vector<16xf32>
        %add3A_69 = arith.constant 128 : i32
        %add3A_70 = arith.addi %add3A_69, %scan3A_32 : i32
        %get3A_71 = arith.index_cast %add3A_70 : i32 to index
        %get3A_72 = arith.index_cast %mul3A_21 : i32 to index
        %get3A_73 = tpu.vector_load %arg7[%get3A_71, %get3A_72] {strides = array<i32>} : memref<416x128xf32, #tpu.memory_space<vmem>>, vector<16xf32>,
        %add3A_74 = arith.addf %add3A_66, %get3A_73 : vector<16xf32>
        %mul3A_75 = arith.mulf %get3A_73, %get3A_73 : vector<16xf32>
        %add3A_76 = arith.addf %add3A_68, %mul3A_75 : vector<16xf32>
        %add3A_77 = arith.constant 160 : i32
        %add3A_78 = arith.addi %add3A_77, %scan3A_32 : i32
        %get3A_79 = arith.index_cast %add3A_78 : i32 to index
        %get3A_80 = arith.index_cast %mul3A_21 : i32 to index
        %get3A_81 = tpu.vector_load %arg7[%get3A_79, %get3A_80] {strides = array<i32>} : memref<416x128xf32, #tpu.memory_space<vmem>>, vector<16xf32>,
        %add3A_82 = arith.addf %add3A_74, %get3A_81 : vector<16xf32>
        %mul3A_83 = arith.mulf %get3A_81, %get3A_81 : vector<16xf32>
        %add3A_84 = arith.addf %add3A_76, %mul3A_83 : vector<16xf32>
        %add3A_85 = arith.constant 192 : i32
        %add3A_86 = arith.addi %add3A_85, %scan3A_32 : i32
        %get3A_87 = arith.index_cast %add3A_86 : i32 to index
        %get3A_88 = arith.index_cast %mul3A_21 : i32 to index
        %get3A_89 = tpu.vector_load %arg7[%get3A_87, %get3A_88] {strides = array<i32>} : memref<416x128xf32, #tpu.memory_space<vmem>>, vector<16xf32>,
        %add3A_90 = arith.addf %add3A_82, %get3A_89 : vector<16xf32>
        %mul3A_91 = arith.mulf %get3A_89, %get3A_89 : vector<16xf32>
        %add3A_92 = arith.addf %add3A_84, %mul3A_91 : vector<16xf32>
        %add3A_93 = arith.constant 224 : i32
        %add3A_94 = arith.addi %add3A_93, %scan3A_32 : i32
        %get3A_95 = arith.index_cast %add3A_94 : i32 to index
        %get3A_96 = arith.index_cast %mul3A_21 : i32 to index
        %get3A_97 = tpu.vector_load %arg7[%get3A_95, %get3A_96] {strides = array<i32>} : memref<416x128xf32, #tpu.memory_space<vmem>>, vector<16xf32>,
        %add3A_98 = arith.addf %add3A_90, %get3A_97 : vector<16xf32>
        %mul3A_99 = arith.mulf %get3A_97, %get3A_97 : vector<16xf32>
        %add3A_100 = arith.addf %add3A_92, %mul3A_99 : vector<16xf32>
        %add3A_101 = arith.constant 256 : i32
        %add3A_102 = arith.addi %add3A_101, %scan3A_32 : i32
        %get3A_103 = arith.index_cast %add3A_102 : i32 to index
        %get3A_104 = arith.index_cast %mul3A_21 : i32 to index
        %get3A_105 = tpu.vector_load %arg7[%get3A_103, %get3A_104] {strides = array<i32>} : memref<416x128xf32, #tpu.memory_space<vmem>>, vector<16xf32>,
        %add3A_106 = arith.addf %add3A_98, %get3A_105 : vector<16xf32>
        %mul3A_107 = arith.mulf %get3A_105, %get3A_105 : vector<16xf32>
        %add3A_108 = arith.addf %add3A_100, %mul3A_107 : vector<16xf32>
        %add3A_109 = arith.constant 288 : i32
        %add3A_110 = arith.addi %add3A_109, %scan3A_32 : i32
        %get3A_111 = arith.index_cast %add3A_110 : i32 to index
        %get3A_112 = arith.index_cast %mul3A_21 : i32 to index
        %get3A_113 = tpu.vector_load %arg7[%get3A_111, %get3A_112] {strides = array<i32>} : memref<416x128xf32, #tpu.memory_space<vmem>>, vector<16xf32>,
        %add3A_114 = arith.addf %add3A_106, %get3A_113 : vector<16xf32>
        %mul3A_115 = arith.mulf %get3A_113, %get3A_113 : vector<16xf32>
        %add3A_116 = arith.addf %add3A_108, %mul3A_115 : vector<16xf32>
        %add3A_117 = arith.constant 320 : i32
        %add3A_118 = arith.addi %add3A_117, %scan3A_32 : i32
        %get3A_119 = arith.index_cast %add3A_118 : i32 to index
        %get3A_120 = arith.index_cast %mul3A_21 : i32 to index
        %get3A_121 = tpu.vector_load %arg7[%get3A_119, %get3A_120] {strides = array<i32>} : memref<416x128xf32, #tpu.memory_space<vmem>>, vector<16xf32>,
        %add3A_122 = arith.addf %add3A_114, %get3A_121 : vector<16xf32>
        %mul3A_123 = arith.mulf %get3A_121, %get3A_121 : vector<16xf32>
        %add3A_124 = arith.addf %add3A_116, %mul3A_123 : vector<16xf32>
        %add3A_125 = arith.constant 352 : i32
        %add3A_126 = arith.addi %add3A_125, %scan3A_32 : i32
        %get3A_127 = arith.index_cast %add3A_126 : i32 to index
        %get3A_128 = arith.index_cast %mul3A_21 : i32 to index
        %get3A_129 = tpu.vector_load %arg7[%get3A_127, %get3A_128] {strides = array<i32>} : memref<416x128xf32, #tpu.memory_space<vmem>>, vector<16xf32>,
        %add3A_130 = arith.addf %add3A_122, %get3A_129 : vector<16xf32>
        %mul3A_131 = arith.mulf %get3A_129, %get3A_129 : vector<16xf32>
        %add3A_132 = arith.addf %add3A_124, %mul3A_131 : vector<16xf32>
        %add3A_133 = arith.constant 384 : i32
        %add3A_134 = arith.addi %add3A_133, %scan3A_32 : i32
        %get3A_135 = arith.index_cast %add3A_134 : i32 to index
        %get3A_136 = arith.index_cast %mul3A_21 : i32 to index
        %get3A_137 = tpu.vector_load %arg7[%get3A_135, %get3A_136] {strides = array<i32>} : memref<416x128xf32, #tpu.memory_space<vmem>>, vector<16xf32>,
        %add3A_138 = arith.addf %add3A_130, %get3A_137 : vector<16xf32>
        %mul3A_139 = arith.mulf %get3A_137, %get3A_137 : vector<16xf32>
        %add3A_140 = arith.addf %add3A_132, %mul3A_139 : vector<16xf32>
        %swap3A_141 = arith.index_cast %scan3A_32 : i32 to index
        %swap3A_142 = arith.index_cast %mul3A_21 : i32 to index
        %swap3A_143 = tpu.vector_load %arg8[%swap3A_141, %swap3A_142] {strides = array<i32>} : memref<32x128xf32, #tpu.memory_space<vmem>>, vector<16xf32>,
        tpu.vector_store %arg8[%swap3A_141, %swap3A_142], %add3A_138 {strides = array<i32>} : memref<32x128xf32, #tpu.memory_space<vmem>>, vector<16xf32>,
        %add3A_144 = arith.addf %scan3A_33, %add3A_140 : vector<16xf32>
        scf.yield %add3A_144 : vector<16xf32>
      }
      %scan3A_28 = arith.constant 32 : i32
      %swap3A = arith.constant 0 : i32
      %swap3A_29 = arith.index_cast %swap3A : i32 to index
      %swap3A_30 = arith.index_cast %mul3A_21 : i32 to index
      %swap3A_31 = tpu.vector_load %arg9[%swap3A_29, %swap3A_30] {strides = array<i32>} : memref<1x128xf32, #tpu.memory_space<vmem>>, vector<16xf32>,
      tpu.vector_store %arg9[%swap3A_29, %swap3A_30], %scan3A_27 {strides = array<i32>} : memref<1x128xf32, #tpu.memory_space<vmem>>, vector<16xf32>,
    }
    %scan3A_18 = arith.constant 8 : i32
    "tpu.region"() ({
      %run_scoped3A = tpu.sem_alloc : memref<!tpu.dma_semaphore, #tpu.memory_space<semaphore_mem>>
      %dma_start3A = arith.constant 0 : i32
      %dma_start3A_19 = arith.constant 0 : i32
      %dma_start3A_20 = tpu.memref_slice %arg4[%add3A, %dma_start3A, %dma_start3A_19] : memref<32x32x128xf32, #tpu.memory_space<hbm>> -> memref<1x32x128xf32, #tpu.memory_space<hbm>>
      %dma_start3A_21 = tpu.memref_squeeze %dma_start3A_20 : memref<1x32x128xf32, #tpu.memory_space<hbm>> -> memref<32x128xf32, #tpu.memory_space<hbm>>
      %dma_start3A_22 = arith.constant 0 : i32
      %dma_start3A_23 = arith.constant 0 : i32
      %dma_start3A_24 = tpu.memref_slice %arg4[%add3A, %dma_start3A_22, %dma_start3A_23] : memref<32x32x128xf32, #tpu.memory_space<hbm>> -> memref<1x32x128xf32, #tpu.memory_space<hbm>>
      %dma_start3A_25 = tpu.memref_squeeze %dma_start3A_24 : memref<1x32x128xf32, #tpu.memory_space<hbm>> -> memref<32x128xf32, #tpu.memory_space<hbm>>
      tpu.enqueue_dma source(%arg8 : memref<32x128xf32, #tpu.memory_space<vmem>>) target(%dma_start3A_25 : memref<32x128xf32, #tpu.memory_space<hbm>>) target_semaphore(%run_scoped3A : memref<!tpu.dma_semaphore, #tpu.memory_space<semaphore_mem>>)
      %dma_wait3A_26 = arith.constant 0 : i32
      %dma_wait3A_27 = arith.constant 0 : i32
      %dma_wait3A_28 = tpu.memref_slice %arg4[%add3A, %dma_wait3A_26, %dma_wait3A_27] : memref<32x32x128xf32, #tpu.memory_space<hbm>> -> memref<1x32x128xf32, #tpu.memory_space<hbm>>
      %dma_wait3A_29 = tpu.memref_squeeze %dma_wait3A_28 : memref<1x32x128xf32, #tpu.memory_space<hbm>> -> memref<32x128xf32, #tpu.memory_space<hbm>>
      %dma_wait3A_30 = arith.constant 0 : i32
      %dma_wait3A_31 = arith.constant 0 : i32
      %dma_wait3A_32 = tpu.memref_slice %arg4[%add3A, %dma_wait3A_30, %dma_wait3A_31] : memref<32x32x128xf32, #tpu.memory_space<hbm>> -> memref<1x32x128xf32, #tpu.memory_space<hbm>>
      %dma_wait3A_33 = tpu.memref_squeeze %dma_wait3A_32 : memref<1x32x128xf32, #tpu.memory_space<hbm>> -> memref<32x128xf32, #tpu.memory_space<hbm>>
      tpu.wait_dma2 semaphore(%run_scoped3A : memref<!tpu.dma_semaphore, #tpu.memory_space<semaphore_mem>>) src(%arg8 : memref<32x128xf32, #tpu.memory_space<vmem>>) dst(%dma_wait3A_33 : memref<32x128xf32, #tpu.memory_space<hbm>>)
      tpu.yield
    }) : () -> ()
    "tpu.region"() ({
      %run_scoped3A = tpu.sem_alloc : memref<!tpu.dma_semaphore, #tpu.memory_space<semaphore_mem>>
      %dma_start3A = arith.constant 0 : i32
      %dma_start3A_19 = arith.constant 0 : i32
      %dma_start3A_20 = tpu.memref_slice %arg5[%add3A, %dma_start3A, %dma_start3A_19] : memref<32x1x128xf32, #tpu.memory_space<hbm>> -> memref<1x1x128xf32, #tpu.memory_space<hbm>>
      %dma_start3A_21 = tpu.memref_squeeze %dma_start3A_20 : memref<1x1x128xf32, #tpu.memory_space<hbm>> -> memref<1x128xf32, #tpu.memory_space<hbm>>
      %dma_start3A_22 = arith.constant 0 : i32
      %dma_start3A_23 = arith.constant 0 : i32
      %dma_start3A_24 = tpu.memref_slice %arg5[%add3A, %dma_start3A_22, %dma_start3A_23] : memref<32x1x128xf32, #tpu.memory_space<hbm>> -> memref<1x1x128xf32, #tpu.memory_space<hbm>>
      %dma_start3A_25 = tpu.memref_squeeze %dma_start3A_24 : memref<1x1x128xf32, #tpu.memory_space<hbm>> -> memref<1x128xf32, #tpu.memory_space<hbm>>
      tpu.enqueue_dma source(%arg9 : memref<1x128xf32, #tpu.memory_space<vmem>>) target(%dma_start3A_25 : memref<1x128xf32, #tpu.memory_space<hbm>>) target_semaphore(%run_scoped3A : memref<!tpu.dma_semaphore, #tpu.memory_space<semaphore_mem>>)
      %dma_wait3A_26 = arith.constant 0 : i32
      %dma_wait3A_27 = arith.constant 0 : i32
      %dma_wait3A_28 = tpu.memref_slice %arg5[%add3A, %dma_wait3A_26, %dma_wait3A_27] : memref<32x1x128xf32, #tpu.memory_space<hbm>> -> memref<1x1x128xf32, #tpu.memory_space<hbm>>
      %dma_wait3A_29 = tpu.memref_squeeze %dma_wait3A_28 : memref<1x1x128xf32, #tpu.memory_space<hbm>> -> memref<1x128xf32, #tpu.memory_space<hbm>>
      %dma_wait3A_30 = arith.constant 0 : i32
      %dma_wait3A_31 = arith.constant 0 : i32
      %dma_wait3A_32 = tpu.memref_slice %arg5[%add3A, %dma_wait3A_30, %dma_wait3A_31] : memref<32x1x128xf32, #tpu.memory_space<hbm>> -> memref<1x1x128xf32, #tpu.memory_space<hbm>>
      %dma_wait3A_33 = tpu.memref_squeeze %dma_wait3A_32 : memref<1x1x128xf32, #tpu.memory_space<hbm>> -> memref<1x128xf32, #tpu.memory_space<hbm>>
      tpu.wait_dma2 semaphore(%run_scoped3A : memref<!tpu.dma_semaphore, #tpu.memory_space<semaphore_mem>>) src(%arg9 : memref<1x128xf32, #tpu.memory_space<vmem>>) dst(%dma_wait3A_33 : memref<1x128xf32, #tpu.memory_space<hbm>>)
      tpu.yield
    }) : () -> ()
    return
  }
}

#map = affine_map<(d0, d1) -> (0, 0)>
#map1 = affine_map<(d0, d1) -> (0, 0, 0)>
module attributes {stable_mosaic.version = 14 : i64} {
  func.func @body(%arg0: i32, %arg1: i32, %arg2: memref<26x4096xi32, #tpu.memory_space<hbm>>, %arg3: memref<416x100000xf32, #tpu.memory_space<hbm>>, %arg4: memref<26x100000xf32, #tpu.memory_space<hbm>>, %arg5: memref<32x32x128xf32, #tpu.memory_space<hbm>>, %arg6: memref<32x1x128xf32, #tpu.memory_space<hbm>>, %arg7: memref<32x1x128xf32, #tpu.memory_space<hbm>>, %arg8: memref<26x128xi32, #tpu.memory_space<vmem>>, %arg9: memref<416x128xf32, #tpu.memory_space<vmem>>, %arg10: memref<26x128xf32, #tpu.memory_space<vmem>>, %arg11: memref<32x128xf32, #tpu.memory_space<vmem>>, %arg12: memref<1x128xf32, #tpu.memory_space<vmem>>, %arg13: memref<1x128xf32, #tpu.memory_space<vmem>>, %arg14: memref<!tpu.dma_semaphore, #tpu.memory_space<semaphore_mem>>, %arg15: memref<!tpu.dma_semaphore, #tpu.memory_space<semaphore_mem>>) attributes {dimension_semantics = [#tpu.dimension_semantics<core_parallel>, #tpu.dimension_semantics<subcore_parallel>], iteration_bounds = array<i64: 2, 16>, scalar_prefetch = 0 : i64, scratch_operands = 8 : i64, tpu.core_type = #tpu.core_type<sc_vector_subcore>, window_params = [{transform_indices = #map}, {transform_indices = #map}, {transform_indices = #map}, {transform_indices = #map1}, {transform_indices = #map1}, {transform_indices = #map1}]} {
    %mul3A = arith.constant 2 : i32
    %mul3A_0 = arith.muli %arg1, %mul3A : i32
    %add3A = arith.addi %mul3A_0, %arg0 : i32
    %mul3A_1 = arith.constant 128 : i32
    %mul3A_2 = arith.muli %add3A, %mul3A_1 : i32
    "tpu.region"() ({
      %run_scoped3A = tpu.sem_alloc : memref<!tpu.dma_semaphore, #tpu.memory_space<semaphore_mem>>
      %dma_start3A_388 = arith.constant 0 : i32
      %dma_start3A_389 = tpu.memref_slice %arg2[%dma_start3A_388, %mul3A_2] : memref<26x4096xi32, #tpu.memory_space<hbm>> -> memref<26x128xi32, #tpu.memory_space<hbm>>
      %dma_start3A_390 = arith.constant 0 : i32
      %dma_start3A_391 = tpu.memref_slice %arg2[%dma_start3A_390, %mul3A_2] : memref<26x4096xi32, #tpu.memory_space<hbm>> -> memref<26x128xi32, #tpu.memory_space<hbm>>
      tpu.enqueue_dma source(%dma_start3A_391 : memref<26x128xi32, #tpu.memory_space<hbm>>) target(%arg8 : memref<26x128xi32, #tpu.memory_space<vmem>>) target_semaphore(%run_scoped3A : memref<!tpu.dma_semaphore, #tpu.memory_space<semaphore_mem>>)
      %dma_wait3A_392 = arith.constant 0 : i32
      %dma_wait3A_393 = tpu.memref_slice %arg2[%dma_wait3A_392, %mul3A_2] : memref<26x4096xi32, #tpu.memory_space<hbm>> -> memref<26x128xi32, #tpu.memory_space<hbm>>
      %dma_wait3A_394 = arith.constant 0 : i32
      %dma_wait3A_395 = tpu.memref_slice %arg2[%dma_wait3A_394, %mul3A_2] : memref<26x4096xi32, #tpu.memory_space<hbm>> -> memref<26x128xi32, #tpu.memory_space<hbm>>
      tpu.wait_dma2 semaphore(%run_scoped3A : memref<!tpu.dma_semaphore, #tpu.memory_space<semaphore_mem>>) src(%dma_wait3A_395 : memref<26x128xi32, #tpu.memory_space<hbm>>) dst(%arg8 : memref<26x128xi32, #tpu.memory_space<vmem>>)
      tpu.yield
    }) : () -> ()
    %dma_start3A = arith.constant 0 : i32
    %dma_start3A_3 = arith.constant 0 : i32
    %dma_start3A_4 = arith.constant 0 : i32
    %dma_start3A_5 = arith.constant 0 : i32
    %dma_start3A_6 = tpu.memref_slice %arg10[%dma_start3A_4, %dma_start3A_5] : memref<26x128xf32, #tpu.memory_space<vmem>> -> memref<1x128xf32, #tpu.memory_space<vmem>>
    %dma_start3A_7 = tpu.memref_squeeze %dma_start3A_6 : memref<1x128xf32, #tpu.memory_space<vmem>> -> memref<128xf32, #tpu.memory_space<vmem>>
    %dma_start3A_8 = arith.constant 0 : i32
    %dma_start3A_9 = tpu.memref_slice %arg8[%dma_start3A_3, %dma_start3A_8] : memref<26x128xi32, #tpu.memory_space<vmem>> -> memref<1x128xi32, #tpu.memory_space<vmem>>
    %dma_start3A_10 = tpu.memref_squeeze %dma_start3A_9 : memref<1x128xi32, #tpu.memory_space<vmem>> -> memref<128xi32, #tpu.memory_space<vmem>>
    %dma_start3A_11 = arith.constant 0 : i32
    %dma_start3A_12 = tpu.memref_slice %arg4[%dma_start3A, %dma_start3A_11] : memref<26x100000xf32, #tpu.memory_space<hbm>> -> memref<1x100000xf32, #tpu.memory_space<hbm>>
    %dma_start3A_13 = tpu.memref_squeeze %dma_start3A_12 : memref<1x100000xf32, #tpu.memory_space<hbm>> -> memref<100000xf32, #tpu.memory_space<hbm>>
    %dma_start3A_14 = arith.constant 0 : i32
    %dma_start3A_15 = tpu.memref_slice %dma_start3A_13[%dma_start3A_14] : memref<100000xf32, #tpu.memory_space<hbm>> -> memref<100000xf32, #tpu.memory_space<hbm>>
    tpu.enqueue_indirect_dma source(%dma_start3A_15 : memref<100000xf32, #tpu.memory_space<hbm>>) target(%dma_start3A_7 : memref<128xf32, #tpu.memory_space<vmem>>) offsets(%dma_start3A_10 : memref<128xi32, #tpu.memory_space<vmem>>) semaphore(%arg15 : memref<!tpu.dma_semaphore, #tpu.memory_space<semaphore_mem>>)
    %dma_start3A_16 = arith.constant 1 : i32
    %dma_start3A_17 = arith.constant 1 : i32
    %dma_start3A_18 = arith.constant 1 : i32
    %dma_start3A_19 = arith.constant 0 : i32
    %dma_start3A_20 = tpu.memref_slice %arg10[%dma_start3A_18, %dma_start3A_19] : memref<26x128xf32, #tpu.memory_space<vmem>> -> memref<1x128xf32, #tpu.memory_space<vmem>>
    %dma_start3A_21 = tpu.memref_squeeze %dma_start3A_20 : memref<1x128xf32, #tpu.memory_space<vmem>> -> memref<128xf32, #tpu.memory_space<vmem>>
    %dma_start3A_22 = arith.constant 0 : i32
    %dma_start3A_23 = tpu.memref_slice %arg8[%dma_start3A_17, %dma_start3A_22] : memref<26x128xi32, #tpu.memory_space<vmem>> -> memref<1x128xi32, #tpu.memory_space<vmem>>
    %dma_start3A_24 = tpu.memref_squeeze %dma_start3A_23 : memref<1x128xi32, #tpu.memory_space<vmem>> -> memref<128xi32, #tpu.memory_space<vmem>>
    %dma_start3A_25 = arith.constant 0 : i32
    %dma_start3A_26 = tpu.memref_slice %arg4[%dma_start3A_16, %dma_start3A_25] : memref<26x100000xf32, #tpu.memory_space<hbm>> -> memref<1x100000xf32, #tpu.memory_space<hbm>>
    %dma_start3A_27 = tpu.memref_squeeze %dma_start3A_26 : memref<1x100000xf32, #tpu.memory_space<hbm>> -> memref<100000xf32, #tpu.memory_space<hbm>>
    %dma_start3A_28 = arith.constant 0 : i32
    %dma_start3A_29 = tpu.memref_slice %dma_start3A_27[%dma_start3A_28] : memref<100000xf32, #tpu.memory_space<hbm>> -> memref<100000xf32, #tpu.memory_space<hbm>>
    tpu.enqueue_indirect_dma source(%dma_start3A_29 : memref<100000xf32, #tpu.memory_space<hbm>>) target(%dma_start3A_21 : memref<128xf32, #tpu.memory_space<vmem>>) offsets(%dma_start3A_24 : memref<128xi32, #tpu.memory_space<vmem>>) semaphore(%arg15 : memref<!tpu.dma_semaphore, #tpu.memory_space<semaphore_mem>>)
    %dma_start3A_30 = arith.constant 2 : i32
    %dma_start3A_31 = arith.constant 2 : i32
    %dma_start3A_32 = arith.constant 2 : i32
    %dma_start3A_33 = arith.constant 0 : i32
    %dma_start3A_34 = tpu.memref_slice %arg10[%dma_start3A_32, %dma_start3A_33] : memref<26x128xf32, #tpu.memory_space<vmem>> -> memref<1x128xf32, #tpu.memory_space<vmem>>
    %dma_start3A_35 = tpu.memref_squeeze %dma_start3A_34 : memref<1x128xf32, #tpu.memory_space<vmem>> -> memref<128xf32, #tpu.memory_space<vmem>>
    %dma_start3A_36 = arith.constant 0 : i32
    %dma_start3A_37 = tpu.memref_slice %arg8[%dma_start3A_31, %dma_start3A_36] : memref<26x128xi32, #tpu.memory_space<vmem>> -> memref<1x128xi32, #tpu.memory_space<vmem>>
    %dma_start3A_38 = tpu.memref_squeeze %dma_start3A_37 : memref<1x128xi32, #tpu.memory_space<vmem>> -> memref<128xi32, #tpu.memory_space<vmem>>
    %dma_start3A_39 = arith.constant 0 : i32
    %dma_start3A_40 = tpu.memref_slice %arg4[%dma_start3A_30, %dma_start3A_39] : memref<26x100000xf32, #tpu.memory_space<hbm>> -> memref<1x100000xf32, #tpu.memory_space<hbm>>
    %dma_start3A_41 = tpu.memref_squeeze %dma_start3A_40 : memref<1x100000xf32, #tpu.memory_space<hbm>> -> memref<100000xf32, #tpu.memory_space<hbm>>
    %dma_start3A_42 = arith.constant 0 : i32
    %dma_start3A_43 = tpu.memref_slice %dma_start3A_41[%dma_start3A_42] : memref<100000xf32, #tpu.memory_space<hbm>> -> memref<100000xf32, #tpu.memory_space<hbm>>
    tpu.enqueue_indirect_dma source(%dma_start3A_43 : memref<100000xf32, #tpu.memory_space<hbm>>) target(%dma_start3A_35 : memref<128xf32, #tpu.memory_space<vmem>>) offsets(%dma_start3A_38 : memref<128xi32, #tpu.memory_space<vmem>>) semaphore(%arg15 : memref<!tpu.dma_semaphore, #tpu.memory_space<semaphore_mem>>)
    %dma_start3A_44 = arith.constant 3 : i32
    %dma_start3A_45 = arith.constant 3 : i32
    %dma_start3A_46 = arith.constant 3 : i32
    %dma_start3A_47 = arith.constant 0 : i32
    %dma_start3A_48 = tpu.memref_slice %arg10[%dma_start3A_46, %dma_start3A_47] : memref<26x128xf32, #tpu.memory_space<vmem>> -> memref<1x128xf32, #tpu.memory_space<vmem>>
    %dma_start3A_49 = tpu.memref_squeeze %dma_start3A_48 : memref<1x128xf32, #tpu.memory_space<vmem>> -> memref<128xf32, #tpu.memory_space<vmem>>
    %dma_start3A_50 = arith.constant 0 : i32
    %dma_start3A_51 = tpu.memref_slice %arg8[%dma_start3A_45, %dma_start3A_50] : memref<26x128xi32, #tpu.memory_space<vmem>> -> memref<1x128xi32, #tpu.memory_space<vmem>>
    %dma_start3A_52 = tpu.memref_squeeze %dma_start3A_51 : memref<1x128xi32, #tpu.memory_space<vmem>> -> memref<128xi32, #tpu.memory_space<vmem>>
    %dma_start3A_53 = arith.constant 0 : i32
    %dma_start3A_54 = tpu.memref_slice %arg4[%dma_start3A_44, %dma_start3A_53] : memref<26x100000xf32, #tpu.memory_space<hbm>> -> memref<1x100000xf32, #tpu.memory_space<hbm>>
    %dma_start3A_55 = tpu.memref_squeeze %dma_start3A_54 : memref<1x100000xf32, #tpu.memory_space<hbm>> -> memref<100000xf32, #tpu.memory_space<hbm>>
    %dma_start3A_56 = arith.constant 0 : i32
    %dma_start3A_57 = tpu.memref_slice %dma_start3A_55[%dma_start3A_56] : memref<100000xf32, #tpu.memory_space<hbm>> -> memref<100000xf32, #tpu.memory_space<hbm>>
    tpu.enqueue_indirect_dma source(%dma_start3A_57 : memref<100000xf32, #tpu.memory_space<hbm>>) target(%dma_start3A_49 : memref<128xf32, #tpu.memory_space<vmem>>) offsets(%dma_start3A_52 : memref<128xi32, #tpu.memory_space<vmem>>) semaphore(%arg15 : memref<!tpu.dma_semaphore, #tpu.memory_space<semaphore_mem>>)
    %dma_start3A_58 = arith.constant 4 : i32
    %dma_start3A_59 = arith.constant 4 : i32
    %dma_start3A_60 = arith.constant 4 : i32
    %dma_start3A_61 = arith.constant 0 : i32
    %dma_start3A_62 = tpu.memref_slice %arg10[%dma_start3A_60, %dma_start3A_61] : memref<26x128xf32, #tpu.memory_space<vmem>> -> memref<1x128xf32, #tpu.memory_space<vmem>>
    %dma_start3A_63 = tpu.memref_squeeze %dma_start3A_62 : memref<1x128xf32, #tpu.memory_space<vmem>> -> memref<128xf32, #tpu.memory_space<vmem>>
    %dma_start3A_64 = arith.constant 0 : i32
    %dma_start3A_65 = tpu.memref_slice %arg8[%dma_start3A_59, %dma_start3A_64] : memref<26x128xi32, #tpu.memory_space<vmem>> -> memref<1x128xi32, #tpu.memory_space<vmem>>
    %dma_start3A_66 = tpu.memref_squeeze %dma_start3A_65 : memref<1x128xi32, #tpu.memory_space<vmem>> -> memref<128xi32, #tpu.memory_space<vmem>>
    %dma_start3A_67 = arith.constant 0 : i32
    %dma_start3A_68 = tpu.memref_slice %arg4[%dma_start3A_58, %dma_start3A_67] : memref<26x100000xf32, #tpu.memory_space<hbm>> -> memref<1x100000xf32, #tpu.memory_space<hbm>>
    %dma_start3A_69 = tpu.memref_squeeze %dma_start3A_68 : memref<1x100000xf32, #tpu.memory_space<hbm>> -> memref<100000xf32, #tpu.memory_space<hbm>>
    %dma_start3A_70 = arith.constant 0 : i32
    %dma_start3A_71 = tpu.memref_slice %dma_start3A_69[%dma_start3A_70] : memref<100000xf32, #tpu.memory_space<hbm>> -> memref<100000xf32, #tpu.memory_space<hbm>>
    tpu.enqueue_indirect_dma source(%dma_start3A_71 : memref<100000xf32, #tpu.memory_space<hbm>>) target(%dma_start3A_63 : memref<128xf32, #tpu.memory_space<vmem>>) offsets(%dma_start3A_66 : memref<128xi32, #tpu.memory_space<vmem>>) semaphore(%arg15 : memref<!tpu.dma_semaphore, #tpu.memory_space<semaphore_mem>>)
    %dma_start3A_72 = arith.constant 5 : i32
    %dma_start3A_73 = arith.constant 5 : i32
    %dma_start3A_74 = arith.constant 5 : i32
    %dma_start3A_75 = arith.constant 0 : i32
    %dma_start3A_76 = tpu.memref_slice %arg10[%dma_start3A_74, %dma_start3A_75] : memref<26x128xf32, #tpu.memory_space<vmem>> -> memref<1x128xf32, #tpu.memory_space<vmem>>
    %dma_start3A_77 = tpu.memref_squeeze %dma_start3A_76 : memref<1x128xf32, #tpu.memory_space<vmem>> -> memref<128xf32, #tpu.memory_space<vmem>>
    %dma_start3A_78 = arith.constant 0 : i32
    %dma_start3A_79 = tpu.memref_slice %arg8[%dma_start3A_73, %dma_start3A_78] : memref<26x128xi32, #tpu.memory_space<vmem>> -> memref<1x128xi32, #tpu.memory_space<vmem>>
    %dma_start3A_80 = tpu.memref_squeeze %dma_start3A_79 : memref<1x128xi32, #tpu.memory_space<vmem>> -> memref<128xi32, #tpu.memory_space<vmem>>
    %dma_start3A_81 = arith.constant 0 : i32
    %dma_start3A_82 = tpu.memref_slice %arg4[%dma_start3A_72, %dma_start3A_81] : memref<26x100000xf32, #tpu.memory_space<hbm>> -> memref<1x100000xf32, #tpu.memory_space<hbm>>
    %dma_start3A_83 = tpu.memref_squeeze %dma_start3A_82 : memref<1x100000xf32, #tpu.memory_space<hbm>> -> memref<100000xf32, #tpu.memory_space<hbm>>
    %dma_start3A_84 = arith.constant 0 : i32
    %dma_start3A_85 = tpu.memref_slice %dma_start3A_83[%dma_start3A_84] : memref<100000xf32, #tpu.memory_space<hbm>> -> memref<100000xf32, #tpu.memory_space<hbm>>
    tpu.enqueue_indirect_dma source(%dma_start3A_85 : memref<100000xf32, #tpu.memory_space<hbm>>) target(%dma_start3A_77 : memref<128xf32, #tpu.memory_space<vmem>>) offsets(%dma_start3A_80 : memref<128xi32, #tpu.memory_space<vmem>>) semaphore(%arg15 : memref<!tpu.dma_semaphore, #tpu.memory_space<semaphore_mem>>)
    %dma_start3A_86 = arith.constant 6 : i32
    %dma_start3A_87 = arith.constant 6 : i32
    %dma_start3A_88 = arith.constant 6 : i32
    %dma_start3A_89 = arith.constant 0 : i32
    %dma_start3A_90 = tpu.memref_slice %arg10[%dma_start3A_88, %dma_start3A_89] : memref<26x128xf32, #tpu.memory_space<vmem>> -> memref<1x128xf32, #tpu.memory_space<vmem>>
    %dma_start3A_91 = tpu.memref_squeeze %dma_start3A_90 : memref<1x128xf32, #tpu.memory_space<vmem>> -> memref<128xf32, #tpu.memory_space<vmem>>
    %dma_start3A_92 = arith.constant 0 : i32
    %dma_start3A_93 = tpu.memref_slice %arg8[%dma_start3A_87, %dma_start3A_92] : memref<26x128xi32, #tpu.memory_space<vmem>> -> memref<1x128xi32, #tpu.memory_space<vmem>>
    %dma_start3A_94 = tpu.memref_squeeze %dma_start3A_93 : memref<1x128xi32, #tpu.memory_space<vmem>> -> memref<128xi32, #tpu.memory_space<vmem>>
    %dma_start3A_95 = arith.constant 0 : i32
    %dma_start3A_96 = tpu.memref_slice %arg4[%dma_start3A_86, %dma_start3A_95] : memref<26x100000xf32, #tpu.memory_space<hbm>> -> memref<1x100000xf32, #tpu.memory_space<hbm>>
    %dma_start3A_97 = tpu.memref_squeeze %dma_start3A_96 : memref<1x100000xf32, #tpu.memory_space<hbm>> -> memref<100000xf32, #tpu.memory_space<hbm>>
    %dma_start3A_98 = arith.constant 0 : i32
    %dma_start3A_99 = tpu.memref_slice %dma_start3A_97[%dma_start3A_98] : memref<100000xf32, #tpu.memory_space<hbm>> -> memref<100000xf32, #tpu.memory_space<hbm>>
    tpu.enqueue_indirect_dma source(%dma_start3A_99 : memref<100000xf32, #tpu.memory_space<hbm>>) target(%dma_start3A_91 : memref<128xf32, #tpu.memory_space<vmem>>) offsets(%dma_start3A_94 : memref<128xi32, #tpu.memory_space<vmem>>) semaphore(%arg15 : memref<!tpu.dma_semaphore, #tpu.memory_space<semaphore_mem>>)
    %dma_start3A_100 = arith.constant 7 : i32
    %dma_start3A_101 = arith.constant 7 : i32
    %dma_start3A_102 = arith.constant 7 : i32
    %dma_start3A_103 = arith.constant 0 : i32
    %dma_start3A_104 = tpu.memref_slice %arg10[%dma_start3A_102, %dma_start3A_103] : memref<26x128xf32, #tpu.memory_space<vmem>> -> memref<1x128xf32, #tpu.memory_space<vmem>>
    %dma_start3A_105 = tpu.memref_squeeze %dma_start3A_104 : memref<1x128xf32, #tpu.memory_space<vmem>> -> memref<128xf32, #tpu.memory_space<vmem>>
    %dma_start3A_106 = arith.constant 0 : i32
    %dma_start3A_107 = tpu.memref_slice %arg8[%dma_start3A_101, %dma_start3A_106] : memref<26x128xi32, #tpu.memory_space<vmem>> -> memref<1x128xi32, #tpu.memory_space<vmem>>
    %dma_start3A_108 = tpu.memref_squeeze %dma_start3A_107 : memref<1x128xi32, #tpu.memory_space<vmem>> -> memref<128xi32, #tpu.memory_space<vmem>>
    %dma_start3A_109 = arith.constant 0 : i32
    %dma_start3A_110 = tpu.memref_slice %arg4[%dma_start3A_100, %dma_start3A_109] : memref<26x100000xf32, #tpu.memory_space<hbm>> -> memref<1x100000xf32, #tpu.memory_space<hbm>>
    %dma_start3A_111 = tpu.memref_squeeze %dma_start3A_110 : memref<1x100000xf32, #tpu.memory_space<hbm>> -> memref<100000xf32, #tpu.memory_space<hbm>>
    %dma_start3A_112 = arith.constant 0 : i32
    %dma_start3A_113 = tpu.memref_slice %dma_start3A_111[%dma_start3A_112] : memref<100000xf32, #tpu.memory_space<hbm>> -> memref<100000xf32, #tpu.memory_space<hbm>>
    tpu.enqueue_indirect_dma source(%dma_start3A_113 : memref<100000xf32, #tpu.memory_space<hbm>>) target(%dma_start3A_105 : memref<128xf32, #tpu.memory_space<vmem>>) offsets(%dma_start3A_108 : memref<128xi32, #tpu.memory_space<vmem>>) semaphore(%arg15 : memref<!tpu.dma_semaphore, #tpu.memory_space<semaphore_mem>>)
    %dma_start3A_114 = arith.constant 8 : i32
    %dma_start3A_115 = arith.constant 8 : i32
    %dma_start3A_116 = arith.constant 8 : i32
    %dma_start3A_117 = arith.constant 0 : i32
    %dma_start3A_118 = tpu.memref_slice %arg10[%dma_start3A_116, %dma_start3A_117] : memref<26x128xf32, #tpu.memory_space<vmem>> -> memref<1x128xf32, #tpu.memory_space<vmem>>
    %dma_start3A_119 = tpu.memref_squeeze %dma_start3A_118 : memref<1x128xf32, #tpu.memory_space<vmem>> -> memref<128xf32, #tpu.memory_space<vmem>>
    %dma_start3A_120 = arith.constant 0 : i32
    %dma_start3A_121 = tpu.memref_slice %arg8[%dma_start3A_115, %dma_start3A_120] : memref<26x128xi32, #tpu.memory_space<vmem>> -> memref<1x128xi32, #tpu.memory_space<vmem>>
    %dma_start3A_122 = tpu.memref_squeeze %dma_start3A_121 : memref<1x128xi32, #tpu.memory_space<vmem>> -> memref<128xi32, #tpu.memory_space<vmem>>
    %dma_start3A_123 = arith.constant 0 : i32
    %dma_start3A_124 = tpu.memref_slice %arg4[%dma_start3A_114, %dma_start3A_123] : memref<26x100000xf32, #tpu.memory_space<hbm>> -> memref<1x100000xf32, #tpu.memory_space<hbm>>
    %dma_start3A_125 = tpu.memref_squeeze %dma_start3A_124 : memref<1x100000xf32, #tpu.memory_space<hbm>> -> memref<100000xf32, #tpu.memory_space<hbm>>
    %dma_start3A_126 = arith.constant 0 : i32
    %dma_start3A_127 = tpu.memref_slice %dma_start3A_125[%dma_start3A_126] : memref<100000xf32, #tpu.memory_space<hbm>> -> memref<100000xf32, #tpu.memory_space<hbm>>
    tpu.enqueue_indirect_dma source(%dma_start3A_127 : memref<100000xf32, #tpu.memory_space<hbm>>) target(%dma_start3A_119 : memref<128xf32, #tpu.memory_space<vmem>>) offsets(%dma_start3A_122 : memref<128xi32, #tpu.memory_space<vmem>>) semaphore(%arg15 : memref<!tpu.dma_semaphore, #tpu.memory_space<semaphore_mem>>)
    %dma_start3A_128 = arith.constant 9 : i32
    %dma_start3A_129 = arith.constant 9 : i32
    %dma_start3A_130 = arith.constant 9 : i32
    %dma_start3A_131 = arith.constant 0 : i32
    %dma_start3A_132 = tpu.memref_slice %arg10[%dma_start3A_130, %dma_start3A_131] : memref<26x128xf32, #tpu.memory_space<vmem>> -> memref<1x128xf32, #tpu.memory_space<vmem>>
    %dma_start3A_133 = tpu.memref_squeeze %dma_start3A_132 : memref<1x128xf32, #tpu.memory_space<vmem>> -> memref<128xf32, #tpu.memory_space<vmem>>
    %dma_start3A_134 = arith.constant 0 : i32
    %dma_start3A_135 = tpu.memref_slice %arg8[%dma_start3A_129, %dma_start3A_134] : memref<26x128xi32, #tpu.memory_space<vmem>> -> memref<1x128xi32, #tpu.memory_space<vmem>>
    %dma_start3A_136 = tpu.memref_squeeze %dma_start3A_135 : memref<1x128xi32, #tpu.memory_space<vmem>> -> memref<128xi32, #tpu.memory_space<vmem>>
    %dma_start3A_137 = arith.constant 0 : i32
    %dma_start3A_138 = tpu.memref_slice %arg4[%dma_start3A_128, %dma_start3A_137] : memref<26x100000xf32, #tpu.memory_space<hbm>> -> memref<1x100000xf32, #tpu.memory_space<hbm>>
    %dma_start3A_139 = tpu.memref_squeeze %dma_start3A_138 : memref<1x100000xf32, #tpu.memory_space<hbm>> -> memref<100000xf32, #tpu.memory_space<hbm>>
    %dma_start3A_140 = arith.constant 0 : i32
    %dma_start3A_141 = tpu.memref_slice %dma_start3A_139[%dma_start3A_140] : memref<100000xf32, #tpu.memory_space<hbm>> -> memref<100000xf32, #tpu.memory_space<hbm>>
    tpu.enqueue_indirect_dma source(%dma_start3A_141 : memref<100000xf32, #tpu.memory_space<hbm>>) target(%dma_start3A_133 : memref<128xf32, #tpu.memory_space<vmem>>) offsets(%dma_start3A_136 : memref<128xi32, #tpu.memory_space<vmem>>) semaphore(%arg15 : memref<!tpu.dma_semaphore, #tpu.memory_space<semaphore_mem>>)
    %dma_start3A_142 = arith.constant 10 : i32
    %dma_start3A_143 = arith.constant 10 : i32
    %dma_start3A_144 = arith.constant 10 : i32
    %dma_start3A_145 = arith.constant 0 : i32
    %dma_start3A_146 = tpu.memref_slice %arg10[%dma_start3A_144, %dma_start3A_145] : memref<26x128xf32, #tpu.memory_space<vmem>> -> memref<1x128xf32, #tpu.memory_space<vmem>>
    %dma_start3A_147 = tpu.memref_squeeze %dma_start3A_146 : memref<1x128xf32, #tpu.memory_space<vmem>> -> memref<128xf32, #tpu.memory_space<vmem>>
    %dma_start3A_148 = arith.constant 0 : i32
    %dma_start3A_149 = tpu.memref_slice %arg8[%dma_start3A_143, %dma_start3A_148] : memref<26x128xi32, #tpu.memory_space<vmem>> -> memref<1x128xi32, #tpu.memory_space<vmem>>
    %dma_start3A_150 = tpu.memref_squeeze %dma_start3A_149 : memref<1x128xi32, #tpu.memory_space<vmem>> -> memref<128xi32, #tpu.memory_space<vmem>>
    %dma_start3A_151 = arith.constant 0 : i32
    %dma_start3A_152 = tpu.memref_slice %arg4[%dma_start3A_142, %dma_start3A_151] : memref<26x100000xf32, #tpu.memory_space<hbm>> -> memref<1x100000xf32, #tpu.memory_space<hbm>>
    %dma_start3A_153 = tpu.memref_squeeze %dma_start3A_152 : memref<1x100000xf32, #tpu.memory_space<hbm>> -> memref<100000xf32, #tpu.memory_space<hbm>>
    %dma_start3A_154 = arith.constant 0 : i32
    %dma_start3A_155 = tpu.memref_slice %dma_start3A_153[%dma_start3A_154] : memref<100000xf32, #tpu.memory_space<hbm>> -> memref<100000xf32, #tpu.memory_space<hbm>>
    tpu.enqueue_indirect_dma source(%dma_start3A_155 : memref<100000xf32, #tpu.memory_space<hbm>>) target(%dma_start3A_147 : memref<128xf32, #tpu.memory_space<vmem>>) offsets(%dma_start3A_150 : memref<128xi32, #tpu.memory_space<vmem>>) semaphore(%arg15 : memref<!tpu.dma_semaphore, #tpu.memory_space<semaphore_mem>>)
    %dma_start3A_156 = arith.constant 11 : i32
    %dma_start3A_157 = arith.constant 11 : i32
    %dma_start3A_158 = arith.constant 11 : i32
    %dma_start3A_159 = arith.constant 0 : i32
    %dma_start3A_160 = tpu.memref_slice %arg10[%dma_start3A_158, %dma_start3A_159] : memref<26x128xf32, #tpu.memory_space<vmem>> -> memref<1x128xf32, #tpu.memory_space<vmem>>
    %dma_start3A_161 = tpu.memref_squeeze %dma_start3A_160 : memref<1x128xf32, #tpu.memory_space<vmem>> -> memref<128xf32, #tpu.memory_space<vmem>>
    %dma_start3A_162 = arith.constant 0 : i32
    %dma_start3A_163 = tpu.memref_slice %arg8[%dma_start3A_157, %dma_start3A_162] : memref<26x128xi32, #tpu.memory_space<vmem>> -> memref<1x128xi32, #tpu.memory_space<vmem>>
    %dma_start3A_164 = tpu.memref_squeeze %dma_start3A_163 : memref<1x128xi32, #tpu.memory_space<vmem>> -> memref<128xi32, #tpu.memory_space<vmem>>
    %dma_start3A_165 = arith.constant 0 : i32
    %dma_start3A_166 = tpu.memref_slice %arg4[%dma_start3A_156, %dma_start3A_165] : memref<26x100000xf32, #tpu.memory_space<hbm>> -> memref<1x100000xf32, #tpu.memory_space<hbm>>
    %dma_start3A_167 = tpu.memref_squeeze %dma_start3A_166 : memref<1x100000xf32, #tpu.memory_space<hbm>> -> memref<100000xf32, #tpu.memory_space<hbm>>
    %dma_start3A_168 = arith.constant 0 : i32
    %dma_start3A_169 = tpu.memref_slice %dma_start3A_167[%dma_start3A_168] : memref<100000xf32, #tpu.memory_space<hbm>> -> memref<100000xf32, #tpu.memory_space<hbm>>
    tpu.enqueue_indirect_dma source(%dma_start3A_169 : memref<100000xf32, #tpu.memory_space<hbm>>) target(%dma_start3A_161 : memref<128xf32, #tpu.memory_space<vmem>>) offsets(%dma_start3A_164 : memref<128xi32, #tpu.memory_space<vmem>>) semaphore(%arg15 : memref<!tpu.dma_semaphore, #tpu.memory_space<semaphore_mem>>)
    %dma_start3A_170 = arith.constant 12 : i32
    %dma_start3A_171 = arith.constant 12 : i32
    %dma_start3A_172 = arith.constant 12 : i32
    %dma_start3A_173 = arith.constant 0 : i32
    %dma_start3A_174 = tpu.memref_slice %arg10[%dma_start3A_172, %dma_start3A_173] : memref<26x128xf32, #tpu.memory_space<vmem>> -> memref<1x128xf32, #tpu.memory_space<vmem>>
    %dma_start3A_175 = tpu.memref_squeeze %dma_start3A_174 : memref<1x128xf32, #tpu.memory_space<vmem>> -> memref<128xf32, #tpu.memory_space<vmem>>
    %dma_start3A_176 = arith.constant 0 : i32
    %dma_start3A_177 = tpu.memref_slice %arg8[%dma_start3A_171, %dma_start3A_176] : memref<26x128xi32, #tpu.memory_space<vmem>> -> memref<1x128xi32, #tpu.memory_space<vmem>>
    %dma_start3A_178 = tpu.memref_squeeze %dma_start3A_177 : memref<1x128xi32, #tpu.memory_space<vmem>> -> memref<128xi32, #tpu.memory_space<vmem>>
    %dma_start3A_179 = arith.constant 0 : i32
    %dma_start3A_180 = tpu.memref_slice %arg4[%dma_start3A_170, %dma_start3A_179] : memref<26x100000xf32, #tpu.memory_space<hbm>> -> memref<1x100000xf32, #tpu.memory_space<hbm>>
    %dma_start3A_181 = tpu.memref_squeeze %dma_start3A_180 : memref<1x100000xf32, #tpu.memory_space<hbm>> -> memref<100000xf32, #tpu.memory_space<hbm>>
    %dma_start3A_182 = arith.constant 0 : i32
    %dma_start3A_183 = tpu.memref_slice %dma_start3A_181[%dma_start3A_182] : memref<100000xf32, #tpu.memory_space<hbm>> -> memref<100000xf32, #tpu.memory_space<hbm>>
    tpu.enqueue_indirect_dma source(%dma_start3A_183 : memref<100000xf32, #tpu.memory_space<hbm>>) target(%dma_start3A_175 : memref<128xf32, #tpu.memory_space<vmem>>) offsets(%dma_start3A_178 : memref<128xi32, #tpu.memory_space<vmem>>) semaphore(%arg15 : memref<!tpu.dma_semaphore, #tpu.memory_space<semaphore_mem>>)
    %dma_start3A_184 = arith.constant 13 : i32
    %dma_start3A_185 = arith.constant 13 : i32
    %dma_start3A_186 = arith.constant 13 : i32
    %dma_start3A_187 = arith.constant 0 : i32
    %dma_start3A_188 = tpu.memref_slice %arg10[%dma_start3A_186, %dma_start3A_187] : memref<26x128xf32, #tpu.memory_space<vmem>> -> memref<1x128xf32, #tpu.memory_space<vmem>>
    %dma_start3A_189 = tpu.memref_squeeze %dma_start3A_188 : memref<1x128xf32, #tpu.memory_space<vmem>> -> memref<128xf32, #tpu.memory_space<vmem>>
    %dma_start3A_190 = arith.constant 0 : i32
    %dma_start3A_191 = tpu.memref_slice %arg8[%dma_start3A_185, %dma_start3A_190] : memref<26x128xi32, #tpu.memory_space<vmem>> -> memref<1x128xi32, #tpu.memory_space<vmem>>
    %dma_start3A_192 = tpu.memref_squeeze %dma_start3A_191 : memref<1x128xi32, #tpu.memory_space<vmem>> -> memref<128xi32, #tpu.memory_space<vmem>>
    %dma_start3A_193 = arith.constant 0 : i32
    %dma_start3A_194 = tpu.memref_slice %arg4[%dma_start3A_184, %dma_start3A_193] : memref<26x100000xf32, #tpu.memory_space<hbm>> -> memref<1x100000xf32, #tpu.memory_space<hbm>>
    %dma_start3A_195 = tpu.memref_squeeze %dma_start3A_194 : memref<1x100000xf32, #tpu.memory_space<hbm>> -> memref<100000xf32, #tpu.memory_space<hbm>>
    %dma_start3A_196 = arith.constant 0 : i32
    %dma_start3A_197 = tpu.memref_slice %dma_start3A_195[%dma_start3A_196] : memref<100000xf32, #tpu.memory_space<hbm>> -> memref<100000xf32, #tpu.memory_space<hbm>>
    tpu.enqueue_indirect_dma source(%dma_start3A_197 : memref<100000xf32, #tpu.memory_space<hbm>>) target(%dma_start3A_189 : memref<128xf32, #tpu.memory_space<vmem>>) offsets(%dma_start3A_192 : memref<128xi32, #tpu.memory_space<vmem>>) semaphore(%arg15 : memref<!tpu.dma_semaphore, #tpu.memory_space<semaphore_mem>>)
    %dma_start3A_198 = arith.constant 14 : i32
    %dma_start3A_199 = arith.constant 14 : i32
    %dma_start3A_200 = arith.constant 14 : i32
    %dma_start3A_201 = arith.constant 0 : i32
    %dma_start3A_202 = tpu.memref_slice %arg10[%dma_start3A_200, %dma_start3A_201] : memref<26x128xf32, #tpu.memory_space<vmem>> -> memref<1x128xf32, #tpu.memory_space<vmem>>
    %dma_start3A_203 = tpu.memref_squeeze %dma_start3A_202 : memref<1x128xf32, #tpu.memory_space<vmem>> -> memref<128xf32, #tpu.memory_space<vmem>>
    %dma_start3A_204 = arith.constant 0 : i32
    %dma_start3A_205 = tpu.memref_slice %arg8[%dma_start3A_199, %dma_start3A_204] : memref<26x128xi32, #tpu.memory_space<vmem>> -> memref<1x128xi32, #tpu.memory_space<vmem>>
    %dma_start3A_206 = tpu.memref_squeeze %dma_start3A_205 : memref<1x128xi32, #tpu.memory_space<vmem>> -> memref<128xi32, #tpu.memory_space<vmem>>
    %dma_start3A_207 = arith.constant 0 : i32
    %dma_start3A_208 = tpu.memref_slice %arg4[%dma_start3A_198, %dma_start3A_207] : memref<26x100000xf32, #tpu.memory_space<hbm>> -> memref<1x100000xf32, #tpu.memory_space<hbm>>
    %dma_start3A_209 = tpu.memref_squeeze %dma_start3A_208 : memref<1x100000xf32, #tpu.memory_space<hbm>> -> memref<100000xf32, #tpu.memory_space<hbm>>
    %dma_start3A_210 = arith.constant 0 : i32
    %dma_start3A_211 = tpu.memref_slice %dma_start3A_209[%dma_start3A_210] : memref<100000xf32, #tpu.memory_space<hbm>> -> memref<100000xf32, #tpu.memory_space<hbm>>
    tpu.enqueue_indirect_dma source(%dma_start3A_211 : memref<100000xf32, #tpu.memory_space<hbm>>) target(%dma_start3A_203 : memref<128xf32, #tpu.memory_space<vmem>>) offsets(%dma_start3A_206 : memref<128xi32, #tpu.memory_space<vmem>>) semaphore(%arg15 : memref<!tpu.dma_semaphore, #tpu.memory_space<semaphore_mem>>)
    %dma_start3A_212 = arith.constant 15 : i32
    %dma_start3A_213 = arith.constant 15 : i32
    %dma_start3A_214 = arith.constant 15 : i32
    %dma_start3A_215 = arith.constant 0 : i32
    %dma_start3A_216 = tpu.memref_slice %arg10[%dma_start3A_214, %dma_start3A_215] : memref<26x128xf32, #tpu.memory_space<vmem>> -> memref<1x128xf32, #tpu.memory_space<vmem>>
    %dma_start3A_217 = tpu.memref_squeeze %dma_start3A_216 : memref<1x128xf32, #tpu.memory_space<vmem>> -> memref<128xf32, #tpu.memory_space<vmem>>
    %dma_start3A_218 = arith.constant 0 : i32
    %dma_start3A_219 = tpu.memref_slice %arg8[%dma_start3A_213, %dma_start3A_218] : memref<26x128xi32, #tpu.memory_space<vmem>> -> memref<1x128xi32, #tpu.memory_space<vmem>>
    %dma_start3A_220 = tpu.memref_squeeze %dma_start3A_219 : memref<1x128xi32, #tpu.memory_space<vmem>> -> memref<128xi32, #tpu.memory_space<vmem>>
    %dma_start3A_221 = arith.constant 0 : i32
    %dma_start3A_222 = tpu.memref_slice %arg4[%dma_start3A_212, %dma_start3A_221] : memref<26x100000xf32, #tpu.memory_space<hbm>> -> memref<1x100000xf32, #tpu.memory_space<hbm>>
    %dma_start3A_223 = tpu.memref_squeeze %dma_start3A_222 : memref<1x100000xf32, #tpu.memory_space<hbm>> -> memref<100000xf32, #tpu.memory_space<hbm>>
    %dma_start3A_224 = arith.constant 0 : i32
    %dma_start3A_225 = tpu.memref_slice %dma_start3A_223[%dma_start3A_224] : memref<100000xf32, #tpu.memory_space<hbm>> -> memref<100000xf32, #tpu.memory_space<hbm>>
    tpu.enqueue_indirect_dma source(%dma_start3A_225 : memref<100000xf32, #tpu.memory_space<hbm>>) target(%dma_start3A_217 : memref<128xf32, #tpu.memory_space<vmem>>) offsets(%dma_start3A_220 : memref<128xi32, #tpu.memory_space<vmem>>) semaphore(%arg15 : memref<!tpu.dma_semaphore, #tpu.memory_space<semaphore_mem>>)
    %dma_start3A_226 = arith.constant 16 : i32
    %dma_start3A_227 = arith.constant 16 : i32
    %dma_start3A_228 = arith.constant 16 : i32
    %dma_start3A_229 = arith.constant 0 : i32
    %dma_start3A_230 = tpu.memref_slice %arg10[%dma_start3A_228, %dma_start3A_229] : memref<26x128xf32, #tpu.memory_space<vmem>> -> memref<1x128xf32, #tpu.memory_space<vmem>>
    %dma_start3A_231 = tpu.memref_squeeze %dma_start3A_230 : memref<1x128xf32, #tpu.memory_space<vmem>> -> memref<128xf32, #tpu.memory_space<vmem>>
    %dma_start3A_232 = arith.constant 0 : i32
    %dma_start3A_233 = tpu.memref_slice %arg8[%dma_start3A_227, %dma_start3A_232] : memref<26x128xi32, #tpu.memory_space<vmem>> -> memref<1x128xi32, #tpu.memory_space<vmem>>
    %dma_start3A_234 = tpu.memref_squeeze %dma_start3A_233 : memref<1x128xi32, #tpu.memory_space<vmem>> -> memref<128xi32, #tpu.memory_space<vmem>>
    %dma_start3A_235 = arith.constant 0 : i32
    %dma_start3A_236 = tpu.memref_slice %arg4[%dma_start3A_226, %dma_start3A_235] : memref<26x100000xf32, #tpu.memory_space<hbm>> -> memref<1x100000xf32, #tpu.memory_space<hbm>>
    %dma_start3A_237 = tpu.memref_squeeze %dma_start3A_236 : memref<1x100000xf32, #tpu.memory_space<hbm>> -> memref<100000xf32, #tpu.memory_space<hbm>>
    %dma_start3A_238 = arith.constant 0 : i32
    %dma_start3A_239 = tpu.memref_slice %dma_start3A_237[%dma_start3A_238] : memref<100000xf32, #tpu.memory_space<hbm>> -> memref<100000xf32, #tpu.memory_space<hbm>>
    tpu.enqueue_indirect_dma source(%dma_start3A_239 : memref<100000xf32, #tpu.memory_space<hbm>>) target(%dma_start3A_231 : memref<128xf32, #tpu.memory_space<vmem>>) offsets(%dma_start3A_234 : memref<128xi32, #tpu.memory_space<vmem>>) semaphore(%arg15 : memref<!tpu.dma_semaphore, #tpu.memory_space<semaphore_mem>>)
    %dma_start3A_240 = arith.constant 17 : i32
    %dma_start3A_241 = arith.constant 17 : i32
    %dma_start3A_242 = arith.constant 17 : i32
    %dma_start3A_243 = arith.constant 0 : i32
    %dma_start3A_244 = tpu.memref_slice %arg10[%dma_start3A_242, %dma_start3A_243] : memref<26x128xf32, #tpu.memory_space<vmem>> -> memref<1x128xf32, #tpu.memory_space<vmem>>
    %dma_start3A_245 = tpu.memref_squeeze %dma_start3A_244 : memref<1x128xf32, #tpu.memory_space<vmem>> -> memref<128xf32, #tpu.memory_space<vmem>>
    %dma_start3A_246 = arith.constant 0 : i32
    %dma_start3A_247 = tpu.memref_slice %arg8[%dma_start3A_241, %dma_start3A_246] : memref<26x128xi32, #tpu.memory_space<vmem>> -> memref<1x128xi32, #tpu.memory_space<vmem>>
    %dma_start3A_248 = tpu.memref_squeeze %dma_start3A_247 : memref<1x128xi32, #tpu.memory_space<vmem>> -> memref<128xi32, #tpu.memory_space<vmem>>
    %dma_start3A_249 = arith.constant 0 : i32
    %dma_start3A_250 = tpu.memref_slice %arg4[%dma_start3A_240, %dma_start3A_249] : memref<26x100000xf32, #tpu.memory_space<hbm>> -> memref<1x100000xf32, #tpu.memory_space<hbm>>
    %dma_start3A_251 = tpu.memref_squeeze %dma_start3A_250 : memref<1x100000xf32, #tpu.memory_space<hbm>> -> memref<100000xf32, #tpu.memory_space<hbm>>
    %dma_start3A_252 = arith.constant 0 : i32
    %dma_start3A_253 = tpu.memref_slice %dma_start3A_251[%dma_start3A_252] : memref<100000xf32, #tpu.memory_space<hbm>> -> memref<100000xf32, #tpu.memory_space<hbm>>
    tpu.enqueue_indirect_dma source(%dma_start3A_253 : memref<100000xf32, #tpu.memory_space<hbm>>) target(%dma_start3A_245 : memref<128xf32, #tpu.memory_space<vmem>>) offsets(%dma_start3A_248 : memref<128xi32, #tpu.memory_space<vmem>>) semaphore(%arg15 : memref<!tpu.dma_semaphore, #tpu.memory_space<semaphore_mem>>)
    %dma_start3A_254 = arith.constant 18 : i32
    %dma_start3A_255 = arith.constant 18 : i32
    %dma_start3A_256 = arith.constant 18 : i32
    %dma_start3A_257 = arith.constant 0 : i32
    %dma_start3A_258 = tpu.memref_slice %arg10[%dma_start3A_256, %dma_start3A_257] : memref<26x128xf32, #tpu.memory_space<vmem>> -> memref<1x128xf32, #tpu.memory_space<vmem>>
    %dma_start3A_259 = tpu.memref_squeeze %dma_start3A_258 : memref<1x128xf32, #tpu.memory_space<vmem>> -> memref<128xf32, #tpu.memory_space<vmem>>
    %dma_start3A_260 = arith.constant 0 : i32
    %dma_start3A_261 = tpu.memref_slice %arg8[%dma_start3A_255, %dma_start3A_260] : memref<26x128xi32, #tpu.memory_space<vmem>> -> memref<1x128xi32, #tpu.memory_space<vmem>>
    %dma_start3A_262 = tpu.memref_squeeze %dma_start3A_261 : memref<1x128xi32, #tpu.memory_space<vmem>> -> memref<128xi32, #tpu.memory_space<vmem>>
    %dma_start3A_263 = arith.constant 0 : i32
    %dma_start3A_264 = tpu.memref_slice %arg4[%dma_start3A_254, %dma_start3A_263] : memref<26x100000xf32, #tpu.memory_space<hbm>> -> memref<1x100000xf32, #tpu.memory_space<hbm>>
    %dma_start3A_265 = tpu.memref_squeeze %dma_start3A_264 : memref<1x100000xf32, #tpu.memory_space<hbm>> -> memref<100000xf32, #tpu.memory_space<hbm>>
    %dma_start3A_266 = arith.constant 0 : i32
    %dma_start3A_267 = tpu.memref_slice %dma_start3A_265[%dma_start3A_266] : memref<100000xf32, #tpu.memory_space<hbm>> -> memref<100000xf32, #tpu.memory_space<hbm>>
    tpu.enqueue_indirect_dma source(%dma_start3A_267 : memref<100000xf32, #tpu.memory_space<hbm>>) target(%dma_start3A_259 : memref<128xf32, #tpu.memory_space<vmem>>) offsets(%dma_start3A_262 : memref<128xi32, #tpu.memory_space<vmem>>) semaphore(%arg15 : memref<!tpu.dma_semaphore, #tpu.memory_space<semaphore_mem>>)
    %dma_start3A_268 = arith.constant 19 : i32
    %dma_start3A_269 = arith.constant 19 : i32
    %dma_start3A_270 = arith.constant 19 : i32
    %dma_start3A_271 = arith.constant 0 : i32
    %dma_start3A_272 = tpu.memref_slice %arg10[%dma_start3A_270, %dma_start3A_271] : memref<26x128xf32, #tpu.memory_space<vmem>> -> memref<1x128xf32, #tpu.memory_space<vmem>>
    %dma_start3A_273 = tpu.memref_squeeze %dma_start3A_272 : memref<1x128xf32, #tpu.memory_space<vmem>> -> memref<128xf32, #tpu.memory_space<vmem>>
    %dma_start3A_274 = arith.constant 0 : i32
    %dma_start3A_275 = tpu.memref_slice %arg8[%dma_start3A_269, %dma_start3A_274] : memref<26x128xi32, #tpu.memory_space<vmem>> -> memref<1x128xi32, #tpu.memory_space<vmem>>
    %dma_start3A_276 = tpu.memref_squeeze %dma_start3A_275 : memref<1x128xi32, #tpu.memory_space<vmem>> -> memref<128xi32, #tpu.memory_space<vmem>>
    %dma_start3A_277 = arith.constant 0 : i32
    %dma_start3A_278 = tpu.memref_slice %arg4[%dma_start3A_268, %dma_start3A_277] : memref<26x100000xf32, #tpu.memory_space<hbm>> -> memref<1x100000xf32, #tpu.memory_space<hbm>>
    %dma_start3A_279 = tpu.memref_squeeze %dma_start3A_278 : memref<1x100000xf32, #tpu.memory_space<hbm>> -> memref<100000xf32, #tpu.memory_space<hbm>>
    %dma_start3A_280 = arith.constant 0 : i32
    %dma_start3A_281 = tpu.memref_slice %dma_start3A_279[%dma_start3A_280] : memref<100000xf32, #tpu.memory_space<hbm>> -> memref<100000xf32, #tpu.memory_space<hbm>>
    tpu.enqueue_indirect_dma source(%dma_start3A_281 : memref<100000xf32, #tpu.memory_space<hbm>>) target(%dma_start3A_273 : memref<128xf32, #tpu.memory_space<vmem>>) offsets(%dma_start3A_276 : memref<128xi32, #tpu.memory_space<vmem>>) semaphore(%arg15 : memref<!tpu.dma_semaphore, #tpu.memory_space<semaphore_mem>>)
    %dma_start3A_282 = arith.constant 20 : i32
    %dma_start3A_283 = arith.constant 20 : i32
    %dma_start3A_284 = arith.constant 20 : i32
    %dma_start3A_285 = arith.constant 0 : i32
    %dma_start3A_286 = tpu.memref_slice %arg10[%dma_start3A_284, %dma_start3A_285] : memref<26x128xf32, #tpu.memory_space<vmem>> -> memref<1x128xf32, #tpu.memory_space<vmem>>
    %dma_start3A_287 = tpu.memref_squeeze %dma_start3A_286 : memref<1x128xf32, #tpu.memory_space<vmem>> -> memref<128xf32, #tpu.memory_space<vmem>>
    %dma_start3A_288 = arith.constant 0 : i32
    %dma_start3A_289 = tpu.memref_slice %arg8[%dma_start3A_283, %dma_start3A_288] : memref<26x128xi32, #tpu.memory_space<vmem>> -> memref<1x128xi32, #tpu.memory_space<vmem>>
    %dma_start3A_290 = tpu.memref_squeeze %dma_start3A_289 : memref<1x128xi32, #tpu.memory_space<vmem>> -> memref<128xi32, #tpu.memory_space<vmem>>
    %dma_start3A_291 = arith.constant 0 : i32
    %dma_start3A_292 = tpu.memref_slice %arg4[%dma_start3A_282, %dma_start3A_291] : memref<26x100000xf32, #tpu.memory_space<hbm>> -> memref<1x100000xf32, #tpu.memory_space<hbm>>
    %dma_start3A_293 = tpu.memref_squeeze %dma_start3A_292 : memref<1x100000xf32, #tpu.memory_space<hbm>> -> memref<100000xf32, #tpu.memory_space<hbm>>
    %dma_start3A_294 = arith.constant 0 : i32
    %dma_start3A_295 = tpu.memref_slice %dma_start3A_293[%dma_start3A_294] : memref<100000xf32, #tpu.memory_space<hbm>> -> memref<100000xf32, #tpu.memory_space<hbm>>
    tpu.enqueue_indirect_dma source(%dma_start3A_295 : memref<100000xf32, #tpu.memory_space<hbm>>) target(%dma_start3A_287 : memref<128xf32, #tpu.memory_space<vmem>>) offsets(%dma_start3A_290 : memref<128xi32, #tpu.memory_space<vmem>>) semaphore(%arg15 : memref<!tpu.dma_semaphore, #tpu.memory_space<semaphore_mem>>)
    %dma_start3A_296 = arith.constant 21 : i32
    %dma_start3A_297 = arith.constant 21 : i32
    %dma_start3A_298 = arith.constant 21 : i32
    %dma_start3A_299 = arith.constant 0 : i32
    %dma_start3A_300 = tpu.memref_slice %arg10[%dma_start3A_298, %dma_start3A_299] : memref<26x128xf32, #tpu.memory_space<vmem>> -> memref<1x128xf32, #tpu.memory_space<vmem>>
    %dma_start3A_301 = tpu.memref_squeeze %dma_start3A_300 : memref<1x128xf32, #tpu.memory_space<vmem>> -> memref<128xf32, #tpu.memory_space<vmem>>
    %dma_start3A_302 = arith.constant 0 : i32
    %dma_start3A_303 = tpu.memref_slice %arg8[%dma_start3A_297, %dma_start3A_302] : memref<26x128xi32, #tpu.memory_space<vmem>> -> memref<1x128xi32, #tpu.memory_space<vmem>>
    %dma_start3A_304 = tpu.memref_squeeze %dma_start3A_303 : memref<1x128xi32, #tpu.memory_space<vmem>> -> memref<128xi32, #tpu.memory_space<vmem>>
    %dma_start3A_305 = arith.constant 0 : i32
    %dma_start3A_306 = tpu.memref_slice %arg4[%dma_start3A_296, %dma_start3A_305] : memref<26x100000xf32, #tpu.memory_space<hbm>> -> memref<1x100000xf32, #tpu.memory_space<hbm>>
    %dma_start3A_307 = tpu.memref_squeeze %dma_start3A_306 : memref<1x100000xf32, #tpu.memory_space<hbm>> -> memref<100000xf32, #tpu.memory_space<hbm>>
    %dma_start3A_308 = arith.constant 0 : i32
    %dma_start3A_309 = tpu.memref_slice %dma_start3A_307[%dma_start3A_308] : memref<100000xf32, #tpu.memory_space<hbm>> -> memref<100000xf32, #tpu.memory_space<hbm>>
    tpu.enqueue_indirect_dma source(%dma_start3A_309 : memref<100000xf32, #tpu.memory_space<hbm>>) target(%dma_start3A_301 : memref<128xf32, #tpu.memory_space<vmem>>) offsets(%dma_start3A_304 : memref<128xi32, #tpu.memory_space<vmem>>) semaphore(%arg15 : memref<!tpu.dma_semaphore, #tpu.memory_space<semaphore_mem>>)
    %dma_start3A_310 = arith.constant 22 : i32
    %dma_start3A_311 = arith.constant 22 : i32
    %dma_start3A_312 = arith.constant 22 : i32
    %dma_start3A_313 = arith.constant 0 : i32
    %dma_start3A_314 = tpu.memref_slice %arg10[%dma_start3A_312, %dma_start3A_313] : memref<26x128xf32, #tpu.memory_space<vmem>> -> memref<1x128xf32, #tpu.memory_space<vmem>>
    %dma_start3A_315 = tpu.memref_squeeze %dma_start3A_314 : memref<1x128xf32, #tpu.memory_space<vmem>> -> memref<128xf32, #tpu.memory_space<vmem>>
    %dma_start3A_316 = arith.constant 0 : i32
    %dma_start3A_317 = tpu.memref_slice %arg8[%dma_start3A_311, %dma_start3A_316] : memref<26x128xi32, #tpu.memory_space<vmem>> -> memref<1x128xi32, #tpu.memory_space<vmem>>
    %dma_start3A_318 = tpu.memref_squeeze %dma_start3A_317 : memref<1x128xi32, #tpu.memory_space<vmem>> -> memref<128xi32, #tpu.memory_space<vmem>>
    %dma_start3A_319 = arith.constant 0 : i32
    %dma_start3A_320 = tpu.memref_slice %arg4[%dma_start3A_310, %dma_start3A_319] : memref<26x100000xf32, #tpu.memory_space<hbm>> -> memref<1x100000xf32, #tpu.memory_space<hbm>>
    %dma_start3A_321 = tpu.memref_squeeze %dma_start3A_320 : memref<1x100000xf32, #tpu.memory_space<hbm>> -> memref<100000xf32, #tpu.memory_space<hbm>>
    %dma_start3A_322 = arith.constant 0 : i32
    %dma_start3A_323 = tpu.memref_slice %dma_start3A_321[%dma_start3A_322] : memref<100000xf32, #tpu.memory_space<hbm>> -> memref<100000xf32, #tpu.memory_space<hbm>>
    tpu.enqueue_indirect_dma source(%dma_start3A_323 : memref<100000xf32, #tpu.memory_space<hbm>>) target(%dma_start3A_315 : memref<128xf32, #tpu.memory_space<vmem>>) offsets(%dma_start3A_318 : memref<128xi32, #tpu.memory_space<vmem>>) semaphore(%arg15 : memref<!tpu.dma_semaphore, #tpu.memory_space<semaphore_mem>>)
    %dma_start3A_324 = arith.constant 23 : i32
    %dma_start3A_325 = arith.constant 23 : i32
    %dma_start3A_326 = arith.constant 23 : i32
    %dma_start3A_327 = arith.constant 0 : i32
    %dma_start3A_328 = tpu.memref_slice %arg10[%dma_start3A_326, %dma_start3A_327] : memref<26x128xf32, #tpu.memory_space<vmem>> -> memref<1x128xf32, #tpu.memory_space<vmem>>
    %dma_start3A_329 = tpu.memref_squeeze %dma_start3A_328 : memref<1x128xf32, #tpu.memory_space<vmem>> -> memref<128xf32, #tpu.memory_space<vmem>>
    %dma_start3A_330 = arith.constant 0 : i32
    %dma_start3A_331 = tpu.memref_slice %arg8[%dma_start3A_325, %dma_start3A_330] : memref<26x128xi32, #tpu.memory_space<vmem>> -> memref<1x128xi32, #tpu.memory_space<vmem>>
    %dma_start3A_332 = tpu.memref_squeeze %dma_start3A_331 : memref<1x128xi32, #tpu.memory_space<vmem>> -> memref<128xi32, #tpu.memory_space<vmem>>
    %dma_start3A_333 = arith.constant 0 : i32
    %dma_start3A_334 = tpu.memref_slice %arg4[%dma_start3A_324, %dma_start3A_333] : memref<26x100000xf32, #tpu.memory_space<hbm>> -> memref<1x100000xf32, #tpu.memory_space<hbm>>
    %dma_start3A_335 = tpu.memref_squeeze %dma_start3A_334 : memref<1x100000xf32, #tpu.memory_space<hbm>> -> memref<100000xf32, #tpu.memory_space<hbm>>
    %dma_start3A_336 = arith.constant 0 : i32
    %dma_start3A_337 = tpu.memref_slice %dma_start3A_335[%dma_start3A_336] : memref<100000xf32, #tpu.memory_space<hbm>> -> memref<100000xf32, #tpu.memory_space<hbm>>
    tpu.enqueue_indirect_dma source(%dma_start3A_337 : memref<100000xf32, #tpu.memory_space<hbm>>) target(%dma_start3A_329 : memref<128xf32, #tpu.memory_space<vmem>>) offsets(%dma_start3A_332 : memref<128xi32, #tpu.memory_space<vmem>>) semaphore(%arg15 : memref<!tpu.dma_semaphore, #tpu.memory_space<semaphore_mem>>)
    %dma_start3A_338 = arith.constant 24 : i32
    %dma_start3A_339 = arith.constant 24 : i32
    %dma_start3A_340 = arith.constant 24 : i32
    %dma_start3A_341 = arith.constant 0 : i32
    %dma_start3A_342 = tpu.memref_slice %arg10[%dma_start3A_340, %dma_start3A_341] : memref<26x128xf32, #tpu.memory_space<vmem>> -> memref<1x128xf32, #tpu.memory_space<vmem>>
    %dma_start3A_343 = tpu.memref_squeeze %dma_start3A_342 : memref<1x128xf32, #tpu.memory_space<vmem>> -> memref<128xf32, #tpu.memory_space<vmem>>
    %dma_start3A_344 = arith.constant 0 : i32
    %dma_start3A_345 = tpu.memref_slice %arg8[%dma_start3A_339, %dma_start3A_344] : memref<26x128xi32, #tpu.memory_space<vmem>> -> memref<1x128xi32, #tpu.memory_space<vmem>>
    %dma_start3A_346 = tpu.memref_squeeze %dma_start3A_345 : memref<1x128xi32, #tpu.memory_space<vmem>> -> memref<128xi32, #tpu.memory_space<vmem>>
    %dma_start3A_347 = arith.constant 0 : i32
    %dma_start3A_348 = tpu.memref_slice %arg4[%dma_start3A_338, %dma_start3A_347] : memref<26x100000xf32, #tpu.memory_space<hbm>> -> memref<1x100000xf32, #tpu.memory_space<hbm>>
    %dma_start3A_349 = tpu.memref_squeeze %dma_start3A_348 : memref<1x100000xf32, #tpu.memory_space<hbm>> -> memref<100000xf32, #tpu.memory_space<hbm>>
    %dma_start3A_350 = arith.constant 0 : i32
    %dma_start3A_351 = tpu.memref_slice %dma_start3A_349[%dma_start3A_350] : memref<100000xf32, #tpu.memory_space<hbm>> -> memref<100000xf32, #tpu.memory_space<hbm>>
    tpu.enqueue_indirect_dma source(%dma_start3A_351 : memref<100000xf32, #tpu.memory_space<hbm>>) target(%dma_start3A_343 : memref<128xf32, #tpu.memory_space<vmem>>) offsets(%dma_start3A_346 : memref<128xi32, #tpu.memory_space<vmem>>) semaphore(%arg15 : memref<!tpu.dma_semaphore, #tpu.memory_space<semaphore_mem>>)
    %dma_start3A_352 = arith.constant 25 : i32
    %dma_start3A_353 = arith.constant 25 : i32
    %dma_start3A_354 = arith.constant 25 : i32
    %dma_start3A_355 = arith.constant 0 : i32
    %dma_start3A_356 = tpu.memref_slice %arg10[%dma_start3A_354, %dma_start3A_355] : memref<26x128xf32, #tpu.memory_space<vmem>> -> memref<1x128xf32, #tpu.memory_space<vmem>>
    %dma_start3A_357 = tpu.memref_squeeze %dma_start3A_356 : memref<1x128xf32, #tpu.memory_space<vmem>> -> memref<128xf32, #tpu.memory_space<vmem>>
    %dma_start3A_358 = arith.constant 0 : i32
    %dma_start3A_359 = tpu.memref_slice %arg8[%dma_start3A_353, %dma_start3A_358] : memref<26x128xi32, #tpu.memory_space<vmem>> -> memref<1x128xi32, #tpu.memory_space<vmem>>
    %dma_start3A_360 = tpu.memref_squeeze %dma_start3A_359 : memref<1x128xi32, #tpu.memory_space<vmem>> -> memref<128xi32, #tpu.memory_space<vmem>>
    %dma_start3A_361 = arith.constant 0 : i32
    %dma_start3A_362 = tpu.memref_slice %arg4[%dma_start3A_352, %dma_start3A_361] : memref<26x100000xf32, #tpu.memory_space<hbm>> -> memref<1x100000xf32, #tpu.memory_space<hbm>>
    %dma_start3A_363 = tpu.memref_squeeze %dma_start3A_362 : memref<1x100000xf32, #tpu.memory_space<hbm>> -> memref<100000xf32, #tpu.memory_space<hbm>>
    %dma_start3A_364 = arith.constant 0 : i32
    %dma_start3A_365 = tpu.memref_slice %dma_start3A_363[%dma_start3A_364] : memref<100000xf32, #tpu.memory_space<hbm>> -> memref<100000xf32, #tpu.memory_space<hbm>>
    tpu.enqueue_indirect_dma source(%dma_start3A_365 : memref<100000xf32, #tpu.memory_space<hbm>>) target(%dma_start3A_357 : memref<128xf32, #tpu.memory_space<vmem>>) offsets(%dma_start3A_360 : memref<128xi32, #tpu.memory_space<vmem>>) semaphore(%arg15 : memref<!tpu.dma_semaphore, #tpu.memory_space<semaphore_mem>>)
    %scan3A = arith.constant 0 : i32
    %scan3A_366 = arith.constant 0 : i32
    %scan3A_367 = arith.constant 416 : i32
    %scan3A_368 = arith.addi %scan3A_366, %scan3A_367 : i32
    %scan3A_369 = arith.constant 1 : i32
    scf.for %scan3A_388 = %scan3A_366 to %scan3A_368 step %scan3A_369  : i32 {
      %shift_right_logical3A = arith.constant 5 : i32
      %shift_right_logical3A_389 = arith.shrui %scan3A_388, %shift_right_logical3A : i32
      %dma_start3A_390 = arith.constant 0 : i32
      %dma_start3A_391 = tpu.memref_slice %arg9[%scan3A_388, %dma_start3A_390] : memref<416x128xf32, #tpu.memory_space<vmem>> -> memref<1x128xf32, #tpu.memory_space<vmem>>
      %dma_start3A_392 = tpu.memref_squeeze %dma_start3A_391 : memref<1x128xf32, #tpu.memory_space<vmem>> -> memref<128xf32, #tpu.memory_space<vmem>>
      %dma_start3A_393 = arith.constant 0 : i32
      %dma_start3A_394 = tpu.memref_slice %arg8[%shift_right_logical3A_389, %dma_start3A_393] : memref<26x128xi32, #tpu.memory_space<vmem>> -> memref<1x128xi32, #tpu.memory_space<vmem>>
      %dma_start3A_395 = tpu.memref_squeeze %dma_start3A_394 : memref<1x128xi32, #tpu.memory_space<vmem>> -> memref<128xi32, #tpu.memory_space<vmem>>
      %dma_start3A_396 = arith.constant 0 : i32
      %dma_start3A_397 = tpu.memref_slice %arg3[%scan3A_388, %dma_start3A_396] : memref<416x100000xf32, #tpu.memory_space<hbm>> -> memref<1x100000xf32, #tpu.memory_space<hbm>>
      %dma_start3A_398 = tpu.memref_squeeze %dma_start3A_397 : memref<1x100000xf32, #tpu.memory_space<hbm>> -> memref<100000xf32, #tpu.memory_space<hbm>>
      %dma_start3A_399 = arith.constant 0 : i32
      %dma_start3A_400 = tpu.memref_slice %dma_start3A_398[%dma_start3A_399] : memref<100000xf32, #tpu.memory_space<hbm>> -> memref<100000xf32, #tpu.memory_space<hbm>>
      tpu.enqueue_indirect_dma source(%dma_start3A_400 : memref<100000xf32, #tpu.memory_space<hbm>>) target(%dma_start3A_392 : memref<128xf32, #tpu.memory_space<vmem>>) offsets(%dma_start3A_395 : memref<128xi32, #tpu.memory_space<vmem>>) semaphore(%arg14 : memref<!tpu.dma_semaphore, #tpu.memory_space<semaphore_mem>>)
    }
    %scan3A_370 = arith.constant 416 : i32
    %dma_wait3A = arith.constant 0 : i32
    %dma_wait3A_371 = arith.constant 0 : i32
    %dma_wait3A_372 = tpu.memref_slice %arg4[%dma_wait3A, %dma_wait3A_371] : memref<26x100000xf32, #tpu.memory_space<hbm>> -> memref<26x128xf32, #tpu.memory_space<hbm>>
    %dma_wait3A_373 = arith.constant 0 : i32
    %dma_wait3A_374 = arith.constant 0 : i32
    %dma_wait3A_375 = tpu.memref_slice %arg4[%dma_wait3A_373, %dma_wait3A_374] : memref<26x100000xf32, #tpu.memory_space<hbm>> -> memref<26x128xf32, #tpu.memory_space<hbm>>
    tpu.wait_dma2 semaphore(%arg15 : memref<!tpu.dma_semaphore, #tpu.memory_space<semaphore_mem>>) src(%dma_wait3A_375 : memref<26x128xf32, #tpu.memory_space<hbm>>) dst(%arg10 : memref<26x128xf32, #tpu.memory_space<vmem>>)
    %dma_wait3A_376 = arith.constant 0 : i32
    %dma_wait3A_377 = arith.constant 0 : i32
    %dma_wait3A_378 = tpu.memref_slice %arg3[%dma_wait3A_376, %dma_wait3A_377] : memref<416x100000xf32, #tpu.memory_space<hbm>> -> memref<416x128xf32, #tpu.memory_space<hbm>>
    %dma_wait3A_379 = arith.constant 0 : i32
    %dma_wait3A_380 = arith.constant 0 : i32
    %dma_wait3A_381 = tpu.memref_slice %arg3[%dma_wait3A_379, %dma_wait3A_380] : memref<416x100000xf32, #tpu.memory_space<hbm>> -> memref<416x128xf32, #tpu.memory_space<hbm>>
    tpu.wait_dma2 semaphore(%arg14 : memref<!tpu.dma_semaphore, #tpu.memory_space<semaphore_mem>>) src(%dma_wait3A_381 : memref<416x128xf32, #tpu.memory_space<hbm>>) dst(%arg9 : memref<416x128xf32, #tpu.memory_space<vmem>>)
    %scan3A_382 = arith.constant 0 : i32
    %scan3A_383 = arith.constant 0 : i32
    %scan3A_384 = arith.constant 8 : i32
    %scan3A_385 = arith.addi %scan3A_383, %scan3A_384 : i32
    %scan3A_386 = arith.constant 1 : i32
    scf.for %scan3A_388 = %scan3A_383 to %scan3A_385 step %scan3A_386  : i32 {
      %mul3A_389 = arith.constant 16 : i32
      %mul3A_390 = arith.muli %scan3A_388, %mul3A_389 : i32
      %broadcast_in_dim3A = arith.constant 0.000000e+00 : f32
      %broadcast_in_dim3A_391 = vector.broadcast %broadcast_in_dim3A : f32 to vector<16xf32>
      %scan3A_392 = arith.constant 0 : i32
      %scan3A_393 = arith.constant 32 : i32
      %scan3A_394 = arith.addi %scan3A_392, %scan3A_393 : i32
      %scan3A_395 = arith.constant 1 : i32
      %scan3A_396 = scf.for %scan3A_536 = %scan3A_392 to %scan3A_394 step %scan3A_395 iter_args(%scan3A_537 = %broadcast_in_dim3A_391) -> (vector<16xf32>)  : i32 {
        %broadcast_in_dim3A_538 = arith.constant 0.000000e+00 : f32
        %broadcast_in_dim3A_539 = vector.broadcast %broadcast_in_dim3A_538 : f32 to vector<16xf32>
        %broadcast_in_dim3A_540 = arith.constant 0.000000e+00 : f32
        %broadcast_in_dim3A_541 = vector.broadcast %broadcast_in_dim3A_540 : f32 to vector<16xf32>
        %add3A_542 = arith.constant 0 : i32
        %add3A_543 = arith.addi %add3A_542, %scan3A_536 : i32
        %get3A_544 = arith.index_cast %add3A_543 : i32 to index
        %get3A_545 = arith.index_cast %mul3A_390 : i32 to index
        %get3A_546 = tpu.vector_load %arg9[%get3A_544, %get3A_545] {strides = array<i32>} : memref<416x128xf32, #tpu.memory_space<vmem>>, vector<16xf32>,
        %add3A_547 = arith.addf %broadcast_in_dim3A_539, %get3A_546 : vector<16xf32>
        %mul3A_548 = arith.mulf %get3A_546, %get3A_546 : vector<16xf32>
        %add3A_549 = arith.addf %broadcast_in_dim3A_541, %mul3A_548 : vector<16xf32>
        %add3A_550 = arith.constant 32 : i32
        %add3A_551 = arith.addi %add3A_550, %scan3A_536 : i32
        %get3A_552 = arith.index_cast %add3A_551 : i32 to index
        %get3A_553 = arith.index_cast %mul3A_390 : i32 to index
        %get3A_554 = tpu.vector_load %arg9[%get3A_552, %get3A_553] {strides = array<i32>} : memref<416x128xf32, #tpu.memory_space<vmem>>, vector<16xf32>,
        %add3A_555 = arith.addf %add3A_547, %get3A_554 : vector<16xf32>
        %mul3A_556 = arith.mulf %get3A_554, %get3A_554 : vector<16xf32>
        %add3A_557 = arith.addf %add3A_549, %mul3A_556 : vector<16xf32>
        %add3A_558 = arith.constant 64 : i32
        %add3A_559 = arith.addi %add3A_558, %scan3A_536 : i32
        %get3A_560 = arith.index_cast %add3A_559 : i32 to index
        %get3A_561 = arith.index_cast %mul3A_390 : i32 to index
        %get3A_562 = tpu.vector_load %arg9[%get3A_560, %get3A_561] {strides = array<i32>} : memref<416x128xf32, #tpu.memory_space<vmem>>, vector<16xf32>,
        %add3A_563 = arith.addf %add3A_555, %get3A_562 : vector<16xf32>
        %mul3A_564 = arith.mulf %get3A_562, %get3A_562 : vector<16xf32>
        %add3A_565 = arith.addf %add3A_557, %mul3A_564 : vector<16xf32>
        %add3A_566 = arith.constant 96 : i32
        %add3A_567 = arith.addi %add3A_566, %scan3A_536 : i32
        %get3A_568 = arith.index_cast %add3A_567 : i32 to index
        %get3A_569 = arith.index_cast %mul3A_390 : i32 to index
        %get3A_570 = tpu.vector_load %arg9[%get3A_568, %get3A_569] {strides = array<i32>} : memref<416x128xf32, #tpu.memory_space<vmem>>, vector<16xf32>,
        %add3A_571 = arith.addf %add3A_563, %get3A_570 : vector<16xf32>
        %mul3A_572 = arith.mulf %get3A_570, %get3A_570 : vector<16xf32>
        %add3A_573 = arith.addf %add3A_565, %mul3A_572 : vector<16xf32>
        %add3A_574 = arith.constant 128 : i32
        %add3A_575 = arith.addi %add3A_574, %scan3A_536 : i32
        %get3A_576 = arith.index_cast %add3A_575 : i32 to index
        %get3A_577 = arith.index_cast %mul3A_390 : i32 to index
        %get3A_578 = tpu.vector_load %arg9[%get3A_576, %get3A_577] {strides = array<i32>} : memref<416x128xf32, #tpu.memory_space<vmem>>, vector<16xf32>,
        %add3A_579 = arith.addf %add3A_571, %get3A_578 : vector<16xf32>
        %mul3A_580 = arith.mulf %get3A_578, %get3A_578 : vector<16xf32>
        %add3A_581 = arith.addf %add3A_573, %mul3A_580 : vector<16xf32>
        %add3A_582 = arith.constant 160 : i32
        %add3A_583 = arith.addi %add3A_582, %scan3A_536 : i32
        %get3A_584 = arith.index_cast %add3A_583 : i32 to index
        %get3A_585 = arith.index_cast %mul3A_390 : i32 to index
        %get3A_586 = tpu.vector_load %arg9[%get3A_584, %get3A_585] {strides = array<i32>} : memref<416x128xf32, #tpu.memory_space<vmem>>, vector<16xf32>,
        %add3A_587 = arith.addf %add3A_579, %get3A_586 : vector<16xf32>
        %mul3A_588 = arith.mulf %get3A_586, %get3A_586 : vector<16xf32>
        %add3A_589 = arith.addf %add3A_581, %mul3A_588 : vector<16xf32>
        %add3A_590 = arith.constant 192 : i32
        %add3A_591 = arith.addi %add3A_590, %scan3A_536 : i32
        %get3A_592 = arith.index_cast %add3A_591 : i32 to index
        %get3A_593 = arith.index_cast %mul3A_390 : i32 to index
        %get3A_594 = tpu.vector_load %arg9[%get3A_592, %get3A_593] {strides = array<i32>} : memref<416x128xf32, #tpu.memory_space<vmem>>, vector<16xf32>,
        %add3A_595 = arith.addf %add3A_587, %get3A_594 : vector<16xf32>
        %mul3A_596 = arith.mulf %get3A_594, %get3A_594 : vector<16xf32>
        %add3A_597 = arith.addf %add3A_589, %mul3A_596 : vector<16xf32>
        %add3A_598 = arith.constant 224 : i32
        %add3A_599 = arith.addi %add3A_598, %scan3A_536 : i32
        %get3A_600 = arith.index_cast %add3A_599 : i32 to index
        %get3A_601 = arith.index_cast %mul3A_390 : i32 to index
        %get3A_602 = tpu.vector_load %arg9[%get3A_600, %get3A_601] {strides = array<i32>} : memref<416x128xf32, #tpu.memory_space<vmem>>, vector<16xf32>,
        %add3A_603 = arith.addf %add3A_595, %get3A_602 : vector<16xf32>
        %mul3A_604 = arith.mulf %get3A_602, %get3A_602 : vector<16xf32>
        %add3A_605 = arith.addf %add3A_597, %mul3A_604 : vector<16xf32>
        %add3A_606 = arith.constant 256 : i32
        %add3A_607 = arith.addi %add3A_606, %scan3A_536 : i32
        %get3A_608 = arith.index_cast %add3A_607 : i32 to index
        %get3A_609 = arith.index_cast %mul3A_390 : i32 to index
        %get3A_610 = tpu.vector_load %arg9[%get3A_608, %get3A_609] {strides = array<i32>} : memref<416x128xf32, #tpu.memory_space<vmem>>, vector<16xf32>,
        %add3A_611 = arith.addf %add3A_603, %get3A_610 : vector<16xf32>
        %mul3A_612 = arith.mulf %get3A_610, %get3A_610 : vector<16xf32>
        %add3A_613 = arith.addf %add3A_605, %mul3A_612 : vector<16xf32>
        %add3A_614 = arith.constant 288 : i32
        %add3A_615 = arith.addi %add3A_614, %scan3A_536 : i32
        %get3A_616 = arith.index_cast %add3A_615 : i32 to index
        %get3A_617 = arith.index_cast %mul3A_390 : i32 to index
        %get3A_618 = tpu.vector_load %arg9[%get3A_616, %get3A_617] {strides = array<i32>} : memref<416x128xf32, #tpu.memory_space<vmem>>, vector<16xf32>,
        %add3A_619 = arith.addf %add3A_611, %get3A_618 : vector<16xf32>
        %mul3A_620 = arith.mulf %get3A_618, %get3A_618 : vector<16xf32>
        %add3A_621 = arith.addf %add3A_613, %mul3A_620 : vector<16xf32>
        %add3A_622 = arith.constant 320 : i32
        %add3A_623 = arith.addi %add3A_622, %scan3A_536 : i32
        %get3A_624 = arith.index_cast %add3A_623 : i32 to index
        %get3A_625 = arith.index_cast %mul3A_390 : i32 to index
        %get3A_626 = tpu.vector_load %arg9[%get3A_624, %get3A_625] {strides = array<i32>} : memref<416x128xf32, #tpu.memory_space<vmem>>, vector<16xf32>,
        %add3A_627 = arith.addf %add3A_619, %get3A_626 : vector<16xf32>
        %mul3A_628 = arith.mulf %get3A_626, %get3A_626 : vector<16xf32>
        %add3A_629 = arith.addf %add3A_621, %mul3A_628 : vector<16xf32>
        %add3A_630 = arith.constant 352 : i32
        %add3A_631 = arith.addi %add3A_630, %scan3A_536 : i32
        %get3A_632 = arith.index_cast %add3A_631 : i32 to index
        %get3A_633 = arith.index_cast %mul3A_390 : i32 to index
        %get3A_634 = tpu.vector_load %arg9[%get3A_632, %get3A_633] {strides = array<i32>} : memref<416x128xf32, #tpu.memory_space<vmem>>, vector<16xf32>,
        %add3A_635 = arith.addf %add3A_627, %get3A_634 : vector<16xf32>
        %mul3A_636 = arith.mulf %get3A_634, %get3A_634 : vector<16xf32>
        %add3A_637 = arith.addf %add3A_629, %mul3A_636 : vector<16xf32>
        %add3A_638 = arith.constant 384 : i32
        %add3A_639 = arith.addi %add3A_638, %scan3A_536 : i32
        %get3A_640 = arith.index_cast %add3A_639 : i32 to index
        %get3A_641 = arith.index_cast %mul3A_390 : i32 to index
        %get3A_642 = tpu.vector_load %arg9[%get3A_640, %get3A_641] {strides = array<i32>} : memref<416x128xf32, #tpu.memory_space<vmem>>, vector<16xf32>,
        %add3A_643 = arith.addf %add3A_635, %get3A_642 : vector<16xf32>
        %mul3A_644 = arith.mulf %get3A_642, %get3A_642 : vector<16xf32>
        %add3A_645 = arith.addf %add3A_637, %mul3A_644 : vector<16xf32>
        %swap3A_646 = arith.index_cast %scan3A_536 : i32 to index
        %swap3A_647 = arith.index_cast %mul3A_390 : i32 to index
        %swap3A_648 = tpu.vector_load %arg11[%swap3A_646, %swap3A_647] {strides = array<i32>} : memref<32x128xf32, #tpu.memory_space<vmem>>, vector<16xf32>,
        tpu.vector_store %arg11[%swap3A_646, %swap3A_647], %add3A_643 {strides = array<i32>} : memref<32x128xf32, #tpu.memory_space<vmem>>, vector<16xf32>,
        %add3A_649 = arith.addf %scan3A_537, %add3A_645 : vector<16xf32>
        scf.yield %add3A_649 : vector<16xf32>
      }
      %scan3A_397 = arith.constant 32 : i32
      %swap3A = arith.constant 0 : i32
      %swap3A_398 = arith.index_cast %swap3A : i32 to index
      %swap3A_399 = arith.index_cast %mul3A_390 : i32 to index
      %swap3A_400 = tpu.vector_load %arg12[%swap3A_398, %swap3A_399] {strides = array<i32>} : memref<1x128xf32, #tpu.memory_space<vmem>>, vector<16xf32>,
      tpu.vector_store %arg12[%swap3A_398, %swap3A_399], %scan3A_396 {strides = array<i32>} : memref<1x128xf32, #tpu.memory_space<vmem>>, vector<16xf32>,
      %broadcast_in_dim3A_401 = arith.constant 0.000000e+00 : f32
      %broadcast_in_dim3A_402 = vector.broadcast %broadcast_in_dim3A_401 : f32 to vector<16xf32>
      %get3A = arith.constant 0 : i32
      %get3A_403 = arith.index_cast %get3A : i32 to index
      %get3A_404 = arith.index_cast %mul3A_390 : i32 to index
      %get3A_405 = tpu.vector_load %arg10[%get3A_403, %get3A_404] {strides = array<i32>} : memref<26x128xf32, #tpu.memory_space<vmem>>, vector<16xf32>,
      %add3A_406 = arith.addf %broadcast_in_dim3A_402, %get3A_405 : vector<16xf32>
      %get3A_407 = arith.constant 1 : i32
      %get3A_408 = arith.index_cast %get3A_407 : i32 to index
      %get3A_409 = arith.index_cast %mul3A_390 : i32 to index
      %get3A_410 = tpu.vector_load %arg10[%get3A_408, %get3A_409] {strides = array<i32>} : memref<26x128xf32, #tpu.memory_space<vmem>>, vector<16xf32>,
      %add3A_411 = arith.addf %add3A_406, %get3A_410 : vector<16xf32>
      %get3A_412 = arith.constant 2 : i32
      %get3A_413 = arith.index_cast %get3A_412 : i32 to index
      %get3A_414 = arith.index_cast %mul3A_390 : i32 to index
      %get3A_415 = tpu.vector_load %arg10[%get3A_413, %get3A_414] {strides = array<i32>} : memref<26x128xf32, #tpu.memory_space<vmem>>, vector<16xf32>,
      %add3A_416 = arith.addf %add3A_411, %get3A_415 : vector<16xf32>
      %get3A_417 = arith.constant 3 : i32
      %get3A_418 = arith.index_cast %get3A_417 : i32 to index
      %get3A_419 = arith.index_cast %mul3A_390 : i32 to index
      %get3A_420 = tpu.vector_load %arg10[%get3A_418, %get3A_419] {strides = array<i32>} : memref<26x128xf32, #tpu.memory_space<vmem>>, vector<16xf32>,
      %add3A_421 = arith.addf %add3A_416, %get3A_420 : vector<16xf32>
      %get3A_422 = arith.constant 4 : i32
      %get3A_423 = arith.index_cast %get3A_422 : i32 to index
      %get3A_424 = arith.index_cast %mul3A_390 : i32 to index
      %get3A_425 = tpu.vector_load %arg10[%get3A_423, %get3A_424] {strides = array<i32>} : memref<26x128xf32, #tpu.memory_space<vmem>>, vector<16xf32>,
      %add3A_426 = arith.addf %add3A_421, %get3A_425 : vector<16xf32>
      %get3A_427 = arith.constant 5 : i32
      %get3A_428 = arith.index_cast %get3A_427 : i32 to index
      %get3A_429 = arith.index_cast %mul3A_390 : i32 to index
      %get3A_430 = tpu.vector_load %arg10[%get3A_428, %get3A_429] {strides = array<i32>} : memref<26x128xf32, #tpu.memory_space<vmem>>, vector<16xf32>,
      %add3A_431 = arith.addf %add3A_426, %get3A_430 : vector<16xf32>
      %get3A_432 = arith.constant 6 : i32
      %get3A_433 = arith.index_cast %get3A_432 : i32 to index
      %get3A_434 = arith.index_cast %mul3A_390 : i32 to index
      %get3A_435 = tpu.vector_load %arg10[%get3A_433, %get3A_434] {strides = array<i32>} : memref<26x128xf32, #tpu.memory_space<vmem>>, vector<16xf32>,
      %add3A_436 = arith.addf %add3A_431, %get3A_435 : vector<16xf32>
      %get3A_437 = arith.constant 7 : i32
      %get3A_438 = arith.index_cast %get3A_437 : i32 to index
      %get3A_439 = arith.index_cast %mul3A_390 : i32 to index
      %get3A_440 = tpu.vector_load %arg10[%get3A_438, %get3A_439] {strides = array<i32>} : memref<26x128xf32, #tpu.memory_space<vmem>>, vector<16xf32>,
      %add3A_441 = arith.addf %add3A_436, %get3A_440 : vector<16xf32>
      %get3A_442 = arith.constant 8 : i32
      %get3A_443 = arith.index_cast %get3A_442 : i32 to index
      %get3A_444 = arith.index_cast %mul3A_390 : i32 to index
      %get3A_445 = tpu.vector_load %arg10[%get3A_443, %get3A_444] {strides = array<i32>} : memref<26x128xf32, #tpu.memory_space<vmem>>, vector<16xf32>,
      %add3A_446 = arith.addf %add3A_441, %get3A_445 : vector<16xf32>
      %get3A_447 = arith.constant 9 : i32
      %get3A_448 = arith.index_cast %get3A_447 : i32 to index
      %get3A_449 = arith.index_cast %mul3A_390 : i32 to index
      %get3A_450 = tpu.vector_load %arg10[%get3A_448, %get3A_449] {strides = array<i32>} : memref<26x128xf32, #tpu.memory_space<vmem>>, vector<16xf32>,
      %add3A_451 = arith.addf %add3A_446, %get3A_450 : vector<16xf32>
      %get3A_452 = arith.constant 10 : i32
      %get3A_453 = arith.index_cast %get3A_452 : i32 to index
      %get3A_454 = arith.index_cast %mul3A_390 : i32 to index
      %get3A_455 = tpu.vector_load %arg10[%get3A_453, %get3A_454] {strides = array<i32>} : memref<26x128xf32, #tpu.memory_space<vmem>>, vector<16xf32>,
      %add3A_456 = arith.addf %add3A_451, %get3A_455 : vector<16xf32>
      %get3A_457 = arith.constant 11 : i32
      %get3A_458 = arith.index_cast %get3A_457 : i32 to index
      %get3A_459 = arith.index_cast %mul3A_390 : i32 to index
      %get3A_460 = tpu.vector_load %arg10[%get3A_458, %get3A_459] {strides = array<i32>} : memref<26x128xf32, #tpu.memory_space<vmem>>, vector<16xf32>,
      %add3A_461 = arith.addf %add3A_456, %get3A_460 : vector<16xf32>
      %get3A_462 = arith.constant 12 : i32
      %get3A_463 = arith.index_cast %get3A_462 : i32 to index
      %get3A_464 = arith.index_cast %mul3A_390 : i32 to index
      %get3A_465 = tpu.vector_load %arg10[%get3A_463, %get3A_464] {strides = array<i32>} : memref<26x128xf32, #tpu.memory_space<vmem>>, vector<16xf32>,
      %add3A_466 = arith.addf %add3A_461, %get3A_465 : vector<16xf32>
      %get3A_467 = arith.constant 13 : i32
      %get3A_468 = arith.index_cast %get3A_467 : i32 to index
      %get3A_469 = arith.index_cast %mul3A_390 : i32 to index
      %get3A_470 = tpu.vector_load %arg10[%get3A_468, %get3A_469] {strides = array<i32>} : memref<26x128xf32, #tpu.memory_space<vmem>>, vector<16xf32>,
      %add3A_471 = arith.addf %add3A_466, %get3A_470 : vector<16xf32>
      %get3A_472 = arith.constant 14 : i32
      %get3A_473 = arith.index_cast %get3A_472 : i32 to index
      %get3A_474 = arith.index_cast %mul3A_390 : i32 to index
      %get3A_475 = tpu.vector_load %arg10[%get3A_473, %get3A_474] {strides = array<i32>} : memref<26x128xf32, #tpu.memory_space<vmem>>, vector<16xf32>,
      %add3A_476 = arith.addf %add3A_471, %get3A_475 : vector<16xf32>
      %get3A_477 = arith.constant 15 : i32
      %get3A_478 = arith.index_cast %get3A_477 : i32 to index
      %get3A_479 = arith.index_cast %mul3A_390 : i32 to index
      %get3A_480 = tpu.vector_load %arg10[%get3A_478, %get3A_479] {strides = array<i32>} : memref<26x128xf32, #tpu.memory_space<vmem>>, vector<16xf32>,
      %add3A_481 = arith.addf %add3A_476, %get3A_480 : vector<16xf32>
      %get3A_482 = arith.constant 16 : i32
      %get3A_483 = arith.index_cast %get3A_482 : i32 to index
      %get3A_484 = arith.index_cast %mul3A_390 : i32 to index
      %get3A_485 = tpu.vector_load %arg10[%get3A_483, %get3A_484] {strides = array<i32>} : memref<26x128xf32, #tpu.memory_space<vmem>>, vector<16xf32>,
      %add3A_486 = arith.addf %add3A_481, %get3A_485 : vector<16xf32>
      %get3A_487 = arith.constant 17 : i32
      %get3A_488 = arith.index_cast %get3A_487 : i32 to index
      %get3A_489 = arith.index_cast %mul3A_390 : i32 to index
      %get3A_490 = tpu.vector_load %arg10[%get3A_488, %get3A_489] {strides = array<i32>} : memref<26x128xf32, #tpu.memory_space<vmem>>, vector<16xf32>,
      %add3A_491 = arith.addf %add3A_486, %get3A_490 : vector<16xf32>
      %get3A_492 = arith.constant 18 : i32
      %get3A_493 = arith.index_cast %get3A_492 : i32 to index
      %get3A_494 = arith.index_cast %mul3A_390 : i32 to index
      %get3A_495 = tpu.vector_load %arg10[%get3A_493, %get3A_494] {strides = array<i32>} : memref<26x128xf32, #tpu.memory_space<vmem>>, vector<16xf32>,
      %add3A_496 = arith.addf %add3A_491, %get3A_495 : vector<16xf32>
      %get3A_497 = arith.constant 19 : i32
      %get3A_498 = arith.index_cast %get3A_497 : i32 to index
      %get3A_499 = arith.index_cast %mul3A_390 : i32 to index
      %get3A_500 = tpu.vector_load %arg10[%get3A_498, %get3A_499] {strides = array<i32>} : memref<26x128xf32, #tpu.memory_space<vmem>>, vector<16xf32>,
      %add3A_501 = arith.addf %add3A_496, %get3A_500 : vector<16xf32>
      %get3A_502 = arith.constant 20 : i32
      %get3A_503 = arith.index_cast %get3A_502 : i32 to index
      %get3A_504 = arith.index_cast %mul3A_390 : i32 to index
      %get3A_505 = tpu.vector_load %arg10[%get3A_503, %get3A_504] {strides = array<i32>} : memref<26x128xf32, #tpu.memory_space<vmem>>, vector<16xf32>,
      %add3A_506 = arith.addf %add3A_501, %get3A_505 : vector<16xf32>
      %get3A_507 = arith.constant 21 : i32
      %get3A_508 = arith.index_cast %get3A_507 : i32 to index
      %get3A_509 = arith.index_cast %mul3A_390 : i32 to index
      %get3A_510 = tpu.vector_load %arg10[%get3A_508, %get3A_509] {strides = array<i32>} : memref<26x128xf32, #tpu.memory_space<vmem>>, vector<16xf32>,
      %add3A_511 = arith.addf %add3A_506, %get3A_510 : vector<16xf32>
      %get3A_512 = arith.constant 22 : i32
      %get3A_513 = arith.index_cast %get3A_512 : i32 to index
      %get3A_514 = arith.index_cast %mul3A_390 : i32 to index
      %get3A_515 = tpu.vector_load %arg10[%get3A_513, %get3A_514] {strides = array<i32>} : memref<26x128xf32, #tpu.memory_space<vmem>>, vector<16xf32>,
      %add3A_516 = arith.addf %add3A_511, %get3A_515 : vector<16xf32>
      %get3A_517 = arith.constant 23 : i32
      %get3A_518 = arith.index_cast %get3A_517 : i32 to index
      %get3A_519 = arith.index_cast %mul3A_390 : i32 to index
      %get3A_520 = tpu.vector_load %arg10[%get3A_518, %get3A_519] {strides = array<i32>} : memref<26x128xf32, #tpu.memory_space<vmem>>, vector<16xf32>,
      %add3A_521 = arith.addf %add3A_516, %get3A_520 : vector<16xf32>
      %get3A_522 = arith.constant 24 : i32
      %get3A_523 = arith.index_cast %get3A_522 : i32 to index
      %get3A_524 = arith.index_cast %mul3A_390 : i32 to index
      %get3A_525 = tpu.vector_load %arg10[%get3A_523, %get3A_524] {strides = array<i32>} : memref<26x128xf32, #tpu.memory_space<vmem>>, vector<16xf32>,
      %add3A_526 = arith.addf %add3A_521, %get3A_525 : vector<16xf32>
      %get3A_527 = arith.constant 25 : i32
      %get3A_528 = arith.index_cast %get3A_527 : i32 to index
      %get3A_529 = arith.index_cast %mul3A_390 : i32 to index
      %get3A_530 = tpu.vector_load %arg10[%get3A_528, %get3A_529] {strides = array<i32>} : memref<26x128xf32, #tpu.memory_space<vmem>>, vector<16xf32>,
      %add3A_531 = arith.addf %add3A_526, %get3A_530 : vector<16xf32>
      %swap3A_532 = arith.constant 0 : i32
      %swap3A_533 = arith.index_cast %swap3A_532 : i32 to index
      %swap3A_534 = arith.index_cast %mul3A_390 : i32 to index
      %swap3A_535 = tpu.vector_load %arg13[%swap3A_533, %swap3A_534] {strides = array<i32>} : memref<1x128xf32, #tpu.memory_space<vmem>>, vector<16xf32>,
      tpu.vector_store %arg13[%swap3A_533, %swap3A_534], %add3A_531 {strides = array<i32>} : memref<1x128xf32, #tpu.memory_space<vmem>>, vector<16xf32>,
    }
    %scan3A_387 = arith.constant 8 : i32
    "tpu.region"() ({
      %run_scoped3A = tpu.sem_alloc : memref<!tpu.dma_semaphore, #tpu.memory_space<semaphore_mem>>
      %dma_start3A_388 = arith.constant 0 : i32
      %dma_start3A_389 = arith.constant 0 : i32
      %dma_start3A_390 = tpu.memref_slice %arg5[%add3A, %dma_start3A_388, %dma_start3A_389] : memref<32x32x128xf32, #tpu.memory_space<hbm>> -> memref<1x32x128xf32, #tpu.memory_space<hbm>>
      %dma_start3A_391 = tpu.memref_squeeze %dma_start3A_390 : memref<1x32x128xf32, #tpu.memory_space<hbm>> -> memref<32x128xf32, #tpu.memory_space<hbm>>
      %dma_start3A_392 = arith.constant 0 : i32
      %dma_start3A_393 = arith.constant 0 : i32
      %dma_start3A_394 = tpu.memref_slice %arg5[%add3A, %dma_start3A_392, %dma_start3A_393] : memref<32x32x128xf32, #tpu.memory_space<hbm>> -> memref<1x32x128xf32, #tpu.memory_space<hbm>>
      %dma_start3A_395 = tpu.memref_squeeze %dma_start3A_394 : memref<1x32x128xf32, #tpu.memory_space<hbm>> -> memref<32x128xf32, #tpu.memory_space<hbm>>
      tpu.enqueue_dma source(%arg11 : memref<32x128xf32, #tpu.memory_space<vmem>>) target(%dma_start3A_395 : memref<32x128xf32, #tpu.memory_space<hbm>>) target_semaphore(%run_scoped3A : memref<!tpu.dma_semaphore, #tpu.memory_space<semaphore_mem>>)
      %dma_wait3A_396 = arith.constant 0 : i32
      %dma_wait3A_397 = arith.constant 0 : i32
      %dma_wait3A_398 = tpu.memref_slice %arg5[%add3A, %dma_wait3A_396, %dma_wait3A_397] : memref<32x32x128xf32, #tpu.memory_space<hbm>> -> memref<1x32x128xf32, #tpu.memory_space<hbm>>
      %dma_wait3A_399 = tpu.memref_squeeze %dma_wait3A_398 : memref<1x32x128xf32, #tpu.memory_space<hbm>> -> memref<32x128xf32, #tpu.memory_space<hbm>>
      %dma_wait3A_400 = arith.constant 0 : i32
      %dma_wait3A_401 = arith.constant 0 : i32
      %dma_wait3A_402 = tpu.memref_slice %arg5[%add3A, %dma_wait3A_400, %dma_wait3A_401] : memref<32x32x128xf32, #tpu.memory_space<hbm>> -> memref<1x32x128xf32, #tpu.memory_space<hbm>>
      %dma_wait3A_403 = tpu.memref_squeeze %dma_wait3A_402 : memref<1x32x128xf32, #tpu.memory_space<hbm>> -> memref<32x128xf32, #tpu.memory_space<hbm>>
      tpu.wait_dma2 semaphore(%run_scoped3A : memref<!tpu.dma_semaphore, #tpu.memory_space<semaphore_mem>>) src(%arg11 : memref<32x128xf32, #tpu.memory_space<vmem>>) dst(%dma_wait3A_403 : memref<32x128xf32, #tpu.memory_space<hbm>>)
      tpu.yield
    }) : () -> ()
    "tpu.region"() ({
      %run_scoped3A = tpu.sem_alloc : memref<!tpu.dma_semaphore, #tpu.memory_space<semaphore_mem>>
      %dma_start3A_388 = arith.constant 0 : i32
      %dma_start3A_389 = arith.constant 0 : i32
      %dma_start3A_390 = tpu.memref_slice %arg6[%add3A, %dma_start3A_388, %dma_start3A_389] : memref<32x1x128xf32, #tpu.memory_space<hbm>> -> memref<1x1x128xf32, #tpu.memory_space<hbm>>
      %dma_start3A_391 = tpu.memref_squeeze %dma_start3A_390 : memref<1x1x128xf32, #tpu.memory_space<hbm>> -> memref<1x128xf32, #tpu.memory_space<hbm>>
      %dma_start3A_392 = arith.constant 0 : i32
      %dma_start3A_393 = arith.constant 0 : i32
      %dma_start3A_394 = tpu.memref_slice %arg6[%add3A, %dma_start3A_392, %dma_start3A_393] : memref<32x1x128xf32, #tpu.memory_space<hbm>> -> memref<1x1x128xf32, #tpu.memory_space<hbm>>
      %dma_start3A_395 = tpu.memref_squeeze %dma_start3A_394 : memref<1x1x128xf32, #tpu.memory_space<hbm>> -> memref<1x128xf32, #tpu.memory_space<hbm>>
      tpu.enqueue_dma source(%arg12 : memref<1x128xf32, #tpu.memory_space<vmem>>) target(%dma_start3A_395 : memref<1x128xf32, #tpu.memory_space<hbm>>) target_semaphore(%run_scoped3A : memref<!tpu.dma_semaphore, #tpu.memory_space<semaphore_mem>>)
      %dma_wait3A_396 = arith.constant 0 : i32
      %dma_wait3A_397 = arith.constant 0 : i32
      %dma_wait3A_398 = tpu.memref_slice %arg6[%add3A, %dma_wait3A_396, %dma_wait3A_397] : memref<32x1x128xf32, #tpu.memory_space<hbm>> -> memref<1x1x128xf32, #tpu.memory_space<hbm>>
      %dma_wait3A_399 = tpu.memref_squeeze %dma_wait3A_398 : memref<1x1x128xf32, #tpu.memory_space<hbm>> -> memref<1x128xf32, #tpu.memory_space<hbm>>
      %dma_wait3A_400 = arith.constant 0 : i32
      %dma_wait3A_401 = arith.constant 0 : i32
      %dma_wait3A_402 = tpu.memref_slice %arg6[%add3A, %dma_wait3A_400, %dma_wait3A_401] : memref<32x1x128xf32, #tpu.memory_space<hbm>> -> memref<1x1x128xf32, #tpu.memory_space<hbm>>
      %dma_wait3A_403 = tpu.memref_squeeze %dma_wait3A_402 : memref<1x1x128xf32, #tpu.memory_space<hbm>> -> memref<1x128xf32, #tpu.memory_space<hbm>>
      tpu.wait_dma2 semaphore(%run_scoped3A : memref<!tpu.dma_semaphore, #tpu.memory_space<semaphore_mem>>) src(%arg12 : memref<1x128xf32, #tpu.memory_space<vmem>>) dst(%dma_wait3A_403 : memref<1x128xf32, #tpu.memory_space<hbm>>)
      tpu.yield
    }) : () -> ()
    "tpu.region"() ({
      %run_scoped3A = tpu.sem_alloc : memref<!tpu.dma_semaphore, #tpu.memory_space<semaphore_mem>>
      %dma_start3A_388 = arith.constant 0 : i32
      %dma_start3A_389 = arith.constant 0 : i32
      %dma_start3A_390 = tpu.memref_slice %arg7[%add3A, %dma_start3A_388, %dma_start3A_389] : memref<32x1x128xf32, #tpu.memory_space<hbm>> -> memref<1x1x128xf32, #tpu.memory_space<hbm>>
      %dma_start3A_391 = tpu.memref_squeeze %dma_start3A_390 : memref<1x1x128xf32, #tpu.memory_space<hbm>> -> memref<1x128xf32, #tpu.memory_space<hbm>>
      %dma_start3A_392 = arith.constant 0 : i32
      %dma_start3A_393 = arith.constant 0 : i32
      %dma_start3A_394 = tpu.memref_slice %arg7[%add3A, %dma_start3A_392, %dma_start3A_393] : memref<32x1x128xf32, #tpu.memory_space<hbm>> -> memref<1x1x128xf32, #tpu.memory_space<hbm>>
      %dma_start3A_395 = tpu.memref_squeeze %dma_start3A_394 : memref<1x1x128xf32, #tpu.memory_space<hbm>> -> memref<1x128xf32, #tpu.memory_space<hbm>>
      tpu.enqueue_dma source(%arg13 : memref<1x128xf32, #tpu.memory_space<vmem>>) target(%dma_start3A_395 : memref<1x128xf32, #tpu.memory_space<hbm>>) target_semaphore(%run_scoped3A : memref<!tpu.dma_semaphore, #tpu.memory_space<semaphore_mem>>)
      %dma_wait3A_396 = arith.constant 0 : i32
      %dma_wait3A_397 = arith.constant 0 : i32
      %dma_wait3A_398 = tpu.memref_slice %arg7[%add3A, %dma_wait3A_396, %dma_wait3A_397] : memref<32x1x128xf32, #tpu.memory_space<hbm>> -> memref<1x1x128xf32, #tpu.memory_space<hbm>>
      %dma_wait3A_399 = tpu.memref_squeeze %dma_wait3A_398 : memref<1x1x128xf32, #tpu.memory_space<hbm>> -> memref<1x128xf32, #tpu.memory_space<hbm>>
      %dma_wait3A_400 = arith.constant 0 : i32
      %dma_wait3A_401 = arith.constant 0 : i32
      %dma_wait3A_402 = tpu.memref_slice %arg7[%add3A, %dma_wait3A_400, %dma_wait3A_401] : memref<32x1x128xf32, #tpu.memory_space<hbm>> -> memref<1x1x128xf32, #tpu.memory_space<hbm>>
      %dma_wait3A_403 = tpu.memref_squeeze %dma_wait3A_402 : memref<1x1x128xf32, #tpu.memory_space<hbm>> -> memref<1x128xf32, #tpu.memory_space<hbm>>
      tpu.wait_dma2 semaphore(%run_scoped3A : memref<!tpu.dma_semaphore, #tpu.memory_space<semaphore_mem>>) src(%arg13 : memref<1x128xf32, #tpu.memory_space<vmem>>) dst(%dma_wait3A_403 : memref<1x128xf32, #tpu.memory_space<hbm>>)
      tpu.yield
    }) : () -> ()
    return
  }
}

#map = affine_map<(d0, d1) -> (0, 0, 0)>
#map1 = affine_map<(d0, d1) -> (0)>
module attributes {stable_mosaic.version = 14 : i64} {
  func.func @_combine_body(%arg0: i32, %arg1: i32, %arg2: memref<32x32x128xf32, #tpu.memory_space<hbm>>, %arg3: memref<32x32x128xf32, #tpu.memory_space<hbm>>, %arg4: memref<32x1x128xf32, #tpu.memory_space<hbm>>, %arg5: memref<32x1x128xf32, #tpu.memory_space<hbm>>, %arg6: memref<32x1x128xf32, #tpu.memory_space<hbm>>, %arg7: memref<16xf32, #tpu.memory_space<hbm>>, %arg8: memref<32x1x128xf32, #tpu.memory_space<hbm>>, %arg9: memref<2x32x128xf32, #tpu.memory_space<vmem>>, %arg10: memref<2x1x128xf32, #tpu.memory_space<vmem>>, %arg11: memref<1x128xf32, #tpu.memory_space<vmem>>, %arg12: memref<16xf32, #tpu.memory_space<vmem>>, %arg13: memref<1x128xf32, #tpu.memory_space<vmem>>) attributes {dimension_semantics = [#tpu.dimension_semantics<core_parallel>, #tpu.dimension_semantics<subcore_parallel>], iteration_bounds = array<i64: 2, 16>, scalar_prefetch = 0 : i64, scratch_operands = 5 : i64, tpu.core_type = #tpu.core_type<sc_vector_subcore>, window_params = [{transform_indices = #map}, {transform_indices = #map}, {transform_indices = #map}, {transform_indices = #map}, {transform_indices = #map}, {transform_indices = #map1}, {transform_indices = #map}]} {
    %mul3A = arith.constant 2 : i32
    %mul3A_0 = arith.muli %arg1, %mul3A : i32
    %add3A = arith.addi %mul3A_0, %arg0 : i32
    %run_scoped3A = arith.constant 0 : i32
    "tpu.region"() ({
      %run_scoped3A_9 = tpu.sem_alloc : memref<!tpu.dma_semaphore, #tpu.memory_space<semaphore_mem>>
      %dma_start3A = arith.constant 0 : i32
      %dma_start3A_10 = arith.constant 0 : i32
      %dma_start3A_11 = tpu.memref_slice %arg9[%run_scoped3A, %dma_start3A, %dma_start3A_10] : memref<2x32x128xf32, #tpu.memory_space<vmem>> -> memref<1x32x128xf32, #tpu.memory_space<vmem>>
      %dma_start3A_12 = tpu.memref_squeeze %dma_start3A_11 : memref<1x32x128xf32, #tpu.memory_space<vmem>> -> memref<32x128xf32, #tpu.memory_space<vmem>>
      %dma_start3A_13 = arith.constant 0 : i32
      %dma_start3A_14 = arith.constant 0 : i32
      %dma_start3A_15 = tpu.memref_slice %arg2[%add3A, %dma_start3A_13, %dma_start3A_14] : memref<32x32x128xf32, #tpu.memory_space<hbm>> -> memref<1x32x128xf32, #tpu.memory_space<hbm>>
      %dma_start3A_16 = tpu.memref_squeeze %dma_start3A_15 : memref<1x32x128xf32, #tpu.memory_space<hbm>> -> memref<32x128xf32, #tpu.memory_space<hbm>>
      %dma_start3A_17 = arith.constant 0 : i32
      %dma_start3A_18 = arith.constant 0 : i32
      %dma_start3A_19 = tpu.memref_slice %arg9[%run_scoped3A, %dma_start3A_17, %dma_start3A_18] : memref<2x32x128xf32, #tpu.memory_space<vmem>> -> memref<1x32x128xf32, #tpu.memory_space<vmem>>
      %dma_start3A_20 = tpu.memref_squeeze %dma_start3A_19 : memref<1x32x128xf32, #tpu.memory_space<vmem>> -> memref<32x128xf32, #tpu.memory_space<vmem>>
      %dma_start3A_21 = arith.constant 0 : i32
      %dma_start3A_22 = arith.constant 0 : i32
      %dma_start3A_23 = tpu.memref_slice %arg2[%add3A, %dma_start3A_21, %dma_start3A_22] : memref<32x32x128xf32, #tpu.memory_space<hbm>> -> memref<1x32x128xf32, #tpu.memory_space<hbm>>
      %dma_start3A_24 = tpu.memref_squeeze %dma_start3A_23 : memref<1x32x128xf32, #tpu.memory_space<hbm>> -> memref<32x128xf32, #tpu.memory_space<hbm>>
      tpu.enqueue_dma source(%dma_start3A_24 : memref<32x128xf32, #tpu.memory_space<hbm>>) target(%dma_start3A_20 : memref<32x128xf32, #tpu.memory_space<vmem>>) target_semaphore(%run_scoped3A_9 : memref<!tpu.dma_semaphore, #tpu.memory_space<semaphore_mem>>)
      %dma_wait3A = arith.constant 0 : i32
      %dma_wait3A_25 = arith.constant 0 : i32
      %dma_wait3A_26 = tpu.memref_slice %arg9[%run_scoped3A, %dma_wait3A, %dma_wait3A_25] : memref<2x32x128xf32, #tpu.memory_space<vmem>> -> memref<1x32x128xf32, #tpu.memory_space<vmem>>
      %dma_wait3A_27 = tpu.memref_squeeze %dma_wait3A_26 : memref<1x32x128xf32, #tpu.memory_space<vmem>> -> memref<32x128xf32, #tpu.memory_space<vmem>>
      %dma_wait3A_28 = arith.constant 0 : i32
      %dma_wait3A_29 = arith.constant 0 : i32
      %dma_wait3A_30 = tpu.memref_slice %arg2[%add3A, %dma_wait3A_28, %dma_wait3A_29] : memref<32x32x128xf32, #tpu.memory_space<hbm>> -> memref<1x32x128xf32, #tpu.memory_space<hbm>>
      %dma_wait3A_31 = tpu.memref_squeeze %dma_wait3A_30 : memref<1x32x128xf32, #tpu.memory_space<hbm>> -> memref<32x128xf32, #tpu.memory_space<hbm>>
      %dma_wait3A_32 = arith.constant 0 : i32
      %dma_wait3A_33 = arith.constant 0 : i32
      %dma_wait3A_34 = tpu.memref_slice %arg9[%run_scoped3A, %dma_wait3A_32, %dma_wait3A_33] : memref<2x32x128xf32, #tpu.memory_space<vmem>> -> memref<1x32x128xf32, #tpu.memory_space<vmem>>
      %dma_wait3A_35 = tpu.memref_squeeze %dma_wait3A_34 : memref<1x32x128xf32, #tpu.memory_space<vmem>> -> memref<32x128xf32, #tpu.memory_space<vmem>>
      %dma_wait3A_36 = arith.constant 0 : i32
      %dma_wait3A_37 = arith.constant 0 : i32
      %dma_wait3A_38 = tpu.memref_slice %arg2[%add3A, %dma_wait3A_36, %dma_wait3A_37] : memref<32x32x128xf32, #tpu.memory_space<hbm>> -> memref<1x32x128xf32, #tpu.memory_space<hbm>>
      %dma_wait3A_39 = tpu.memref_squeeze %dma_wait3A_38 : memref<1x32x128xf32, #tpu.memory_space<hbm>> -> memref<32x128xf32, #tpu.memory_space<hbm>>
      tpu.wait_dma2 semaphore(%run_scoped3A_9 : memref<!tpu.dma_semaphore, #tpu.memory_space<semaphore_mem>>) src(%dma_wait3A_39 : memref<32x128xf32, #tpu.memory_space<hbm>>) dst(%dma_wait3A_35 : memref<32x128xf32, #tpu.memory_space<vmem>>)
      tpu.yield
    }) : () -> ()
    %run_scoped3A_1 = arith.constant 1 : i32
    "tpu.region"() ({
      %run_scoped3A_9 = tpu.sem_alloc : memref<!tpu.dma_semaphore, #tpu.memory_space<semaphore_mem>>
      %dma_start3A = arith.constant 0 : i32
      %dma_start3A_10 = arith.constant 0 : i32
      %dma_start3A_11 = tpu.memref_slice %arg9[%run_scoped3A_1, %dma_start3A, %dma_start3A_10] : memref<2x32x128xf32, #tpu.memory_space<vmem>> -> memref<1x32x128xf32, #tpu.memory_space<vmem>>
      %dma_start3A_12 = tpu.memref_squeeze %dma_start3A_11 : memref<1x32x128xf32, #tpu.memory_space<vmem>> -> memref<32x128xf32, #tpu.memory_space<vmem>>
      %dma_start3A_13 = arith.constant 0 : i32
      %dma_start3A_14 = arith.constant 0 : i32
      %dma_start3A_15 = tpu.memref_slice %arg3[%add3A, %dma_start3A_13, %dma_start3A_14] : memref<32x32x128xf32, #tpu.memory_space<hbm>> -> memref<1x32x128xf32, #tpu.memory_space<hbm>>
      %dma_start3A_16 = tpu.memref_squeeze %dma_start3A_15 : memref<1x32x128xf32, #tpu.memory_space<hbm>> -> memref<32x128xf32, #tpu.memory_space<hbm>>
      %dma_start3A_17 = arith.constant 0 : i32
      %dma_start3A_18 = arith.constant 0 : i32
      %dma_start3A_19 = tpu.memref_slice %arg9[%run_scoped3A_1, %dma_start3A_17, %dma_start3A_18] : memref<2x32x128xf32, #tpu.memory_space<vmem>> -> memref<1x32x128xf32, #tpu.memory_space<vmem>>
      %dma_start3A_20 = tpu.memref_squeeze %dma_start3A_19 : memref<1x32x128xf32, #tpu.memory_space<vmem>> -> memref<32x128xf32, #tpu.memory_space<vmem>>
      %dma_start3A_21 = arith.constant 0 : i32
      %dma_start3A_22 = arith.constant 0 : i32
      %dma_start3A_23 = tpu.memref_slice %arg3[%add3A, %dma_start3A_21, %dma_start3A_22] : memref<32x32x128xf32, #tpu.memory_space<hbm>> -> memref<1x32x128xf32, #tpu.memory_space<hbm>>
      %dma_start3A_24 = tpu.memref_squeeze %dma_start3A_23 : memref<1x32x128xf32, #tpu.memory_space<hbm>> -> memref<32x128xf32, #tpu.memory_space<hbm>>
      tpu.enqueue_dma source(%dma_start3A_24 : memref<32x128xf32, #tpu.memory_space<hbm>>) target(%dma_start3A_20 : memref<32x128xf32, #tpu.memory_space<vmem>>) target_semaphore(%run_scoped3A_9 : memref<!tpu.dma_semaphore, #tpu.memory_space<semaphore_mem>>)
      %dma_wait3A = arith.constant 0 : i32
      %dma_wait3A_25 = arith.constant 0 : i32
      %dma_wait3A_26 = tpu.memref_slice %arg9[%run_scoped3A_1, %dma_wait3A, %dma_wait3A_25] : memref<2x32x128xf32, #tpu.memory_space<vmem>> -> memref<1x32x128xf32, #tpu.memory_space<vmem>>
      %dma_wait3A_27 = tpu.memref_squeeze %dma_wait3A_26 : memref<1x32x128xf32, #tpu.memory_space<vmem>> -> memref<32x128xf32, #tpu.memory_space<vmem>>
      %dma_wait3A_28 = arith.constant 0 : i32
      %dma_wait3A_29 = arith.constant 0 : i32
      %dma_wait3A_30 = tpu.memref_slice %arg3[%add3A, %dma_wait3A_28, %dma_wait3A_29] : memref<32x32x128xf32, #tpu.memory_space<hbm>> -> memref<1x32x128xf32, #tpu.memory_space<hbm>>
      %dma_wait3A_31 = tpu.memref_squeeze %dma_wait3A_30 : memref<1x32x128xf32, #tpu.memory_space<hbm>> -> memref<32x128xf32, #tpu.memory_space<hbm>>
      %dma_wait3A_32 = arith.constant 0 : i32
      %dma_wait3A_33 = arith.constant 0 : i32
      %dma_wait3A_34 = tpu.memref_slice %arg9[%run_scoped3A_1, %dma_wait3A_32, %dma_wait3A_33] : memref<2x32x128xf32, #tpu.memory_space<vmem>> -> memref<1x32x128xf32, #tpu.memory_space<vmem>>
      %dma_wait3A_35 = tpu.memref_squeeze %dma_wait3A_34 : memref<1x32x128xf32, #tpu.memory_space<vmem>> -> memref<32x128xf32, #tpu.memory_space<vmem>>
      %dma_wait3A_36 = arith.constant 0 : i32
      %dma_wait3A_37 = arith.constant 0 : i32
      %dma_wait3A_38 = tpu.memref_slice %arg3[%add3A, %dma_wait3A_36, %dma_wait3A_37] : memref<32x32x128xf32, #tpu.memory_space<hbm>> -> memref<1x32x128xf32, #tpu.memory_space<hbm>>
      %dma_wait3A_39 = tpu.memref_squeeze %dma_wait3A_38 : memref<1x32x128xf32, #tpu.memory_space<hbm>> -> memref<32x128xf32, #tpu.memory_space<hbm>>
      tpu.wait_dma2 semaphore(%run_scoped3A_9 : memref<!tpu.dma_semaphore, #tpu.memory_space<semaphore_mem>>) src(%dma_wait3A_39 : memref<32x128xf32, #tpu.memory_space<hbm>>) dst(%dma_wait3A_35 : memref<32x128xf32, #tpu.memory_space<vmem>>)
      tpu.yield
    }) : () -> ()
    %run_scoped3A_2 = arith.constant 0 : i32
    "tpu.region"() ({
      %run_scoped3A_9 = tpu.sem_alloc : memref<!tpu.dma_semaphore, #tpu.memory_space<semaphore_mem>>
      %dma_start3A = arith.constant 0 : i32
      %dma_start3A_10 = arith.constant 0 : i32
      %dma_start3A_11 = tpu.memref_slice %arg10[%run_scoped3A_2, %dma_start3A, %dma_start3A_10] : memref<2x1x128xf32, #tpu.memory_space<vmem>> -> memref<1x1x128xf32, #tpu.memory_space<vmem>>
      %dma_start3A_12 = tpu.memref_squeeze %dma_start3A_11 : memref<1x1x128xf32, #tpu.memory_space<vmem>> -> memref<1x128xf32, #tpu.memory_space<vmem>>
      %dma_start3A_13 = arith.constant 0 : i32
      %dma_start3A_14 = arith.constant 0 : i32
      %dma_start3A_15 = tpu.memref_slice %arg4[%add3A, %dma_start3A_13, %dma_start3A_14] : memref<32x1x128xf32, #tpu.memory_space<hbm>> -> memref<1x1x128xf32, #tpu.memory_space<hbm>>
      %dma_start3A_16 = tpu.memref_squeeze %dma_start3A_15 : memref<1x1x128xf32, #tpu.memory_space<hbm>> -> memref<1x128xf32, #tpu.memory_space<hbm>>
      %dma_start3A_17 = arith.constant 0 : i32
      %dma_start3A_18 = arith.constant 0 : i32
      %dma_start3A_19 = tpu.memref_slice %arg10[%run_scoped3A_2, %dma_start3A_17, %dma_start3A_18] : memref<2x1x128xf32, #tpu.memory_space<vmem>> -> memref<1x1x128xf32, #tpu.memory_space<vmem>>
      %dma_start3A_20 = tpu.memref_squeeze %dma_start3A_19 : memref<1x1x128xf32, #tpu.memory_space<vmem>> -> memref<1x128xf32, #tpu.memory_space<vmem>>
      %dma_start3A_21 = arith.constant 0 : i32
      %dma_start3A_22 = arith.constant 0 : i32
      %dma_start3A_23 = tpu.memref_slice %arg4[%add3A, %dma_start3A_21, %dma_start3A_22] : memref<32x1x128xf32, #tpu.memory_space<hbm>> -> memref<1x1x128xf32, #tpu.memory_space<hbm>>
      %dma_start3A_24 = tpu.memref_squeeze %dma_start3A_23 : memref<1x1x128xf32, #tpu.memory_space<hbm>> -> memref<1x128xf32, #tpu.memory_space<hbm>>
      tpu.enqueue_dma source(%dma_start3A_24 : memref<1x128xf32, #tpu.memory_space<hbm>>) target(%dma_start3A_20 : memref<1x128xf32, #tpu.memory_space<vmem>>) target_semaphore(%run_scoped3A_9 : memref<!tpu.dma_semaphore, #tpu.memory_space<semaphore_mem>>)
      %dma_wait3A = arith.constant 0 : i32
      %dma_wait3A_25 = arith.constant 0 : i32
      %dma_wait3A_26 = tpu.memref_slice %arg10[%run_scoped3A_2, %dma_wait3A, %dma_wait3A_25] : memref<2x1x128xf32, #tpu.memory_space<vmem>> -> memref<1x1x128xf32, #tpu.memory_space<vmem>>
      %dma_wait3A_27 = tpu.memref_squeeze %dma_wait3A_26 : memref<1x1x128xf32, #tpu.memory_space<vmem>> -> memref<1x128xf32, #tpu.memory_space<vmem>>
      %dma_wait3A_28 = arith.constant 0 : i32
      %dma_wait3A_29 = arith.constant 0 : i32
      %dma_wait3A_30 = tpu.memref_slice %arg4[%add3A, %dma_wait3A_28, %dma_wait3A_29] : memref<32x1x128xf32, #tpu.memory_space<hbm>> -> memref<1x1x128xf32, #tpu.memory_space<hbm>>
      %dma_wait3A_31 = tpu.memref_squeeze %dma_wait3A_30 : memref<1x1x128xf32, #tpu.memory_space<hbm>> -> memref<1x128xf32, #tpu.memory_space<hbm>>
      %dma_wait3A_32 = arith.constant 0 : i32
      %dma_wait3A_33 = arith.constant 0 : i32
      %dma_wait3A_34 = tpu.memref_slice %arg10[%run_scoped3A_2, %dma_wait3A_32, %dma_wait3A_33] : memref<2x1x128xf32, #tpu.memory_space<vmem>> -> memref<1x1x128xf32, #tpu.memory_space<vmem>>
      %dma_wait3A_35 = tpu.memref_squeeze %dma_wait3A_34 : memref<1x1x128xf32, #tpu.memory_space<vmem>> -> memref<1x128xf32, #tpu.memory_space<vmem>>
      %dma_wait3A_36 = arith.constant 0 : i32
      %dma_wait3A_37 = arith.constant 0 : i32
      %dma_wait3A_38 = tpu.memref_slice %arg4[%add3A, %dma_wait3A_36, %dma_wait3A_37] : memref<32x1x128xf32, #tpu.memory_space<hbm>> -> memref<1x1x128xf32, #tpu.memory_space<hbm>>
      %dma_wait3A_39 = tpu.memref_squeeze %dma_wait3A_38 : memref<1x1x128xf32, #tpu.memory_space<hbm>> -> memref<1x128xf32, #tpu.memory_space<hbm>>
      tpu.wait_dma2 semaphore(%run_scoped3A_9 : memref<!tpu.dma_semaphore, #tpu.memory_space<semaphore_mem>>) src(%dma_wait3A_39 : memref<1x128xf32, #tpu.memory_space<hbm>>) dst(%dma_wait3A_35 : memref<1x128xf32, #tpu.memory_space<vmem>>)
      tpu.yield
    }) : () -> ()
    %run_scoped3A_3 = arith.constant 1 : i32
    "tpu.region"() ({
      %run_scoped3A_9 = tpu.sem_alloc : memref<!tpu.dma_semaphore, #tpu.memory_space<semaphore_mem>>
      %dma_start3A = arith.constant 0 : i32
      %dma_start3A_10 = arith.constant 0 : i32
      %dma_start3A_11 = tpu.memref_slice %arg10[%run_scoped3A_3, %dma_start3A, %dma_start3A_10] : memref<2x1x128xf32, #tpu.memory_space<vmem>> -> memref<1x1x128xf32, #tpu.memory_space<vmem>>
      %dma_start3A_12 = tpu.memref_squeeze %dma_start3A_11 : memref<1x1x128xf32, #tpu.memory_space<vmem>> -> memref<1x128xf32, #tpu.memory_space<vmem>>
      %dma_start3A_13 = arith.constant 0 : i32
      %dma_start3A_14 = arith.constant 0 : i32
      %dma_start3A_15 = tpu.memref_slice %arg5[%add3A, %dma_start3A_13, %dma_start3A_14] : memref<32x1x128xf32, #tpu.memory_space<hbm>> -> memref<1x1x128xf32, #tpu.memory_space<hbm>>
      %dma_start3A_16 = tpu.memref_squeeze %dma_start3A_15 : memref<1x1x128xf32, #tpu.memory_space<hbm>> -> memref<1x128xf32, #tpu.memory_space<hbm>>
      %dma_start3A_17 = arith.constant 0 : i32
      %dma_start3A_18 = arith.constant 0 : i32
      %dma_start3A_19 = tpu.memref_slice %arg10[%run_scoped3A_3, %dma_start3A_17, %dma_start3A_18] : memref<2x1x128xf32, #tpu.memory_space<vmem>> -> memref<1x1x128xf32, #tpu.memory_space<vmem>>
      %dma_start3A_20 = tpu.memref_squeeze %dma_start3A_19 : memref<1x1x128xf32, #tpu.memory_space<vmem>> -> memref<1x128xf32, #tpu.memory_space<vmem>>
      %dma_start3A_21 = arith.constant 0 : i32
      %dma_start3A_22 = arith.constant 0 : i32
      %dma_start3A_23 = tpu.memref_slice %arg5[%add3A, %dma_start3A_21, %dma_start3A_22] : memref<32x1x128xf32, #tpu.memory_space<hbm>> -> memref<1x1x128xf32, #tpu.memory_space<hbm>>
      %dma_start3A_24 = tpu.memref_squeeze %dma_start3A_23 : memref<1x1x128xf32, #tpu.memory_space<hbm>> -> memref<1x128xf32, #tpu.memory_space<hbm>>
      tpu.enqueue_dma source(%dma_start3A_24 : memref<1x128xf32, #tpu.memory_space<hbm>>) target(%dma_start3A_20 : memref<1x128xf32, #tpu.memory_space<vmem>>) target_semaphore(%run_scoped3A_9 : memref<!tpu.dma_semaphore, #tpu.memory_space<semaphore_mem>>)
      %dma_wait3A = arith.constant 0 : i32
      %dma_wait3A_25 = arith.constant 0 : i32
      %dma_wait3A_26 = tpu.memref_slice %arg10[%run_scoped3A_3, %dma_wait3A, %dma_wait3A_25] : memref<2x1x128xf32, #tpu.memory_space<vmem>> -> memref<1x1x128xf32, #tpu.memory_space<vmem>>
      %dma_wait3A_27 = tpu.memref_squeeze %dma_wait3A_26 : memref<1x1x128xf32, #tpu.memory_space<vmem>> -> memref<1x128xf32, #tpu.memory_space<vmem>>
      %dma_wait3A_28 = arith.constant 0 : i32
      %dma_wait3A_29 = arith.constant 0 : i32
      %dma_wait3A_30 = tpu.memref_slice %arg5[%add3A, %dma_wait3A_28, %dma_wait3A_29] : memref<32x1x128xf32, #tpu.memory_space<hbm>> -> memref<1x1x128xf32, #tpu.memory_space<hbm>>
      %dma_wait3A_31 = tpu.memref_squeeze %dma_wait3A_30 : memref<1x1x128xf32, #tpu.memory_space<hbm>> -> memref<1x128xf32, #tpu.memory_space<hbm>>
      %dma_wait3A_32 = arith.constant 0 : i32
      %dma_wait3A_33 = arith.constant 0 : i32
      %dma_wait3A_34 = tpu.memref_slice %arg10[%run_scoped3A_3, %dma_wait3A_32, %dma_wait3A_33] : memref<2x1x128xf32, #tpu.memory_space<vmem>> -> memref<1x1x128xf32, #tpu.memory_space<vmem>>
      %dma_wait3A_35 = tpu.memref_squeeze %dma_wait3A_34 : memref<1x1x128xf32, #tpu.memory_space<vmem>> -> memref<1x128xf32, #tpu.memory_space<vmem>>
      %dma_wait3A_36 = arith.constant 0 : i32
      %dma_wait3A_37 = arith.constant 0 : i32
      %dma_wait3A_38 = tpu.memref_slice %arg5[%add3A, %dma_wait3A_36, %dma_wait3A_37] : memref<32x1x128xf32, #tpu.memory_space<hbm>> -> memref<1x1x128xf32, #tpu.memory_space<hbm>>
      %dma_wait3A_39 = tpu.memref_squeeze %dma_wait3A_38 : memref<1x1x128xf32, #tpu.memory_space<hbm>> -> memref<1x128xf32, #tpu.memory_space<hbm>>
      tpu.wait_dma2 semaphore(%run_scoped3A_9 : memref<!tpu.dma_semaphore, #tpu.memory_space<semaphore_mem>>) src(%dma_wait3A_39 : memref<1x128xf32, #tpu.memory_space<hbm>>) dst(%dma_wait3A_35 : memref<1x128xf32, #tpu.memory_space<vmem>>)
      tpu.yield
    }) : () -> ()
    "tpu.region"() ({
      %run_scoped3A_9 = tpu.sem_alloc : memref<!tpu.dma_semaphore, #tpu.memory_space<semaphore_mem>>
      %dma_start3A = arith.constant 0 : i32
      %dma_start3A_10 = arith.constant 0 : i32
      %dma_start3A_11 = tpu.memref_slice %arg6[%add3A, %dma_start3A, %dma_start3A_10] : memref<32x1x128xf32, #tpu.memory_space<hbm>> -> memref<1x1x128xf32, #tpu.memory_space<hbm>>
      %dma_start3A_12 = tpu.memref_squeeze %dma_start3A_11 : memref<1x1x128xf32, #tpu.memory_space<hbm>> -> memref<1x128xf32, #tpu.memory_space<hbm>>
      %dma_start3A_13 = arith.constant 0 : i32
      %dma_start3A_14 = arith.constant 0 : i32
      %dma_start3A_15 = tpu.memref_slice %arg6[%add3A, %dma_start3A_13, %dma_start3A_14] : memref<32x1x128xf32, #tpu.memory_space<hbm>> -> memref<1x1x128xf32, #tpu.memory_space<hbm>>
      %dma_start3A_16 = tpu.memref_squeeze %dma_start3A_15 : memref<1x1x128xf32, #tpu.memory_space<hbm>> -> memref<1x128xf32, #tpu.memory_space<hbm>>
      tpu.enqueue_dma source(%dma_start3A_16 : memref<1x128xf32, #tpu.memory_space<hbm>>) target(%arg11 : memref<1x128xf32, #tpu.memory_space<vmem>>) target_semaphore(%run_scoped3A_9 : memref<!tpu.dma_semaphore, #tpu.memory_space<semaphore_mem>>)
      %dma_wait3A = arith.constant 0 : i32
      %dma_wait3A_17 = arith.constant 0 : i32
      %dma_wait3A_18 = tpu.memref_slice %arg6[%add3A, %dma_wait3A, %dma_wait3A_17] : memref<32x1x128xf32, #tpu.memory_space<hbm>> -> memref<1x1x128xf32, #tpu.memory_space<hbm>>
      %dma_wait3A_19 = tpu.memref_squeeze %dma_wait3A_18 : memref<1x1x128xf32, #tpu.memory_space<hbm>> -> memref<1x128xf32, #tpu.memory_space<hbm>>
      %dma_wait3A_20 = arith.constant 0 : i32
      %dma_wait3A_21 = arith.constant 0 : i32
      %dma_wait3A_22 = tpu.memref_slice %arg6[%add3A, %dma_wait3A_20, %dma_wait3A_21] : memref<32x1x128xf32, #tpu.memory_space<hbm>> -> memref<1x1x128xf32, #tpu.memory_space<hbm>>
      %dma_wait3A_23 = tpu.memref_squeeze %dma_wait3A_22 : memref<1x1x128xf32, #tpu.memory_space<hbm>> -> memref<1x128xf32, #tpu.memory_space<hbm>>
      tpu.wait_dma2 semaphore(%run_scoped3A_9 : memref<!tpu.dma_semaphore, #tpu.memory_space<semaphore_mem>>) src(%dma_wait3A_23 : memref<1x128xf32, #tpu.memory_space<hbm>>) dst(%arg11 : memref<1x128xf32, #tpu.memory_space<vmem>>)
      tpu.yield
    }) : () -> ()
    "tpu.region"() ({
      %run_scoped3A_9 = tpu.sem_alloc : memref<!tpu.dma_semaphore, #tpu.memory_space<semaphore_mem>>
      tpu.enqueue_dma source(%arg7 : memref<16xf32, #tpu.memory_space<hbm>>) target(%arg12 : memref<16xf32, #tpu.memory_space<vmem>>) target_semaphore(%run_scoped3A_9 : memref<!tpu.dma_semaphore, #tpu.memory_space<semaphore_mem>>)
      tpu.wait_dma2 semaphore(%run_scoped3A_9 : memref<!tpu.dma_semaphore, #tpu.memory_space<semaphore_mem>>) src(%arg7 : memref<16xf32, #tpu.memory_space<hbm>>) dst(%arg12 : memref<16xf32, #tpu.memory_space<vmem>>)
      tpu.yield
    }) : () -> ()
    %scan3A = arith.constant 0 : i32
    %scan3A_4 = arith.constant 0 : i32
    %scan3A_5 = arith.constant 8 : i32
    %scan3A_6 = arith.addi %scan3A_4, %scan3A_5 : i32
    %scan3A_7 = arith.constant 1 : i32
    scf.for %scan3A_9 = %scan3A_4 to %scan3A_6 step %scan3A_7  : i32 {
      %mul3A_10 = arith.constant 16 : i32
      %mul3A_11 = arith.muli %scan3A_9, %mul3A_10 : i32
      %broadcast_in_dim3A = arith.constant 0.000000e+00 : f32
      %broadcast_in_dim3A_12 = vector.broadcast %broadcast_in_dim3A : f32 to vector<16xf32>
      %scan3A_13 = arith.constant 0 : i32
      %scan3A_14 = arith.constant 32 : i32
      %scan3A_15 = arith.addi %scan3A_13, %scan3A_14 : i32
      %scan3A_16 = arith.constant 1 : i32
      %scan3A_17 = scf.for %scan3A_45 = %scan3A_13 to %scan3A_15 step %scan3A_16 iter_args(%scan3A_46 = %broadcast_in_dim3A_12) -> (vector<16xf32>)  : i32 {
        %get3A_47 = arith.constant 0 : i32
        %get3A_48 = arith.index_cast %get3A_47 : i32 to index
        %get3A_49 = arith.index_cast %scan3A_45 : i32 to index
        %get3A_50 = arith.index_cast %mul3A_11 : i32 to index
        %get3A_51 = tpu.vector_load %arg9[%get3A_48, %get3A_49, %get3A_50] {strides = array<i32>} : memref<2x32x128xf32, #tpu.memory_space<vmem>>, vector<16xf32>,
        %get3A_52 = arith.constant 1 : i32
        %get3A_53 = arith.index_cast %get3A_52 : i32 to index
        %get3A_54 = arith.index_cast %scan3A_45 : i32 to index
        %get3A_55 = arith.index_cast %mul3A_11 : i32 to index
        %get3A_56 = tpu.vector_load %arg9[%get3A_53, %get3A_54, %get3A_55] {strides = array<i32>} : memref<2x32x128xf32, #tpu.memory_space<vmem>>, vector<16xf32>,
        %add3A_57 = arith.addf %get3A_51, %get3A_56 : vector<16xf32>
        %mul3A_58 = arith.mulf %add3A_57, %add3A_57 : vector<16xf32>
        %add3A_59 = arith.addf %scan3A_46, %mul3A_58 : vector<16xf32>
        scf.yield %add3A_59 : vector<16xf32>
      }
      %scan3A_18 = arith.constant 32 : i32
      %get3A = arith.constant 0 : i32
      %get3A_19 = arith.constant 0 : i32
      %get3A_20 = arith.index_cast %get3A : i32 to index
      %get3A_21 = arith.index_cast %get3A_19 : i32 to index
      %get3A_22 = arith.index_cast %mul3A_11 : i32 to index
      %get3A_23 = tpu.vector_load %arg10[%get3A_20, %get3A_21, %get3A_22] {strides = array<i32>} : memref<2x1x128xf32, #tpu.memory_space<vmem>>, vector<16xf32>,
      %get3A_24 = arith.constant 1 : i32
      %get3A_25 = arith.constant 0 : i32
      %get3A_26 = arith.index_cast %get3A_24 : i32 to index
      %get3A_27 = arith.index_cast %get3A_25 : i32 to index
      %get3A_28 = arith.index_cast %mul3A_11 : i32 to index
      %get3A_29 = tpu.vector_load %arg10[%get3A_26, %get3A_27, %get3A_28] {strides = array<i32>} : memref<2x1x128xf32, #tpu.memory_space<vmem>>, vector<16xf32>,
      %add3A_30 = arith.addf %get3A_23, %get3A_29 : vector<16xf32>
      %sub3A = arith.subf %scan3A_17, %add3A_30 : vector<16xf32>
      %mul3A_31 = arith.constant 5.000000e-01 : f32
      %mul3A_32 = vector.broadcast %mul3A_31 : f32 to vector<16xf32>
      %mul3A_33 = arith.mulf %mul3A_32, %sub3A : vector<16xf32>
      %get3A_34 = arith.constant 0 : i32
      %get3A_35 = arith.index_cast %get3A_34 : i32 to index
      %get3A_36 = arith.index_cast %mul3A_11 : i32 to index
      %get3A_37 = tpu.vector_load %arg11[%get3A_35, %get3A_36] {strides = array<i32>} : memref<1x128xf32, #tpu.memory_space<vmem>>, vector<16xf32>,
      %add3A_38 = arith.addf %mul3A_33, %get3A_37 : vector<16xf32>
      %get3A_39 = arith.constant 0 : index
      %get3A_40 = tpu.vector_load %arg12[%get3A_39] {strides = array<i32>} : memref<16xf32, #tpu.memory_space<vmem>>, vector<16xf32>,
      %add3A_41 = arith.addf %add3A_38, %get3A_40 : vector<16xf32>
      %swap3A = arith.constant 0 : i32
      %swap3A_42 = arith.index_cast %swap3A : i32 to index
      %swap3A_43 = arith.index_cast %mul3A_11 : i32 to index
      %swap3A_44 = tpu.vector_load %arg13[%swap3A_42, %swap3A_43] {strides = array<i32>} : memref<1x128xf32, #tpu.memory_space<vmem>>, vector<16xf32>,
      tpu.vector_store %arg13[%swap3A_42, %swap3A_43], %add3A_41 {strides = array<i32>} : memref<1x128xf32, #tpu.memory_space<vmem>>, vector<16xf32>,
    }
    %scan3A_8 = arith.constant 8 : i32
    "tpu.region"() ({
      %run_scoped3A_9 = tpu.sem_alloc : memref<!tpu.dma_semaphore, #tpu.memory_space<semaphore_mem>>
      %dma_start3A = arith.constant 0 : i32
      %dma_start3A_10 = arith.constant 0 : i32
      %dma_start3A_11 = tpu.memref_slice %arg8[%add3A, %dma_start3A, %dma_start3A_10] : memref<32x1x128xf32, #tpu.memory_space<hbm>> -> memref<1x1x128xf32, #tpu.memory_space<hbm>>
      %dma_start3A_12 = tpu.memref_squeeze %dma_start3A_11 : memref<1x1x128xf32, #tpu.memory_space<hbm>> -> memref<1x128xf32, #tpu.memory_space<hbm>>
      %dma_start3A_13 = arith.constant 0 : i32
      %dma_start3A_14 = arith.constant 0 : i32
      %dma_start3A_15 = tpu.memref_slice %arg8[%add3A, %dma_start3A_13, %dma_start3A_14] : memref<32x1x128xf32, #tpu.memory_space<hbm>> -> memref<1x1x128xf32, #tpu.memory_space<hbm>>
      %dma_start3A_16 = tpu.memref_squeeze %dma_start3A_15 : memref<1x1x128xf32, #tpu.memory_space<hbm>> -> memref<1x128xf32, #tpu.memory_space<hbm>>
      tpu.enqueue_dma source(%arg13 : memref<1x128xf32, #tpu.memory_space<vmem>>) target(%dma_start3A_16 : memref<1x128xf32, #tpu.memory_space<hbm>>) target_semaphore(%run_scoped3A_9 : memref<!tpu.dma_semaphore, #tpu.memory_space<semaphore_mem>>)
      %dma_wait3A = arith.constant 0 : i32
      %dma_wait3A_17 = arith.constant 0 : i32
      %dma_wait3A_18 = tpu.memref_slice %arg8[%add3A, %dma_wait3A, %dma_wait3A_17] : memref<32x1x128xf32, #tpu.memory_space<hbm>> -> memref<1x1x128xf32, #tpu.memory_space<hbm>>
      %dma_wait3A_19 = tpu.memref_squeeze %dma_wait3A_18 : memref<1x1x128xf32, #tpu.memory_space<hbm>> -> memref<1x128xf32, #tpu.memory_space<hbm>>
      %dma_wait3A_20 = arith.constant 0 : i32
      %dma_wait3A_21 = arith.constant 0 : i32
      %dma_wait3A_22 = tpu.memref_slice %arg8[%add3A, %dma_wait3A_20, %dma_wait3A_21] : memref<32x1x128xf32, #tpu.memory_space<hbm>> -> memref<1x1x128xf32, #tpu.memory_space<hbm>>
      %dma_wait3A_23 = tpu.memref_squeeze %dma_wait3A_22 : memref<1x1x128xf32, #tpu.memory_space<hbm>> -> memref<1x128xf32, #tpu.memory_space<hbm>>
      tpu.wait_dma2 semaphore(%run_scoped3A_9 : memref<!tpu.dma_semaphore, #tpu.memory_space<semaphore_mem>>) src(%arg13 : memref<1x128xf32, #tpu.memory_space<vmem>>) dst(%dma_wait3A_23 : memref<1x128xf32, #tpu.memory_space<hbm>>)
      tpu.yield
    }) : () -> ()
    return
  }
}

</mosaic_0001>

<sc_bundles>
// kernel: kernel.11.cloned.1.call-start
scs
__scs_entry_jumppad:
0x0: {  	(pc) =	sbr.rel $0x88, $3  }
0x1: {  	(tag) =	ssettag $0x0;
	lr =	simm.s32 $0x1  }
0x2: {  	[smem:$0x3F9D] =	sst lr;
	_ =	strace $0xD0000000  }
0x3: {  	_ = 	snop  }
0x4: {  	_ = 	snop  }
0x5: {  	_ = 	snop  }
0x6: {  	_ = 	snop  }
0x7: {  	_ = 	snop  }
__scs_overlays_trampoline_lowered:
0x8: {  	[smem:$0x3FAC] =	sst s0  }
0x9: {  	[smem:$0x3FAD] =	sst s1  }
0xa: {  	[smem:$0x3FAE] =	sst s2  }
0xb: {  	[smem:$0x3FAF] =	sst s3  }
0xc: {  	[smem:$0x3FB0] =	sst s4  }
0xd: {  	[smem:$0x3FB1] =	sst s5  }
0xe: {  	[smem:$0x3FB2] =	sst s6  }
0xf: {  	[smem:$0x3FB3] =	sst s7  }
0x10: {  	[smem:$0x3FB4] =	sst s8  }
0x11: {  	[smem:$0x3FB5] =	sst s9;
	s0 =	simm.s32 @!p0 $0x0  }
0x12: {  	s1 =	sld [smem:$0x3F9B];
	s0 =	simm.s32 @p0 $0x1  }
0x13: {  	[smem:$0x3FB6] =	sst s0;
	s0 =	simm.s32 @!p1 $0x0  }
0x14: {  	s2 =	sld [smem:$0x3F9A];
	s0 =	simm.s32 @p1 $0x1  }
0x15: {  	[smem:$0x3FB7] =	sst s0;
	s0 =	simm.s32 @!p2 $0x0  }
0x16: {  	s3 =	sld [smem:$0x3FDB];
	s0 =	simm.s32 @p2 $0x1  }
0x17: {  	s4 =	simm.s32 $0x1BF5;
	[smem:$0x3FB9] =	sst s0  }
0x18: {  	s0 =	sld [smem:$0x3F9C];
	_ =	swait.ge [sflag:s4], $0x0  }
0x19: {  	s7 =	sld [smem:$0x3F9D]  }
0x1a: {  	s8 =	sadd.s32 $0xFFFFE003, lr  }
0x1b: {  	s9 =	sadd.s32 $0xFFFFFEF7, lr;
	s5 =	simm.s32 $0xFFFFFFFF;
	p2 =	slt.u32 s8, $0xFFFFF086  }
0x1c: {  	p1 =	slt.u32 s9, $0xF7A;
	s5 =	simm.s32 @!p2 $0x0  }
0x1d: {  	s5 =	simm.s32 @p1 $0x1;
	p0 =	seq.s32 s7, s2  }
0x1e: {  	s7 =	smul.u32 @!p0 $0xF7A, s2;
	p2 =	seq.s32 @!p0 s5, $0x0  }
0x1f: {  	s9 =	smul.u32 $0xF7A, s1;
	s8 =	simm.s32 @!p0 $0x1BF5;
	p2 =	por !p2, p0  }
0x20: {  	[sflag:s8] =	ssyncset.s32 @!p0 $0xFFFFF086;
	s6 =	sadd.s32 @!p0 s3, s7;
	s7 =	simm.s32 @!p0 $0x108  }
0x21: {  	s3 =	sadd.s32 s3, s9;
	s6 =	sadd.s32 @!p0 $0x88, s6;
	s7 =	simm.s32 @p2 $0x1082  }
0x22: {  	[simem:s7], [sflag:s8] =	dma.local @!p0 [hbm:s6], $0xF7A  }
0x23: {  	s9 =	sor.u32 $0xD0000000, s2;
	s6 =	simm.s32 $0x108;
	_ =	swait.ge @!p0 [sflag:s8], $0x0  }
0x24: {  	s3 =	sadd.s32 $0x88, s3;
	s6 =	simm.s32 @!p1 $0x1082;
	[sflag:s4] =	ssyncset.s32 $0xFFFFF086  }
0x25: {  	[simem:s6], [sflag:s4] =	dma.local [hbm:s3], $0xF7A  }
0x26: {  	[smem:$0x3F9D] =	sst s1;
	(tag) =	ssettag s2;
	_ =	strace s9  }
0x27: {  	s1 =	sld [smem:$0x3FAD]  }
0x28: {  	s2 =	sld [smem:$0x3FAE]  }
0x29: {  	s4 =	sld [smem:$0x3FB0]  }
0x2a: {  	p0 =	seq.s32 s5, $0x0;
	s5 =	sld [smem:$0x3FB1]  }
0x2b: {  	s6 =	sld [smem:$0x3FB2]  }
0x2c: {  	s7 =	sld [smem:$0x3FB3]  }
0x2d: {  	s3 =	simm.s32 $0x108;
	s8 =	sld [smem:$0x3FB4]  }
0x2e: {  	s3 =	simm.s32 @!p0 $0x1082;
	s9 =	sld [smem:$0x3FB5]  }
0x2f: {  	lr =	sadd.s32 s0, s3;
	s0 =	sld [smem:$0x3FAC]  }
0x30: {  	s3 =	sld [smem:$0x3FAF]  }
0x31: {  	[smem:$0x3FB8] =	sst s10  }
0x32: {  	s10 =	sld [smem:$0x3FB6];
	_ =	sdelay $0x3  }
0x33: {  	p0 =	seq.s32 s10, $0x1;
	s10 =	sld [smem:$0x3FB8];
	_ =	sdelay $0x3  }
0x34: {  	[smem:$0x3FB8] =	sst s10  }
0x35: {  	s10 =	sld [smem:$0x3FB7];
	_ =	sdelay $0x3  }
0x36: {  	p1 =	seq.s32 s10, $0x1;
	s10 =	sld [smem:$0x3FB8];
	_ =	sdelay $0x3  }
0x37: {  	[smem:$0x3FB8] =	sst s10  }
0x38: {  	s10 =	sld [smem:$0x3FB9]  }
0x39: {  	_ = 	snop;
	(pc) =	sbr.ind lr, $3  }
0x3a: {  	_ = 	snop  }
0x3b: {  	_ = 	snop  }
0x3c: {  	p2 =	seq.s32 s10, $0x1;
	s10 =	sld [smem:$0x3FB8]  }
0x3d: {  	_ =	shalt  }
0x3e: {  	_ =	shalt  }
0x3f: {  	_ =	shalt  }
0x40: {  	_ =	shalt  }
0x41: {  	_ =	shalt  }
0x42: {  	_ =	shalt  }
0x43: {  	_ =	shalt  }
0x44: {  	_ =	shalt  }
0x45: {  	_ =	shalt  }
0x46: {  	_ =	shalt  }
0x47: {  	_ =	shalt  }
0x48: {  	_ =	shalt  }
0x49: {  	_ =	shalt  }
0x4a: {  	_ =	shalt  }
0x4b: {  	_ =	shalt  }
0x4c: {  	_ =	shalt  }
0x4d: {  	_ =	shalt  }
0x4e: {  	_ =	shalt  }
0x4f: {  	_ =	shalt  }
0x50: {  	_ =	shalt  }
0x51: {  	_ =	shalt  }
0x52: {  	_ =	shalt  }
0x53: {  	_ =	shalt  }
0x54: {  	_ =	shalt  }
0x55: {  	_ =	shalt  }
0x56: {  	_ =	shalt  }
0x57: {  	_ =	shalt  }
0x58: {  	_ =	shalt  }
0x59: {  	_ =	shalt  }
0x5a: {  	_ =	shalt  }
0x5b: {  	_ =	shalt  }
0x5c: {  	_ =	shalt  }
0x5d: {  	_ =	shalt  }
0x5e: {  	_ =	shalt  }
0x5f: {  	_ =	shalt  }
0x60: {  	_ =	shalt  }
0x61: {  	_ =	shalt  }
0x62: {  	_ =	shalt  }
0x63: {  	_ =	shalt  }
0x64: {  	_ =	shalt  }
0x65: {  	_ =	shalt  }
0x66: {  	_ =	shalt  }
0x67: {  	_ =	shalt  }
0x68: {  	_ =	shalt  }
0x69: {  	_ =	shalt  }
0x6a: {  	_ =	shalt  }
0x6b: {  	_ =	shalt  }
0x6c: {  	_ =	shalt  }
0x6d: {  	_ =	shalt  }
0x6e: {  	_ =	shalt  }
0x6f: {  	_ =	shalt  }
0x70: {  	_ =	shalt  }
0x71: {  	_ =	shalt  }
0x72: {  	_ =	shalt  }
0x73: {  	_ =	shalt  }
0x74: {  	_ =	shalt  }
0x75: {  	_ =	shalt  }
0x76: {  	_ =	shalt  }
0x77: {  	_ =	shalt  }
0x78: {  	_ =	shalt  }
0x79: {  	_ =	shalt  }
0x7a: {  	_ =	shalt  }
0x7b: {  	_ =	shalt  }
0x7c: {  	_ =	shalt  }
0x7d: {  	_ =	shalt  }
0x7e: {  	_ =	shalt  }
0x7f: {  	_ =	shalt  }
0x80: {  	_ =	shalt  }
0x81: {  	_ =	shalt  }
0x82: {  	_ =	shalt  }
0x83: {  	_ =	shalt  }
0x84: {  	_ =	shalt  }
0x85: {  	_ =	shalt  }
0x86: {  	_ =	shalt  }
0x87: {  	_ =	shalt  }
.Lfunc_end0:
.L_simem_size_0:
called_computation.2_lowered:
.L_overlay_start_0:
0x88: {  	s2 =	sld [smem:$0x3FD9]  }
0x89: {  	s3 =	sld [smem:$0x3FFE];
	_ =	sdelay $0x1  }
0x8a: {  	s1 =	srdreg.scid  }
0x8b: {  	s0 =	sand.u32 $0x1, s1  }
0x8c: {  	s17 =	sshll.u32 s0, $0xA;
	s2 =	sadd.s32 s3, s2  }
0x8d: {  	s2 =	sadd.s32 s2, s17  }
0x8e: {  	[smem:$0x3FC4] =	sst s2  }
0x8f: {  	_ = 	snop  }
0x90: {  	s2 =	sld [smem:$0x3FD0];
	(tm) =	ssettm $0x1  }
0x91: {  	s18 =	sld [smem:$0x3FFB];
	_ =	sdelay $0x3  }
0x92: {  	_ =	strace s18  }
0x93: {  	s3 =	sld [smem:$0x3FFC];
	_ =	sdelay $0x3  }
0x94: {  	_ =	strace s3  }
0x95: {  	s3 =	sld [smem:$0x3FFD];
	_ =	sdelay $0x3  }
0x96: {  	_ =	strace s3  }
0x97: {  	_ =	strace $0x8FFFFFFF  }
0x98: {  	s19 =	sld [smem:$0x3FDB];
	_ =	sdelay $0x1  }
0x99: {  	s4 =	simm.s32 $_scs_section_size  }
0x9a: {  	s5 =	simm.s32 $_size__tile_overlayer_lowered;
	s6 =	simm.s32 $_tile_overlayer_lowered  }
0x9b: {  	s22 =	simm.s32 $0x1BFF;
	s21 =	sshll.u32 s6, $0x1;
	s3 =	sadd.s32 s4, s19  }
0x9c: {  	s7 =	simm.s32 $0x0;
	s20 =	sshll.u32 s5, $0x1;
	s5 =	sadd.s32 s21, s3  }
0x9d: {  	[timem:s7], [sflag:s22] =	dma.local [hbm:s5], s20  }
0x9e: {  	_ =	swait.ge [sflag:s22], s20  }
0x9f: {  	s4 =	ssub.s32 $0x0, s20;
	[sflag:s22] =	ssyncset.done $0x0  }
0xa0: {  	[sflag:s22] =	ssyncadd.s32 s4;
	_ =	sdelay $0x1  }
0xa1: {  	s23 =	simm.s32 $0x1B8B  }
0xa2: {  	_ =	swait.ge [sflag:s23], $0x1  }
0xa3: {  	[sflag:s23] =	ssyncset.done $0x0  }
0xa4: {  	s25 =	simm.s32 $0x1B8E;
	s24 =	sld [smem:$0x3FFE];
	[sflag:s23] =	ssyncadd.s32 $0xFFFFFFFF  }
0xa5: {  	s26 =	simm.s32 $execute0_lowered;
	[smem:$0x3FD2] =	sst s25  }
0xa6: {  	s5 =	sshll.u32 s26, $0x1;
	_ =	strace $0x8000004C;
	[dreg:$0x1] =	wrdreg $0xFFFFFFFF  }
0xa7: {  	s28 =	simm.s32 $_size_execute0_lowered;
	s3 =	sadd.s32 s3, s5;
	[dreg:$0x0] =	wrdreg $0x0  }
0xa8: {  	s5 =	sshll.u32 s28, $0x1;
	[dreg:$0x2] =	wrdreg s3  }
0xa9: {  	[dreg:$0x3] =	wrdreg s5  }
0xaa: {  	[dreg:$0x4] =	wrdreg $0xC0  }
0xab: {  	_ =	task [dreg:s7], $0x5FFFF  }
0xac: {  	[dreg:$0x1] =	wrdreg $0xFFFFFFFF  }
0xad: {  	[dreg:$0x0] =	wrdreg $0x60  }
0xae: {  	[dreg:$0x2] =	wrdreg s24  }
0xaf: {  	[dreg:$0x3] =	wrdreg s2  }
0xb0: {  	[dreg:$0x4] =	wrdreg $0x9  }
0xb1: {  	_ =	task.clear_ibuf [dreg:s7], $0x5FFFF;
	_ =	strace $0x9000004C  }
0xb2: {  	s29 =	simm.s32 $0x9;
	_ =	strace $0x8000004E  }
0xb3: {  	_ =	swait.ge [sflag:s29], $0x1  }
0xb4: {  	[sflag:s29] =	ssyncadd.s32 $0xFFFFFFFF  }
0xb5: {  	_ =	strace $0x9000004E  }
0xb6: {  	_ =	sfence  }
0xb7: {  	s30 =	sld [smem:$0x0];
	_ =	sdelay $0x2  }
0xb8: {  	s31 =	sshll.u32 s1, $0xD;
	s1 =	sshrl.u32 s1, $0x2  }
0xb9: {  	s3 =	sand.u32 $0x4000, s31;
	s1 =	sadd.s32 s1, s30  }
0xba: {  	s0 =	sor.u32 s3, s0;
	s1 =	sshll.u32 s1, $0x11  }
0xbb: {  	s0 =	sor.u32 s1, s0  }
0xbc: {  	s0 =	sadd.s32 $0x8F2B, s0  }
0xbd: {  	[sflag:s0] =	ssyncadd.remote.s32 $0x1  }
0xbe: {  	_ =	sfence.sel $0xFFFF  }
0xbf: {  	[dreg:$0x0] =	wrdreg $0xFFFFFFFF;
	(pc) =	sbr.abs _section_cstart, $3  }
0xc0: {  	[dreg:$0x1] =	wrdreg $0xFFFFFFFF  }
0xc1: {  	_ =	task.clear_ibuf [dreg:s7], $0x2FFFF;
	_ =	strace $0x9FFFFFFF  }
0xc2: {  	(tm) =	ssettm $0x7FFFFFFF  }
0xc3: {  	_ =	shalt  }
tec
execute0_lowered:
.L_overlay_start_1:
0x0: {  	(tag) =	ssettag $0x1  }
0x1: {  	s3 =	rddreg [dreg:$0x0]  }
0x2: {  	s9 =	rddreg [dreg:$0x1]  }
0x3: {  	s0 =	rddreg [dreg:$0x2];
	s4 =	srdreg.scid  }
0x4: {  	s1 =	stileid.u32;
	s2 =	simm.s32 $0x0;
	s12 =	simm.s32 $0x1000  }
0x5: {  	s13 =	simm.s32 $0x2000;
	s14 =	simm.s32 $0x2080;
	s15 =	simm.s32 $0x2100  }
0x6: {  	s16 =	simm.s32 $0x2180;
	s17 =	simm.s32 $0x2190;
	s18 =	simm.s32 $0x0  }
0x7: {  	s4 =	sand.u32 $0x1, s4;
	s5 =	sshll.u32 s1, $0x1;
	[smem:$0x7FF] =	sst s2  }
0x8: {  	s5 =	sor.u32 s4, s5;
	_ =	strace $0x8000004D;
	s4 =	ssub.s32 $0x2, s4  }
0x9: {  	s6 =	sshll.u32 s5, $0x9;
	s10 =	sshll.u32 s5, $0x4;
	s31 =	sshrl.u32 s4, $0x1  }
0xa: {  	s6 =	sadd.s32 s6, s3;
	s8 =	sadd.s32 s10, s3;
	s3 =	sadd.s32 $0x1A00, s3  }
0xb: {  	s11 =	ssub.s32 s4, s31;
	s9 =	sadd.s32 s9, s10;
	s4 =	sadd.s32 $0x54400, s6  }
0xc: {  	s5 =	sadd.s32 $0x58800, s6;
	s6 =	sadd.s32 $0x58400, s8;
	s7 =	sadd.s32 $0x5C800, s8  }
0xd: {  	s8 =	sadd.s32 $0x58600, s8;
	s10 =	smax.u32 s11, $0x1;
	s11 =	simm.s32 $0x1  }
.LBB2_1:
0xe: {  	[tilespmem:s2], [sflag:$0x1] =	stream.linear.gather [hbm4b:s4+s2], $0x1000, $0x38;
	[tilespmem:$0x2210] =	vst v63  }
0xf: {  	_ =	swait.ge [sflag:s11], $0x1000  }
0x10: {  	[sflag:s11] =	ssyncset.done $0x0  }
0x11: {  	[sflag:s11] =	ssyncadd.s32 $0xFFFFF000  }
0x12: {  	[tilespmem:s12], [sflag:$0x1] =	stream.linear.gather [hbm4b:s5+s2], $0x1000, $0x38;
	[tilespmem:$0x2210] =	vst v63  }
0x13: {  	_ =	swait.ge [sflag:s11], $0x1000  }
0x14: {  	[sflag:s11] =	ssyncset.done $0x0  }
0x15: {  	[sflag:s11] =	ssyncadd.s32 $0xFFFFF000  }
0x16: {  	[tilespmem:s13], [sflag:$0x1] =	stream.linear.gather [hbm4b:s6+s2], $0x80, $0x38;
	[tilespmem:$0x2210] =	vst v63  }
0x17: {  	_ =	swait.ge [sflag:s11], $0x80  }
0x18: {  	[sflag:s11] =	ssyncset.done $0x0  }
0x19: {  	[sflag:s11] =	ssyncadd.s32 $0xFFFFFF80  }
0x1a: {  	[tilespmem:s14], [sflag:$0x1] =	stream.linear.gather [hbm4b:s7+s2], $0x80, $0x38;
	[tilespmem:$0x2210] =	vst v63  }
0x1b: {  	_ =	swait.ge [sflag:s11], $0x80  }
0x1c: {  	[sflag:s11] =	ssyncset.done $0x0  }
0x1d: {  	[sflag:s11] =	ssyncadd.s32 $0xFFFFFF80  }
0x1e: {  	[tilespmem:s15], [sflag:$0x1] =	stream.linear.gather [hbm4b:s8+s2], $0x80, $0x38;
	[tilespmem:$0x2210] =	vst v63  }
0x1f: {  	_ =	swait.ge [sflag:s11], $0x80  }
0x20: {  	[sflag:s11] =	ssyncset.done $0x0  }
0x21: {  	[sflag:s11] =	ssyncadd.s32 $0xFFFFFF80  }
0x22: {  	[tilespmem:s16], [sflag:$0x1] =	stream.linear.gather [hbm4b:s3+s2], $0x10, $0x38;
	[tilespmem:$0x2210] =	vst v63  }
0x23: {  	_ =	swait.ge [sflag:s11], $0x10  }
0x24: {  	[sflag:s11] =	ssyncset.done $0x0  }
0x25: {  	s19 =	simm.s32 $0x0;
	s20 =	simm.s32 $0x0;
	[sflag:s11] =	ssyncadd.s32 $0xFFFFFFF0  }
.LBB2_2:
0x26: {  	v0 =	vmov s19;
	_ =	sdelay $0x3  }
0x27: {  	s21 =	simm.s32 $0x0  }
0x28: {  	v1 =	vld.idx.msk [tilespmem:v0+s21+$0x0 ss:$0x1], $0xffff  }
0x29: {  	v2 =	vld.idx.msk [tilespmem:v0+s21+$0x1000 ss:$0x1], $0xffff;
	_ =	sdelay $0x3  }
0x2a: {  	s23 =	simm.s32 $0x80  }
0x2b: {  	v4 =	vadd.f32 v2, v1;
	v2 =	vld.idx.msk [tilespmem:v0+s23+$0x0 ss:$0x1], $0xffff  }
0x2c: {  	v3 =	vld.idx.msk [tilespmem:v0+s23+$0x1000 ss:$0x1], $0xffff  }
0x2d: {  	s22 =	simm.s32 $0x400;
	s21 =	sshll.u32 s20, $0x4;
	v1 =	vimm.f32 $0.0e+00;
	v4 =	vmul.f32 v4, v4  }
.LBB2_3:
0x2e: {  	p0 =	sne.s32 s22, $0x3E00  }
.Ltmp0:
0x2f: {  	s23 =	sshra.s32 s22, $0x2;
	v1 =	vadd.f32 v4, v1;
	(pc) =	sbr.rel @p0 .LBB2_3-.Ltmp0, $3  }
0x30: {  	s22 =	sadd.s32 $0x200, s22;
	v4 =	vmov v2;
	v2 =	vld.idx.msk [tilespmem:v0+s23+$0x0 ss:$0x1], $0xffff  }
0x31: {  	v4 =	vadd.f32 v3, v4;
	v3 =	vld.idx.msk [tilespmem:v0+s23+$0x1000 ss:$0x1], $0xffff;
	_ =	sdelay $0x1  }
0x32: {  	v4 =	vmul.f32 v4, v4  }
0x33: {  	v0 =	vld [tilespmem:s21+$0x2000]  }
0x34: {  	v5 =	vld [tilespmem:s21+$0x2080]  }
0x35: {  	v2 =	vadd.f32 v3, v2;
	_ =	sdelay $0x1  }
0x36: {  	v1 =	vadd.f32 v4, v1;
	v2 =	vmul.f32 v2, v2;
	_ =	sdelay $0x1  }
0x37: {  	v0 =	vadd.f32 v5, v0;
	v1 =	vadd.f32 v2, v1  }
0x38: {  	v62 =	vld [tilespmem:s21+$0x2100]  }
0x39: {  	v0 =	vsub.f32 v1, v0  }
0x3a: {  	v63 =	vld [tilespmem:$0x2180]  }
0x3b: {  	s20 =	sadd.s32 $0x1, s20;
	v0 =	vmul.f32 $5.000000000e-01, v0  }
0x3c: {  	p0 =	sne.s32 s20, $0x8  }
.Ltmp1:
0x3d: {  	v0 =	vadd.f32 v0, v62;
	(pc) =	sbr.rel @p0 .LBB2_2-.Ltmp1, $3  }
0x3e: {  	_ = 	snop  }
0x3f: {  	v0 =	vadd.f32 v0, v63;
	_ =	sdelay $0x1  }
0x40: {  	s19 =	sadd.s32 $0x10, s19;
	[tilespmem:s21+$0x2190] =	vst v0  }
0x41: {  	s18 =	sadd.s32 $0x1, s18  }
0x42: {  	p0 =	sne.s32 s18, s10  }
.Ltmp2:
0x43: {  	_ = 	snop;
	(pc) =	sbr.rel @p0 .LBB2_1-.Ltmp2, $4  }
0x44: {  	[hbm4b:s9+s2] =	stream.linear.scatter [tilespmem:s17], [sflag:$0x1], $0x80, $0x38;
	[tilespmem:$0x2210] =	vst v63  }
0x45: {  	_ =	swait.ge [sflag:s11], $0x80  }
0x46: {  	[sflag:s11] =	ssyncset.done $0x0  }
0x47: {  	[sflag:s11] =	ssyncadd.s32 $0xFFFFFF80  }
0x48: {  	_ =	sfence.sel $0x180000  }
0x49: {  	[bflag:$0x0] =	sbarrier.arrive $0xFFFF  }
0x4a: {  	p0 =	sne.s32 s1, $0x0;
	_ =	strace $0x9000004D  }
0x4b: {  	s0 =	sadd.s32 @!p0 $0x100000, s0;
	[bflag:$0x2] =	sbarrier.arrive $0xFFFF  }
0x4c: {  	[sflag:s0] =	ssyncadd.tile.s32 @!p0 $0x1;
	_ =	shalt  }
.Lfunc_end2:
_tile_overlayer_lowered:
.L_overlay_start_2:
0x4d: {  	(tag) =	ssettag $0x2  }
0x4e: {  	s0 =	rddreg [dreg:$0x0];
	s2 =	stileid.u32  }
0x4f: {  	s1 =	rddreg [dreg:$0x1];
	p0 =	sne.s32 s2, $0x0  }
0x50: {  	s3 =	rddreg [dreg:$0x2];
	[bflag:$0x3] =	sbarrier.arrive $0xFFFF;
	s2 =	simm.s32 @!p0 $0x1C01  }
0x51: {  	[timem:s3], [sflag:s2] =	dma.local @!p0 [hbm:s0], s1  }
0x52: {  	s0 =	simm.s32 @!p0 $0x1  }
0x53: {  	_ =	swait.ge @!p0 [sflag:s0], s1  }
0x54: {  	s1 =	ssub.s32 @!p0 $0x0, s1;
	[sflag:s0] =	ssyncset.done @!p0 $0x0  }
0x55: {  	[sflag:s0] =	ssyncadd.s32 @!p0 s1  }
0x56: {  	[bflag:$0x3] =	sbarrier.arrive $0xFFFF  }
0x57: {  	_ =	shalt  }

// kernel: kernel.5.cloned.1.call-start
scs
__scs_entry_jumppad:
0x0: {  	(pc) =	sbr.rel $0x88, $3  }
0x1: {  	(tag) =	ssettag $0x0;
	lr =	simm.s32 $0x1  }
0x2: {  	[smem:$0x3F9D] =	sst lr;
	_ =	strace $0xD0000000  }
0x3: {  	_ = 	snop  }
0x4: {  	_ = 	snop  }
0x5: {  	_ = 	snop  }
0x6: {  	_ = 	snop  }
0x7: {  	_ = 	snop  }
__scs_overlays_trampoline_lowered:
0x8: {  	[smem:$0x3FAC] =	sst s0  }
0x9: {  	[smem:$0x3FAD] =	sst s1  }
0xa: {  	[smem:$0x3FAE] =	sst s2  }
0xb: {  	[smem:$0x3FAF] =	sst s3  }
0xc: {  	[smem:$0x3FB0] =	sst s4  }
0xd: {  	[smem:$0x3FB1] =	sst s5  }
0xe: {  	[smem:$0x3FB2] =	sst s6  }
0xf: {  	[smem:$0x3FB3] =	sst s7  }
0x10: {  	[smem:$0x3FB4] =	sst s8  }
0x11: {  	[smem:$0x3FB5] =	sst s9;
	s0 =	simm.s32 @!p0 $0x0  }
0x12: {  	s1 =	sld [smem:$0x3F9B];
	s0 =	simm.s32 @p0 $0x1  }
0x13: {  	[smem:$0x3FB6] =	sst s0;
	s0 =	simm.s32 @!p1 $0x0  }
0x14: {  	s2 =	sld [smem:$0x3F9A];
	s0 =	simm.s32 @p1 $0x1  }
0x15: {  	[smem:$0x3FB7] =	sst s0;
	s0 =	simm.s32 @!p2 $0x0  }
0x16: {  	s3 =	sld [smem:$0x3FDB];
	s0 =	simm.s32 @p2 $0x1  }
0x17: {  	s4 =	simm.s32 $0x1BF5;
	[smem:$0x3FB9] =	sst s0  }
0x18: {  	s0 =	sld [smem:$0x3F9C];
	_ =	swait.ge [sflag:s4], $0x0  }
0x19: {  	s7 =	sld [smem:$0x3F9D]  }
0x1a: {  	s8 =	sadd.s32 $0xFFFFE003, lr  }
0x1b: {  	s9 =	sadd.s32 $0xFFFFFEF7, lr;
	s5 =	simm.s32 $0xFFFFFFFF;
	p2 =	slt.u32 s8, $0xFFFFF086  }
0x1c: {  	p1 =	slt.u32 s9, $0xF7A;
	s5 =	simm.s32 @!p2 $0x0  }
0x1d: {  	s5 =	simm.s32 @p1 $0x1;
	p0 =	seq.s32 s7, s2  }
0x1e: {  	s7 =	smul.u32 @!p0 $0xF7A, s2;
	p2 =	seq.s32 @!p0 s5, $0x0  }
0x1f: {  	s9 =	smul.u32 $0xF7A, s1;
	s8 =	simm.s32 @!p0 $0x1BF5;
	p2 =	por !p2, p0  }
0x20: {  	[sflag:s8] =	ssyncset.s32 @!p0 $0xFFFFF086;
	s6 =	sadd.s32 @!p0 s3, s7;
	s7 =	simm.s32 @!p0 $0x108  }
0x21: {  	s3 =	sadd.s32 s3, s9;
	s6 =	sadd.s32 @!p0 $0x88, s6;
	s7 =	simm.s32 @p2 $0x1082  }
0x22: {  	[simem:s7], [sflag:s8] =	dma.local @!p0 [hbm:s6], $0xF7A  }
0x23: {  	s9 =	sor.u32 $0xD0000000, s2;
	s6 =	simm.s32 $0x108;
	_ =	swait.ge @!p0 [sflag:s8], $0x0  }
0x24: {  	s3 =	sadd.s32 $0x88, s3;
	s6 =	simm.s32 @!p1 $0x1082;
	[sflag:s4] =	ssyncset.s32 $0xFFFFF086  }
0x25: {  	[simem:s6], [sflag:s4] =	dma.local [hbm:s3], $0xF7A  }
0x26: {  	[smem:$0x3F9D] =	sst s1;
	(tag) =	ssettag s2;
	_ =	strace s9  }
0x27: {  	s1 =	sld [smem:$0x3FAD]  }
0x28: {  	s2 =	sld [smem:$0x3FAE]  }
0x29: {  	s4 =	sld [smem:$0x3FB0]  }
0x2a: {  	p0 =	seq.s32 s5, $0x0;
	s5 =	sld [smem:$0x3FB1]  }
0x2b: {  	s6 =	sld [smem:$0x3FB2]  }
0x2c: {  	s7 =	sld [smem:$0x3FB3]  }
0x2d: {  	s3 =	simm.s32 $0x108;
	s8 =	sld [smem:$0x3FB4]  }
0x2e: {  	s3 =	simm.s32 @!p0 $0x1082;
	s9 =	sld [smem:$0x3FB5]  }
0x2f: {  	lr =	sadd.s32 s0, s3;
	s0 =	sld [smem:$0x3FAC]  }
0x30: {  	s3 =	sld [smem:$0x3FAF]  }
0x31: {  	[smem:$0x3FB8] =	sst s10  }
0x32: {  	s10 =	sld [smem:$0x3FB6];
	_ =	sdelay $0x3  }
0x33: {  	p0 =	seq.s32 s10, $0x1;
	s10 =	sld [smem:$0x3FB8];
	_ =	sdelay $0x3  }
0x34: {  	[smem:$0x3FB8] =	sst s10  }
0x35: {  	s10 =	sld [smem:$0x3FB7];
	_ =	sdelay $0x3  }
0x36: {  	p1 =	seq.s32 s10, $0x1;
	s10 =	sld [smem:$0x3FB8];
	_ =	sdelay $0x3  }
0x37: {  	[smem:$0x3FB8] =	sst s10  }
0x38: {  	s10 =	sld [smem:$0x3FB9]  }
0x39: {  	_ = 	snop;
	(pc) =	sbr.ind lr, $3  }
0x3a: {  	_ = 	snop  }
0x3b: {  	_ = 	snop  }
0x3c: {  	p2 =	seq.s32 s10, $0x1;
	s10 =	sld [smem:$0x3FB8]  }
0x3d: {  	_ =	shalt  }
0x3e: {  	_ =	shalt  }
0x3f: {  	_ =	shalt  }
0x40: {  	_ =	shalt  }
0x41: {  	_ =	shalt  }
0x42: {  	_ =	shalt  }
0x43: {  	_ =	shalt  }
0x44: {  	_ =	shalt  }
0x45: {  	_ =	shalt  }
0x46: {  	_ =	shalt  }
0x47: {  	_ =	shalt  }
0x48: {  	_ =	shalt  }
0x49: {  	_ =	shalt  }
0x4a: {  	_ =	shalt  }
0x4b: {  	_ =	shalt  }
0x4c: {  	_ =	shalt  }
0x4d: {  	_ =	shalt  }
0x4e: {  	_ =	shalt  }
0x4f: {  	_ =	shalt  }
0x50: {  	_ =	shalt  }
0x51: {  	_ =	shalt  }
0x52: {  	_ =	shalt  }
0x53: {  	_ =	shalt  }
0x54: {  	_ =	shalt  }
0x55: {  	_ =	shalt  }
0x56: {  	_ =	shalt  }
0x57: {  	_ =	shalt  }
0x58: {  	_ =	shalt  }
0x59: {  	_ =	shalt  }
0x5a: {  	_ =	shalt  }
0x5b: {  	_ =	shalt  }
0x5c: {  	_ =	shalt  }
0x5d: {  	_ =	shalt  }
0x5e: {  	_ =	shalt  }
0x5f: {  	_ =	shalt  }
0x60: {  	_ =	shalt  }
0x61: {  	_ =	shalt  }
0x62: {  	_ =	shalt  }
0x63: {  	_ =	shalt  }
0x64: {  	_ =	shalt  }
0x65: {  	_ =	shalt  }
0x66: {  	_ =	shalt  }
0x67: {  	_ =	shalt  }
0x68: {  	_ =	shalt  }
0x69: {  	_ =	shalt  }
0x6a: {  	_ =	shalt  }
0x6b: {  	_ =	shalt  }
0x6c: {  	_ =	shalt  }
0x6d: {  	_ =	shalt  }
0x6e: {  	_ =	shalt  }
0x6f: {  	_ =	shalt  }
0x70: {  	_ =	shalt  }
0x71: {  	_ =	shalt  }
0x72: {  	_ =	shalt  }
0x73: {  	_ =	shalt  }
0x74: {  	_ =	shalt  }
0x75: {  	_ =	shalt  }
0x76: {  	_ =	shalt  }
0x77: {  	_ =	shalt  }
0x78: {  	_ =	shalt  }
0x79: {  	_ =	shalt  }
0x7a: {  	_ =	shalt  }
0x7b: {  	_ =	shalt  }
0x7c: {  	_ =	shalt  }
0x7d: {  	_ =	shalt  }
0x7e: {  	_ =	shalt  }
0x7f: {  	_ =	shalt  }
0x80: {  	_ =	shalt  }
0x81: {  	_ =	shalt  }
0x82: {  	_ =	shalt  }
0x83: {  	_ =	shalt  }
0x84: {  	_ =	shalt  }
0x85: {  	_ =	shalt  }
0x86: {  	_ =	shalt  }
0x87: {  	_ =	shalt  }
.Lfunc_end0:
.L_simem_size_0:
called_computation_lowered:
.L_overlay_start_0:
0x88: {  	s2 =	sld [smem:$0x3FD9]  }
0x89: {  	s3 =	sld [smem:$0x3FFE];
	_ =	sdelay $0x1  }
0x8a: {  	s1 =	srdreg.scid  }
0x8b: {  	s0 =	sand.u32 $0x1, s1  }
0x8c: {  	s16 =	sshll.u32 s0, $0xA;
	s2 =	sadd.s32 s3, s2  }
0x8d: {  	s2 =	sadd.s32 s2, s16  }
0x8e: {  	[smem:$0x3FC4] =	sst s2  }
0x8f: {  	_ = 	snop  }
0x90: {  	(tm) =	ssettm $0x1  }
0x91: {  	s17 =	sld [smem:$0x3FFB];
	_ =	sdelay $0x3  }
0x92: {  	_ =	strace s17  }
0x93: {  	s2 =	sld [smem:$0x3FFC];
	_ =	sdelay $0x3  }
0x94: {  	_ =	strace s2  }
0x95: {  	s2 =	sld [smem:$0x3FFD];
	_ =	sdelay $0x3  }
0x96: {  	_ =	strace s2  }
0x97: {  	_ =	strace $0x8FFFFFFF  }
0x98: {  	s18 =	sld [smem:$0x3FDB];
	_ =	sdelay $0x1  }
0x99: {  	s19 =	simm.s32 $_scs_section_size  }
0x9a: {  	s4 =	simm.s32 $_size__tile_overlayer_lowered;
	s5 =	simm.s32 $_tile_overlayer_lowered  }
0x9b: {  	s22 =	simm.s32 $0x1BFF;
	s21 =	sshll.u32 s5, $0x1;
	s2 =	sadd.s32 s19, s18  }
0x9c: {  	s6 =	simm.s32 $0x0;
	s20 =	sshll.u32 s4, $0x1;
	s4 =	sadd.s32 s21, s2  }
0x9d: {  	[timem:s6], [sflag:s22] =	dma.local [hbm:s4], s20  }
0x9e: {  	_ =	swait.ge [sflag:s22], s20  }
0x9f: {  	s3 =	ssub.s32 $0x0, s20;
	[sflag:s22] =	ssyncset.done $0x0  }
0xa0: {  	[sflag:s22] =	ssyncadd.s32 s3;
	_ =	sdelay $0x1  }
0xa1: {  	s23 =	simm.s32 $0x1B8B  }
0xa2: {  	_ =	swait.ge [sflag:s23], $0x1  }
0xa3: {  	[sflag:s23] =	ssyncset.done $0x0  }
0xa4: {  	s25 =	simm.s32 $0x1B8E;
	s24 =	sld [smem:$0x3FFE];
	[sflag:s23] =	ssyncadd.s32 $0xFFFFFFFF  }
0xa5: {  	s26 =	simm.s32 $execute0_lowered;
	[smem:$0x3FD2] =	sst s25  }
0xa6: {  	s4 =	sshll.u32 s26, $0x1;
	_ =	strace $0x80000046;
	[dreg:$0x1] =	wrdreg $0xFFFFFFFF  }
0xa7: {  	s28 =	simm.s32 $_size_execute0_lowered;
	s2 =	sadd.s32 s2, s4;
	[dreg:$0x0] =	wrdreg $0x0  }
0xa8: {  	s4 =	sshll.u32 s28, $0x1;
	[dreg:$0x2] =	wrdreg s2  }
0xa9: {  	[dreg:$0x3] =	wrdreg s4  }
0xaa: {  	[dreg:$0x4] =	wrdreg $0xC0  }
0xab: {  	_ =	task [dreg:s6], $0x5FFFF  }
0xac: {  	[dreg:$0x1] =	wrdreg $0xFFFFFFFF  }
0xad: {  	[dreg:$0x0] =	wrdreg $0x60  }
0xae: {  	[dreg:$0x2] =	wrdreg s24  }
0xaf: {  	[dreg:$0x3] =	wrdreg $0x9  }
0xb0: {  	_ =	task.clear_ibuf [dreg:s6], $0x4FFFF;
	_ =	strace $0x90000046  }
0xb1: {  	s29 =	simm.s32 $0x9;
	_ =	strace $0x80000048  }
0xb2: {  	_ =	swait.ge [sflag:s29], $0x1  }
0xb3: {  	[sflag:s29] =	ssyncadd.s32 $0xFFFFFFFF  }
0xb4: {  	_ =	strace $0x90000048  }
0xb5: {  	_ =	sfence  }
0xb6: {  	s30 =	sld [smem:$0x0];
	_ =	sdelay $0x2  }
0xb7: {  	s31 =	sshll.u32 s1, $0xD;
	s1 =	sshrl.u32 s1, $0x2  }
0xb8: {  	s3 =	sand.u32 $0x4000, s31;
	s1 =	sadd.s32 s1, s30  }
0xb9: {  	s0 =	sor.u32 s3, s0;
	s1 =	sshll.u32 s1, $0x11  }
0xba: {  	s0 =	sor.u32 s1, s0  }
0xbb: {  	s0 =	sadd.s32 $0x8F2B, s0  }
0xbc: {  	[sflag:s0] =	ssyncadd.remote.s32 $0x1  }
0xbd: {  	_ =	sfence.sel $0xFFFF  }
0xbe: {  	[dreg:$0x0] =	wrdreg $0xFFFFFFFF;
	(pc) =	sbr.abs _section_cstart, $3  }
0xbf: {  	[dreg:$0x1] =	wrdreg $0xFFFFFFFF  }
0xc0: {  	_ =	task.clear_ibuf [dreg:s6], $0x2FFFF;
	_ =	strace $0x9FFFFFFF  }
0xc1: {  	(tm) =	ssettm $0x7FFFFFFF  }
tec
execute0_lowered:
.L_overlay_start_1:
0x0: {  	(tag) =	ssettag $0x1  }
0x1: {  	s0 =	rddreg [dreg:$0x0];
	s2 =	simm.s32 $0x0  }
0x2: {  	s1 =	srdreg.scid;
	[smem:$0x7FF] =	sst s2;
	s5 =	sadd.s32 $0x4E00, s0  }
0x3: {  	s14 =	sadd.s32 $0x7ED4, s0;
	_ =	strace $0x80000047;
	[dreg:$0x2] =	wrdreg s5  }
0x4: {  	s3 =	stileid.u32;
	s15 =	sadd.s32 $0xAFA8, s0;
	[dreg:$0x3] =	wrdreg s14  }
0x5: {  	s7 =	simm.s32 $0x3;
	s16 =	sadd.s32 $0xE07C, s0;
	[dreg:$0x4] =	wrdreg s15  }
0x6: {  	s8 =	simm.s32 $0x2;
	s17 =	sadd.s32 $0x11150, s0;
	[dreg:$0x5] =	wrdreg s16  }
0x7: {  	s9 =	simm.s32 $0x1;
	s18 =	sadd.s32 $0x14224, s0;
	[dreg:$0x6] =	wrdreg s17  }
0x8: {  	s10 =	simm.s32 $0x0;
	s19 =	sadd.s32 $0x172F8, s0;
	[dreg:$0x7] =	wrdreg s18  }
0x9: {  	s1 =	sand.u32 $0x1, s1;
	s20 =	sadd.s32 $0x1A3CC, s0;
	[dreg:$0x8] =	wrdreg s19  }
0xa: {  	s4 =	sshll.u32 s3, $0x1;
	s21 =	sadd.s32 $0x1D4A0, s0;
	[dreg:$0x9] =	wrdreg s20  }
0xb: {  	s3 =	sadd.s32 $0x9EF200, s0;
	s22 =	sadd.s32 $0x20574, s0;
	[dreg:$0xa] =	wrdreg s21  }
0xc: {  	s23 =	sadd.s32 $0x23648, s0;
	s24 =	sadd.s32 $0x2671C, s0;
	[dreg:$0xb] =	wrdreg s22  }
0xd: {  	s25 =	sadd.s32 $0x297F0, s0;
	s26 =	sadd.s32 $0x2C8C4, s0;
	[dreg:$0xc] =	wrdreg s23  }
0xe: {  	s28 =	sadd.s32 $0x4B10C, s0;
	s29 =	sadd.s32 $0x4E1E0, s0;
	[dreg:$0xd] =	wrdreg s24  }
0xf: {  	s30 =	sadd.s32 $0x512B4, s0;
	s4 =	sor.u32 s1, s4;
	[dreg:$0xe] =	wrdreg s25  }
0x10: {  	s1 =	ssub.s32 $0x2, s1;
	[dreg:$0xf] =	wrdreg s26;
	s18 =	sadd.s32 $0x2F998, s0  }
0x11: {  	s19 =	sadd.s32 $0x32A6C, s0;
	s20 =	sadd.s32 $0x35B40, s0;
	s21 =	sadd.s32 $0x38C14, s0  }
0x12: {  	s22 =	sadd.s32 $0x3BCE8, s0;
	s23 =	sadd.s32 $0x3EDBC, s0;
	s24 =	sadd.s32 $0x41E90, s0  }
0x13: {  	s25 =	sadd.s32 $0x44F64, s0;
	s26 =	sadd.s32 $0x48038, s0;
	s17 =	simm.s32 $0x0  }
0x14: {  	s13 =	sshll.u32 s4, $0x9;
	s4 =	sshll.u32 s4, $0x4;
	s6 =	sshrl.u32 s1, $0x1  }
0x15: {  	s5 =	sadd.s32 s13, s0;
	s4 =	sadd.s32 s4, s0;
	s6 =	ssub.s32 s1, s6  }
0x16: {  	s31 =	sadd.s32 $0x54400, s5;
	s0 =	sadd.s32 $0x1A00, s4;
	s1 =	sadd.s32 $0x58400, s4  }
0x17: {  	s4 =	sadd.s32 $0x58600, s4;
	s5 =	smax.u32 s6, $0x1;
	s6 =	simm.s32 $0x80  }
.LBB2_1:
0x18: {  	s11 =	simm.s32 $0x1000  }
0x19: {  	[tilespmem:s2], [sflag:$0x3] =	stream.strided.gather [hbm4b:s0+s6], $0xD00, s11, s6, $0x38;
	[tilespmem:$0xFB00] =	vst v63  }
0x1a: {  	_ =	swait.ge [sflag:s7], $0xD00  }
0x1b: {  	[sflag:s7] =	ssyncset.done $0x0  }
0x1c: {  	s12 =	simm.s32 $0xDD00;
	s16 =	rddreg [dreg:$0x2];
	[sflag:s7] =	ssyncadd.s32 $0xFFFFF300  }
0x1d: {  	[tilespmem:s12], [sflag:$0x2] =	stream.indirect.gather [hbm4b:s16+s6], $0x1, s2, s6, $0xb8;
	[tilespmem:$0xFB00] =	vst v63  }
0x1e: {  	s14 =	simm.s32 $0xDD80;
	s13 =	rddreg [dreg:$0x3]  }
0x1f: {  	[tilespmem:s14], [sflag:$0x2] =	stream.indirect.gather [hbm4b:s13+s6], $0x1, s6, s6, $0xb8;
	[tilespmem:$0xFB00] =	vst v63  }
0x20: {  	s15 =	rddreg [dreg:$0x4];
	s16 =	simm.s32 $0x100;
	s13 =	simm.s32 $0xDE00  }
0x21: {  	[tilespmem:s13], [sflag:$0x2] =	stream.indirect.gather [hbm4b:s15+s6], $0x1, s16, s6, $0xb8;
	[tilespmem:$0xFB00] =	vst v63  }
0x22: {  	s14 =	rddreg [dreg:$0x5];
	s15 =	simm.s32 $0x180;
	s16 =	simm.s32 $0xDE80  }
0x23: {  	[tilespmem:s16], [sflag:$0x2] =	stream.indirect.gather [hbm4b:s14+s6], $0x1, s15, s6, $0xb8;
	[tilespmem:$0xFB00] =	vst v63  }
0x24: {  	s14 =	rddreg [dreg:$0x6];
	s15 =	simm.s32 $0x200;
	s16 =	simm.s32 $0xDF00  }
0x25: {  	[tilespmem:s16], [sflag:$0x2] =	stream.indirect.gather [hbm4b:s14+s6], $0x1, s15, s6, $0xb8;
	[tilespmem:$0xFB00] =	vst v63  }
0x26: {  	s14 =	rddreg [dreg:$0x7];
	s15 =	simm.s32 $0x280;
	s16 =	simm.s32 $0xDF80  }
0x27: {  	[tilespmem:s16], [sflag:$0x2] =	stream.indirect.gather [hbm4b:s14+s6], $0x1, s15, s6, $0xb8;
	[tilespmem:$0xFB00] =	vst v63  }
0x28: {  	s14 =	rddreg [dreg:$0x8];
	s15 =	simm.s32 $0x300;
	s16 =	simm.s32 $0xE000  }
0x29: {  	[tilespmem:s16], [sflag:$0x2] =	stream.indirect.gather [hbm4b:s14+s6], $0x1, s15, s6, $0xb8;
	[tilespmem:$0xFB00] =	vst v63  }
0x2a: {  	s14 =	rddreg [dreg:$0x9];
	s15 =	simm.s32 $0x380;
	s16 =	simm.s32 $0xE080  }
0x2b: {  	[tilespmem:s16], [sflag:$0x2] =	stream.indirect.gather [hbm4b:s14+s6], $0x1, s15, s6, $0xb8;
	[tilespmem:$0xFB00] =	vst v63  }
0x2c: {  	s14 =	rddreg [dreg:$0xa];
	s15 =	simm.s32 $0x400;
	s16 =	simm.s32 $0xE100  }
0x2d: {  	[tilespmem:s16], [sflag:$0x2] =	stream.indirect.gather [hbm4b:s14+s6], $0x1, s15, s6, $0xb8;
	[tilespmem:$0xFB00] =	vst v63  }
0x2e: {  	s14 =	rddreg [dreg:$0xb];
	s15 =	simm.s32 $0x480;
	s16 =	simm.s32 $0xE180  }
0x2f: {  	[tilespmem:s16], [sflag:$0x2] =	stream.indirect.gather [hbm4b:s14+s6], $0x1, s15, s6, $0xb8;
	[tilespmem:$0xFB00] =	vst v63  }
0x30: {  	s14 =	rddreg [dreg:$0xc];
	s15 =	simm.s32 $0x500;
	s16 =	simm.s32 $0xE200  }
0x31: {  	[tilespmem:s16], [sflag:$0x2] =	stream.indirect.gather [hbm4b:s14+s6], $0x1, s15, s6, $0xb8;
	[tilespmem:$0xFB00] =	vst v63  }
0x32: {  	s14 =	rddreg [dreg:$0xd];
	s15 =	simm.s32 $0x580;
	s16 =	simm.s32 $0xE280  }
0x33: {  	[tilespmem:s16], [sflag:$0x2] =	stream.indirect.gather [hbm4b:s14+s6], $0x1, s15, s6, $0xb8;
	[tilespmem:$0xFB00] =	vst v63  }
0x34: {  	s14 =	rddreg [dreg:$0xe];
	s15 =	simm.s32 $0x600;
	s16 =	simm.s32 $0xE300  }
0x35: {  	[tilespmem:s16], [sflag:$0x2] =	stream.indirect.gather [hbm4b:s14+s6], $0x1, s15, s6, $0xb8;
	[tilespmem:$0xFB00] =	vst v63  }
0x36: {  	s14 =	rddreg [dreg:$0xf];
	s15 =	simm.s32 $0x680;
	s16 =	simm.s32 $0xE380  }
0x37: {  	[tilespmem:s16], [sflag:$0x2] =	stream.indirect.gather [hbm4b:s14+s6], $0x1, s15, s6, $0xb8;
	[tilespmem:$0xFB00] =	vst v63  }
0x38: {  	s13 =	simm.s32 $0x700;
	s14 =	simm.s32 $0xE400  }
0x39: {  	[tilespmem:s14], [sflag:$0x2] =	stream.indirect.gather [hbm4b:s18+s6], $0x1, s13, s6, $0xb8;
	[tilespmem:$0xFB00] =	vst v63  }
0x3a: {  	s15 =	simm.s32 $0x780;
	s16 =	simm.s32 $0xE480  }
0x3b: {  	[tilespmem:s16], [sflag:$0x2] =	stream.indirect.gather [hbm4b:s19+s6], $0x1, s15, s6, $0xb8;
	[tilespmem:$0xFB00] =	vst v63  }
0x3c: {  	s13 =	simm.s32 $0x800;
	s14 =	simm.s32 $0xE500  }
0x3d: {  	[tilespmem:s14], [sflag:$0x2] =	stream.indirect.gather [hbm4b:s20+s6], $0x1, s13, s6, $0xb8;
	[tilespmem:$0xFB00] =	vst v63  }
0x3e: {  	s15 =	simm.s32 $0x880;
	s16 =	simm.s32 $0xE580  }
0x3f: {  	[tilespmem:s16], [sflag:$0x2] =	stream.indirect.gather [hbm4b:s21+s6], $0x1, s15, s6, $0xb8;
	[tilespmem:$0xFB00] =	vst v63  }
0x40: {  	s13 =	simm.s32 $0x900;
	s14 =	simm.s32 $0xE600  }
0x41: {  	[tilespmem:s14], [sflag:$0x2] =	stream.indirect.gather [hbm4b:s22+s6], $0x1, s13, s6, $0xb8;
	[tilespmem:$0xFB00] =	vst v63  }
0x42: {  	s15 =	simm.s32 $0x980;
	s16 =	simm.s32 $0xE680  }
0x43: {  	[tilespmem:s16], [sflag:$0x2] =	stream.indirect.gather [hbm4b:s23+s6], $0x1, s15, s6, $0xb8;
	[tilespmem:$0xFB00] =	vst v63  }
0x44: {  	s13 =	simm.s32 $0xA00;
	s14 =	simm.s32 $0xE700  }
0x45: {  	[tilespmem:s14], [sflag:$0x2] =	stream.indirect.gather [hbm4b:s24+s6], $0x1, s13, s6, $0xb8;
	[tilespmem:$0xFB00] =	vst v63  }
0x46: {  	s15 =	simm.s32 $0xA80;
	s16 =	simm.s32 $0xE780  }
0x47: {  	[tilespmem:s16], [sflag:$0x2] =	stream.indirect.gather [hbm4b:s25+s6], $0x1, s15, s6, $0xb8;
	[tilespmem:$0xFB00] =	vst v63  }
0x48: {  	s13 =	simm.s32 $0xB00;
	s14 =	simm.s32 $0xE800  }
0x49: {  	[tilespmem:s14], [sflag:$0x2] =	stream.indirect.gather [hbm4b:s26+s6], $0x1, s13, s6, $0xb8;
	[tilespmem:$0xFB00] =	vst v63  }
0x4a: {  	s11 =	simm.s32 $0xD00;
	s15 =	simm.s32 $0xB80;
	s16 =	simm.s32 $0xE880  }
0x4b: {  	[tilespmem:s16], [sflag:$0x2] =	stream.indirect.gather [hbm4b:s28+s6], $0x1, s15, s6, $0xb8;
	[tilespmem:$0xFB00] =	vst v63  }
0x4c: {  	s12 =	simm.s32 $0x4;
	s13 =	simm.s32 $0xC00;
	s14 =	simm.s32 $0xE900  }
0x4d: {  	[tilespmem:s14], [sflag:$0x2] =	stream.indirect.gather [hbm4b:s29+s6], $0x1, s13, s6, $0xb8;
	[tilespmem:$0xFB00] =	vst v63  }
0x4e: {  	s15 =	simm.s32 $0xC80;
	s16 =	simm.s32 $0xE980;
	s13 =	simm.s32 $0xD80  }
0x4f: {  	[tilespmem:s16], [sflag:$0x2] =	stream.indirect.gather [hbm4b:s30+s6], $0x1, s15, s6, $0xb8;
	[tilespmem:$0xFB00] =	vst v63  }
0x50: {  	s14 =	sadd.s32 $0x30D4, s3;
	s16 =	sand.u32 $0x780, s2;
	s15 =	smov.u32 s3  }
.LBB2_2:
0x51: {  	[tilespmem:s11], [sflag:$0x1] =	stream.indirect.gather [hbm4b:s15+s6], $0x1, s16, s6, $0xb8;
	[tilespmem:$0xFB00] =	vst v63  }
0x52: {  	s16 =	smov.u32 s12  }
0x53: {  	s11 =	smov.u32 s13;
	s15 =	smov.u32 s14;
	p0 =	sne.s32 s12, $0x67C  }
.Ltmp0:
0x54: {  	s12 =	sadd.s32 $0x4, s12;
	(pc) =	sbr.rel @p0 .LBB2_2-.Ltmp0, $2  }
0x55: {  	_ =	sdelay $0x2  }
0x56: {  	s13 =	sadd.s32 $0x80, s13;
	s14 =	sadd.s32 $0x30D4, s14;
	s16 =	sand.u32 $0x780, s16  }
0x57: {  	[tilespmem:s11], [sflag:$0x1] =	stream.indirect.gather [hbm4b:s15+s6], $0x1, s16, s6, $0xb8;
	[tilespmem:$0xFB00] =	vst v63  }
0x58: {  	_ =	swait.ge [sflag:s8], $0xD00  }
0x59: {  	[sflag:s8] =	ssyncset.done $0x0  }
0x5a: {  	[sflag:s8] =	ssyncadd.s32 $0xFFFFF300  }
0x5b: {  	_ =	swait.ge [sflag:s9], $0xD000  }
0x5c: {  	s11 =	simm.s32 $0x0;
	[sflag:s9] =	ssyncset.done $0x0  }
0x5d: {  	s12 =	simm.s32 $0xD00;
	s13 =	simm.s32 $0xEA00;
	[sflag:s9] =	ssyncadd.s32 $0xFFFF3000  }
.LBB2_4:
0x5e: {  	v1 =	vmov s12;
	_ =	sdelay $0x4  }
0x5f: {  	v0 =	vld.idx.msk [tilespmem:v1+s17+$0x0 ss:$0x1], $0xffff;
	_ =	sdelay $0x1  }
0x60: {  	v2 =	vld.idx.msk [tilespmem:v1+s17+$0x1000 ss:$0x1], $0xffff;
	_ =	sdelay $0x1  }
0x61: {  	v3 =	vld.idx.msk [tilespmem:v1+s17+$0x2000 ss:$0x1], $0xffff  }
0x62: {  	v4 =	vadd.f32 $0.0e+00, v0  }
0x63: {  	v5 =	vld.idx.msk [tilespmem:v1+s17+$0x3000 ss:$0x1], $0xffff  }
0x64: {  	v0 =	vmul.f32 v0, v0;
	v4 =	vadd.f32 v2, v4;
	v2 =	vmul.f32 v2, v2  }
0x65: {  	v6 =	vld.idx.msk [tilespmem:v1+s17+$0x4000 ss:$0x1], $0xffff  }
0x66: {  	v0 =	vadd.f32 v2, v0;
	v2 =	vadd.f32 v3, v4;
	v3 =	vmul.f32 v3, v3  }
0x67: {  	v4 =	vld.idx.msk [tilespmem:v1+s17+$0x5000 ss:$0x1], $0xffff  }
0x68: {  	v0 =	vadd.f32 v3, v0;
	v2 =	vadd.f32 v5, v2;
	v3 =	vmul.f32 v5, v5  }
0x69: {  	v5 =	vld.idx.msk [tilespmem:v1+s17+$0x6000 ss:$0x1], $0xffff  }
0x6a: {  	v0 =	vadd.f32 v3, v0;
	v2 =	vadd.f32 v6, v2;
	v3 =	vmul.f32 v6, v6  }
0x6b: {  	v61 =	vld.idx.msk [tilespmem:v1+s17+$0x7000 ss:$0x1], $0xffff  }
0x6c: {  	v0 =	vadd.f32 v3, v0;
	v2 =	vadd.f32 v4, v2;
	v3 =	vmul.f32 v4, v4  }
0x6d: {  	v4 =	vld.idx.msk [tilespmem:v1+s17+$0x8000 ss:$0x1], $0xffff  }
0x6e: {  	v0 =	vadd.f32 v3, v0;
	v2 =	vadd.f32 v5, v2;
	v3 =	vmul.f32 v5, v5  }
0x6f: {  	v5 =	vld.idx.msk [tilespmem:v1+s17+$0x9000 ss:$0x1], $0xffff  }
0x70: {  	v0 =	vadd.f32 v3, v0;
	v2 =	vadd.f32 v61, v2;
	v3 =	vmul.f32 v61, v61  }
0x71: {  	v62 =	vld.idx.msk [tilespmem:v1+s17+$0xA000 ss:$0x1], $0xffff  }
0x72: {  	v0 =	vadd.f32 v3, v0;
	v2 =	vadd.f32 v4, v2;
	v3 =	vmul.f32 v4, v4  }
0x73: {  	v4 =	vld.idx.msk [tilespmem:v1+s17+$0xB000 ss:$0x1], $0xffff  }
0x74: {  	v0 =	vadd.f32 v3, v0;
	v2 =	vadd.f32 v5, v2;
	v3 =	vmul.f32 v5, v5  }
0x75: {  	v5 =	vld.idx.msk [tilespmem:v1+s17+$0xC000 ss:$0x1], $0xffff  }
0x76: {  	v6 =	vmul.f32 v62, v62;
	v0 =	vadd.f32 v3, v0;
	v3 =	vadd.f32 v62, v2  }
0x77: {  	v2 =	vmov s13  }
0x78: {  	v0 =	vadd.f32 v6, v0;
	v3 =	vadd.f32 v4, v3;
	v4 =	vmul.f32 v4, v4;
	_ =	sdelay $0x1  }
0x79: {  	v4 =	vadd.f32 v4, v0;
	v63 =	vadd.f32 v5, v3;
	v3 =	vmul.f32 v5, v5;
	_ =	sdelay $0x1  }
0x7a: {  	s14 =	sshll.u32 s11, $0x4;
	s15 =	simm.s32 $0x80;
	s16 =	simm.s32 $0x400;
	v0 =	vimm.f32 $0.0e+00;
	v3 =	vadd.f32 v3, v4;
	[tilespmem:v2+s17+$0x0 ss:$0x1] =	vst.idx.msk $0xffff, v63  }
.LBB2_5:
0x7b: {  	p0 =	sne.s32 s16, $0x3E00;
	v4 =	vld.idx.msk [tilespmem:v1+s15+$0x0 ss:$0x1], $0xffff  }
0x7c: {  	v0 =	vadd.f32 v3, v0  }
0x7d: {  	v3 =	vld.idx.msk [tilespmem:v1+s15+$0x1000 ss:$0x1], $0xffff;
	_ =	sdelay $0x1  }
0x7e: {  	v5 =	vld.idx.msk [tilespmem:v1+s15+$0x2000 ss:$0x1], $0xffff;
	_ =	sdelay $0x1  }
0x7f: {  	v6 =	vadd.f32 $0.0e+00, v4;
	v4 =	vmul.f32 v4, v4;
	v7 =	vld.idx.msk [tilespmem:v1+s15+$0x3000 ss:$0x1], $0xffff;
	_ =	sdelay $0x1  }
0x80: {  	v6 =	vadd.f32 v3, v6;
	v3 =	vmul.f32 v3, v3;
	v8 =	vld.idx.msk [tilespmem:v1+s15+$0x4000 ss:$0x1], $0xffff;
	_ =	sdelay $0x1  }
0x81: {  	v3 =	vadd.f32 v3, v4;
	v4 =	vadd.f32 v5, v6;
	v5 =	vmul.f32 v5, v5;
	v6 =	vld.idx.msk [tilespmem:v1+s15+$0x5000 ss:$0x1], $0xffff;
	_ =	sdelay $0x1  }
0x82: {  	v3 =	vadd.f32 v5, v3;
	v4 =	vadd.f32 v7, v4;
	v5 =	vmul.f32 v7, v7;
	v7 =	vld.idx.msk [tilespmem:v1+s15+$0x6000 ss:$0x1], $0xffff;
	_ =	sdelay $0x1  }
0x83: {  	v3 =	vadd.f32 v5, v3;
	v4 =	vadd.f32 v8, v4;
	v5 =	vmul.f32 v8, v8;
	v8 =	vld.idx.msk [tilespmem:v1+s15+$0x7000 ss:$0x1], $0xffff;
	_ =	sdelay $0x1  }
0x84: {  	v3 =	vadd.f32 v5, v3;
	v4 =	vadd.f32 v6, v4;
	v5 =	vmul.f32 v6, v6;
	v6 =	vld.idx.msk [tilespmem:v1+s15+$0x8000 ss:$0x1], $0xffff;
	_ =	sdelay $0x1  }
0x85: {  	v3 =	vadd.f32 v5, v3;
	v4 =	vadd.f32 v7, v4;
	v5 =	vmul.f32 v7, v7;
	v7 =	vld.idx.msk [tilespmem:v1+s15+$0x9000 ss:$0x1], $0xffff;
	_ =	sdelay $0x1  }
0x86: {  	v3 =	vadd.f32 v5, v3;
	v4 =	vadd.f32 v8, v4;
	v5 =	vmul.f32 v8, v8;
	v8 =	vld.idx.msk [tilespmem:v1+s15+$0xA000 ss:$0x1], $0xffff;
	_ =	sdelay $0x1  }
0x87: {  	v3 =	vadd.f32 v5, v3;
	v4 =	vadd.f32 v6, v4;
	v5 =	vmul.f32 v6, v6;
	v6 =	vld.idx.msk [tilespmem:v1+s15+$0xB000 ss:$0x1], $0xffff;
	_ =	sdelay $0x1  }
0x88: {  	v3 =	vadd.f32 v5, v3;
	v4 =	vadd.f32 v7, v4;
	v5 =	vmul.f32 v7, v7;
	v7 =	vld.idx.msk [tilespmem:v1+s15+$0xC000 ss:$0x1], $0xffff;
	_ =	sdelay $0x1  }
0x89: {  	v3 =	vadd.f32 v5, v3;
	v4 =	vadd.f32 v8, v4;
	v5 =	vmul.f32 v8, v8;
	_ =	sdelay $0x1  }
.Ltmp1:
0x8a: {  	v3 =	vadd.f32 v5, v3;
	v4 =	vadd.f32 v6, v4;
	v5 =	vmul.f32 v6, v6;
	(pc) =	sbr.rel @p0 .LBB2_5-.Ltmp1, $3  }
0x8b: {  	_ = 	snop  }
0x8c: {  	v3 =	vadd.f32 v5, v3;
	v4 =	vadd.f32 v7, v4;
	v5 =	vmul.f32 v7, v7;
	_ =	sdelay $0x1  }
0x8d: {  	v3 =	vadd.f32 v5, v3;
	[tilespmem:v2+s15+$0x0 ss:$0x1] =	vst.idx.msk $0xffff, v4;
	s15 =	sshra.s32 s16, $0x2;
	s16 =	sadd.s32 $0x200, s16  }
0x8e: {  	_ =	sdelay $0x3  }
0x8f: {  	v4 =	vld.idx.msk [tilespmem:v1+s15+$0x0 ss:$0x1], $0xffff;
	_ =	sdelay $0x1  }
0x90: {  	v5 =	vld.idx.msk [tilespmem:v1+s15+$0x1000 ss:$0x1], $0xffff;
	_ =	sdelay $0x1  }
0x91: {  	v6 =	vld.idx.msk [tilespmem:v1+s15+$0x2000 ss:$0x1], $0xffff  }
0x92: {  	v7 =	vadd.f32 $0.0e+00, v4  }
0x93: {  	v8 =	vld.idx.msk [tilespmem:v1+s15+$0x3000 ss:$0x1], $0xffff  }
0x94: {  	v7 =	vadd.f32 v5, v7  }
0x95: {  	v9 =	vld.idx.msk [tilespmem:v1+s15+$0x4000 ss:$0x1], $0xffff  }
0x96: {  	v7 =	vadd.f32 v6, v7  }
0x97: {  	v10 =	vld.idx.msk [tilespmem:v1+s15+$0x5000 ss:$0x1], $0xffff  }
0x98: {  	v7 =	vadd.f32 v8, v7  }
0x99: {  	v11 =	vld.idx.msk [tilespmem:v1+s15+$0x6000 ss:$0x1], $0xffff  }
0x9a: {  	v7 =	vadd.f32 v9, v7  }
0x9b: {  	v12 =	vld.idx.msk [tilespmem:v1+s15+$0x7000 ss:$0x1], $0xffff  }
0x9c: {  	v7 =	vadd.f32 v10, v7  }
0x9d: {  	v13 =	vld.idx.msk [tilespmem:v1+s15+$0x8000 ss:$0x1], $0xffff  }
0x9e: {  	v7 =	vadd.f32 v11, v7  }
0x9f: {  	v14 =	vld.idx.msk [tilespmem:v1+s15+$0x9000 ss:$0x1], $0xffff  }
0xa0: {  	v7 =	vadd.f32 v12, v7  }
0xa1: {  	v15 =	vld.idx.msk [tilespmem:v1+s15+$0xA000 ss:$0x1], $0xffff  }
0xa2: {  	v7 =	vadd.f32 v13, v7  }
0xa3: {  	v16 =	vld.idx.msk [tilespmem:v1+s15+$0xB000 ss:$0x1], $0xffff  }
0xa4: {  	v7 =	vadd.f32 v14, v7  }
0xa5: {  	v30 =	vld.idx.msk [tilespmem:v1+s15+$0xC000 ss:$0x1], $0xffff  }
0xa6: {  	v7 =	vadd.f32 v15, v7;
	_ =	sdelay $0x1  }
0xa7: {  	v7 =	vadd.f32 v16, v7;
	_ =	sdelay $0x1  }
0xa8: {  	v7 =	vadd.f32 v30, v7;
	_ =	sdelay $0x1  }
0xa9: {  	[tilespmem:v2+s15+$0x0 ss:$0x1] =	vst.idx.msk $0xffff, v7  }
0xaa: {  	v2 =	vld [tilespmem:s14+$0xDD00];
	_ =	sdelay $0x1  }
0xab: {  	v7 =	vld [tilespmem:s14+$0xDD80];
	_ =	sdelay $0x1  }
0xac: {  	v17 =	vld [tilespmem:s14+$0xDE00]  }
0xad: {  	v2 =	vadd.f32 $0.0e+00, v2  }
0xae: {  	v18 =	vld [tilespmem:s14+$0xDE80]  }
0xaf: {  	v2 =	vadd.f32 v7, v2  }
0xb0: {  	v31 =	vld [tilespmem:s14+$0xDF00]  }
0xb1: {  	v2 =	vadd.f32 v17, v2  }
0xb2: {  	v32 =	vld [tilespmem:s14+$0xDF80]  }
0xb3: {  	v2 =	vadd.f32 v18, v2  }
0xb4: {  	v33 =	vld [tilespmem:s14+$0xE000]  }
0xb5: {  	v2 =	vadd.f32 v31, v2  }
0xb6: {  	v34 =	vld [tilespmem:s14+$0xE080]  }
0xb7: {  	v2 =	vadd.f32 v32, v2  }
0xb8: {  	v35 =	vld [tilespmem:s14+$0xE100]  }
0xb9: {  	v2 =	vadd.f32 v33, v2  }
0xba: {  	v36 =	vld [tilespmem:s14+$0xE180]  }
0xbb: {  	v2 =	vadd.f32 v34, v2  }
0xbc: {  	v37 =	vld [tilespmem:s14+$0xE200]  }
0xbd: {  	v2 =	vadd.f32 v35, v2  }
0xbe: {  	v38 =	vld [tilespmem:s14+$0xE280]  }
0xbf: {  	v2 =	vadd.f32 v36, v2  }
0xc0: {  	v39 =	vld [tilespmem:s14+$0xE300]  }
0xc1: {  	v2 =	vadd.f32 v37, v2  }
0xc2: {  	v40 =	vld [tilespmem:s14+$0xE380]  }
0xc3: {  	v2 =	vadd.f32 v38, v2  }
0xc4: {  	v4 =	vmul.f32 v4, v4;
	v5 =	vmul.f32 v5, v5;
	v41 =	vld [tilespmem:s14+$0xE400]  }
0xc5: {  	v2 =	vadd.f32 v39, v2  }
0xc6: {  	v42 =	vmul.f32 v6, v6;
	v4 =	vadd.f32 v5, v4;
	v43 =	vld [tilespmem:s14+$0xE480]  }
0xc7: {  	v2 =	vadd.f32 v40, v2  }
0xc8: {  	v44 =	vmul.f32 v8, v8;
	v4 =	vadd.f32 v42, v4;
	v45 =	vld [tilespmem:s14+$0xE500]  }
0xc9: {  	v2 =	vadd.f32 v41, v2  }
0xca: {  	v46 =	vmul.f32 v9, v9;
	v4 =	vadd.f32 v44, v4;
	v47 =	vld [tilespmem:s14+$0xE580]  }
0xcb: {  	v2 =	vadd.f32 v43, v2  }
0xcc: {  	v48 =	vmul.f32 v10, v10;
	v4 =	vadd.f32 v46, v4;
	v49 =	vld [tilespmem:s14+$0xE600]  }
0xcd: {  	v2 =	vadd.f32 v45, v2  }
0xce: {  	v50 =	vmul.f32 v11, v11;
	v4 =	vadd.f32 v48, v4;
	v51 =	vld [tilespmem:s14+$0xE680]  }
0xcf: {  	v2 =	vadd.f32 v47, v2  }
0xd0: {  	v52 =	vmul.f32 v12, v12;
	v4 =	vadd.f32 v50, v4;
	v53 =	vld [tilespmem:s14+$0xE700]  }
0xd1: {  	v2 =	vadd.f32 v49, v2  }
0xd2: {  	v54 =	vmul.f32 v13, v13;
	v4 =	vadd.f32 v52, v4;
	v55 =	vld [tilespmem:s14+$0xE780]  }
0xd3: {  	v2 =	vadd.f32 v51, v2  }
0xd4: {  	v56 =	vmul.f32 v14, v14;
	v4 =	vadd.f32 v54, v4;
	v57 =	vld [tilespmem:s14+$0xE800]  }
0xd5: {  	v2 =	vadd.f32 v53, v2  }
0xd6: {  	v58 =	vmul.f32 v15, v15;
	v4 =	vadd.f32 v56, v4;
	v59 =	vld [tilespmem:s14+$0xE880]  }
0xd7: {  	v2 =	vadd.f32 v55, v2  }
0xd8: {  	v60 =	vmul.f32 v16, v16;
	v4 =	vadd.f32 v58, v4;
	v61 =	vld [tilespmem:s14+$0xE900]  }
0xd9: {  	v2 =	vadd.f32 v57, v2  }
0xda: {  	v1 =	vmul.f32 v30, v30;
	v4 =	vadd.f32 v60, v4;
	v62 =	vld [tilespmem:s14+$0xE980]  }
0xdb: {  	s11 =	sadd.s32 $0x1, s11;
	v2 =	vadd.f32 v59, v2  }
0xdc: {  	v0 =	vadd.f32 v3, v0;
	p0 =	sne.s32 s11, $0x8;
	v1 =	vadd.f32 v1, v4  }
.Ltmp2:
0xdd: {  	v2 =	vadd.f32 v61, v2;
	(pc) =	sbr.rel @p0 .LBB2_4-.Ltmp2, $4  }
0xde: {  	v0 =	vadd.f32 v1, v0  }
0xdf: {  	v63 =	vadd.f32 v62, v2  }
0xe0: {  	[tilespmem:s14+$0xFA00] =	vst v0  }
0xe1: {  	s12 =	sadd.s32 $0x10, s12;
	s13 =	sadd.s32 $0x10, s13;
	[tilespmem:s14+$0xFA80] =	vst v63  }
0xe2: {  	s11 =	simm.s32 $0xEA00  }
0xe3: {  	[hbm4b:s31+s2] =	stream.linear.scatter [tilespmem:s11], [sflag:$0x3], $0x1000, $0x38;
	[tilespmem:$0xFB00] =	vst v63  }
0xe4: {  	_ =	swait.ge [sflag:s7], $0x1000  }
0xe5: {  	[sflag:s7] =	ssyncset.done $0x0  }
0xe6: {  	s15 =	simm.s32 $0xFA00;
	[sflag:s7] =	ssyncadd.s32 $0xFFFFF000  }
0xe7: {  	[hbm4b:s1+s2] =	stream.linear.scatter [tilespmem:s15], [sflag:$0x3], $0x80, $0x38;
	[tilespmem:$0xFB00] =	vst v63  }
0xe8: {  	s10 =	sadd.s32 $0x1, s10;
	_ =	swait.ge [sflag:s7], $0x80  }
0xe9: {  	p0 =	sne.s32 s10, s5;
	[sflag:s7] =	ssyncset.done $0x0  }
.Ltmp3:
0xea: {  	s16 =	simm.s32 $0xFA80;
	[sflag:s7] =	ssyncadd.s32 $0xFFFFFF80;
	(pc) =	sbr.rel @p0 .LBB2_1-.Ltmp3, $4  }
0xeb: {  	[hbm4b:s4+s2] =	stream.linear.scatter [tilespmem:s16], [sflag:$0x3], $0x80, $0x38;
	[tilespmem:$0xFB00] =	vst v63  }
0xec: {  	_ =	swait.ge [sflag:s7], $0x80  }
0xed: {  	[sflag:s7] =	ssyncset.done $0x0  }
0xee: {  	[sflag:s7] =	ssyncadd.s32 $0xFFFFFF80  }
0xef: {  	_ =	sfence.sel $0x180000  }
0xf0: {  	[bflag:$0x0] =	sbarrier.arrive $0xFFFF  }
0xf1: {  	_ =	strace $0x90000047  }
0xf2: {  	s0 =	stileid.u32;
	[bflag:$0x2] =	sbarrier.arrive $0xFFFF  }
0xf3: {  	p0 =	sne.s32 s0, $0x0;
	s0 =	rddreg [dreg:$0x1]  }
0xf4: {  	s0 =	sadd.s32 @!p0 $0x100000, s0  }
0xf5: {  	[sflag:s0] =	ssyncadd.tile.s32 @!p0 $0x1;
	_ =	shalt  }
.Lfunc_end2:
_tile_overlayer_lowered:
.L_overlay_start_2:
0xf6: {  	(tag) =	ssettag $0x2  }
0xf7: {  	s0 =	rddreg [dreg:$0x0];
	s2 =	stileid.u32  }
0xf8: {  	s1 =	rddreg [dreg:$0x1];
	p0 =	sne.s32 s2, $0x0  }
0xf9: {  	s3 =	rddreg [dreg:$0x2];
	[bflag:$0x3] =	sbarrier.arrive $0xFFFF;
	s2 =	simm.s32 @!p0 $0x1C03  }
0xfa: {  	[timem:s3], [sflag:s2] =	dma.local @!p0 [hbm:s0], s1  }
0xfb: {  	s0 =	simm.s32 @!p0 $0x3  }
0xfc: {  	_ =	swait.ge @!p0 [sflag:s0], s1  }
0xfd: {  	s1 =	ssub.s32 @!p0 $0x0, s1;
	[sflag:s0] =	ssyncset.done @!p0 $0x0  }
0xfe: {  	[sflag:s0] =	ssyncadd.s32 @!p0 s1  }
0xff: {  	[bflag:$0x3] =	sbarrier.arrive $0xFFFF  }
0x100: {  	_ =	shalt  }

// kernel: kernel.8.cloned.1.call-start
scs
__scs_entry_jumppad:
0x0: {  	(pc) =	sbr.rel $0x88, $3  }
0x1: {  	(tag) =	ssettag $0x0;
	lr =	simm.s32 $0x1  }
0x2: {  	[smem:$0x3F9D] =	sst lr;
	_ =	strace $0xD0000000  }
0x3: {  	_ = 	snop  }
0x4: {  	_ = 	snop  }
0x5: {  	_ = 	snop  }
0x6: {  	_ = 	snop  }
0x7: {  	_ = 	snop  }
__scs_overlays_trampoline_lowered:
0x8: {  	[smem:$0x3FAC] =	sst s0  }
0x9: {  	[smem:$0x3FAD] =	sst s1  }
0xa: {  	[smem:$0x3FAE] =	sst s2  }
0xb: {  	[smem:$0x3FAF] =	sst s3  }
0xc: {  	[smem:$0x3FB0] =	sst s4  }
0xd: {  	[smem:$0x3FB1] =	sst s5  }
0xe: {  	[smem:$0x3FB2] =	sst s6  }
0xf: {  	[smem:$0x3FB3] =	sst s7  }
0x10: {  	[smem:$0x3FB4] =	sst s8  }
0x11: {  	[smem:$0x3FB5] =	sst s9;
	s0 =	simm.s32 @!p0 $0x0  }
0x12: {  	s1 =	sld [smem:$0x3F9B];
	s0 =	simm.s32 @p0 $0x1  }
0x13: {  	[smem:$0x3FB6] =	sst s0;
	s0 =	simm.s32 @!p1 $0x0  }
0x14: {  	s2 =	sld [smem:$0x3F9A];
	s0 =	simm.s32 @p1 $0x1  }
0x15: {  	[smem:$0x3FB7] =	sst s0;
	s0 =	simm.s32 @!p2 $0x0  }
0x16: {  	s3 =	sld [smem:$0x3FDB];
	s0 =	simm.s32 @p2 $0x1  }
0x17: {  	s4 =	simm.s32 $0x1BF5;
	[smem:$0x3FB9] =	sst s0  }
0x18: {  	s0 =	sld [smem:$0x3F9C];
	_ =	swait.ge [sflag:s4], $0x0  }
0x19: {  	s7 =	sld [smem:$0x3F9D]  }
0x1a: {  	s8 =	sadd.s32 $0xFFFFE003, lr  }
0x1b: {  	s9 =	sadd.s32 $0xFFFFFEF7, lr;
	s5 =	simm.s32 $0xFFFFFFFF;
	p2 =	slt.u32 s8, $0xFFFFF086  }
0x1c: {  	p1 =	slt.u32 s9, $0xF7A;
	s5 =	simm.s32 @!p2 $0x0  }
0x1d: {  	s5 =	simm.s32 @p1 $0x1;
	p0 =	seq.s32 s7, s2  }
0x1e: {  	s7 =	smul.u32 @!p0 $0xF7A, s2;
	p2 =	seq.s32 @!p0 s5, $0x0  }
0x1f: {  	s9 =	smul.u32 $0xF7A, s1;
	s8 =	simm.s32 @!p0 $0x1BF5;
	p2 =	por !p2, p0  }
0x20: {  	[sflag:s8] =	ssyncset.s32 @!p0 $0xFFFFF086;
	s6 =	sadd.s32 @!p0 s3, s7;
	s7 =	simm.s32 @!p0 $0x108  }
0x21: {  	s3 =	sadd.s32 s3, s9;
	s6 =	sadd.s32 @!p0 $0x88, s6;
	s7 =	simm.s32 @p2 $0x1082  }
0x22: {  	[simem:s7], [sflag:s8] =	dma.local @!p0 [hbm:s6], $0xF7A  }
0x23: {  	s9 =	sor.u32 $0xD0000000, s2;
	s6 =	simm.s32 $0x108;
	_ =	swait.ge @!p0 [sflag:s8], $0x0  }
0x24: {  	s3 =	sadd.s32 $0x88, s3;
	s6 =	simm.s32 @!p1 $0x1082;
	[sflag:s4] =	ssyncset.s32 $0xFFFFF086  }
0x25: {  	[simem:s6], [sflag:s4] =	dma.local [hbm:s3], $0xF7A  }
0x26: {  	[smem:$0x3F9D] =	sst s1;
	(tag) =	ssettag s2;
	_ =	strace s9  }
0x27: {  	s1 =	sld [smem:$0x3FAD]  }
0x28: {  	s2 =	sld [smem:$0x3FAE]  }
0x29: {  	s4 =	sld [smem:$0x3FB0]  }
0x2a: {  	p0 =	seq.s32 s5, $0x0;
	s5 =	sld [smem:$0x3FB1]  }
0x2b: {  	s6 =	sld [smem:$0x3FB2]  }
0x2c: {  	s7 =	sld [smem:$0x3FB3]  }
0x2d: {  	s3 =	simm.s32 $0x108;
	s8 =	sld [smem:$0x3FB4]  }
0x2e: {  	s3 =	simm.s32 @!p0 $0x1082;
	s9 =	sld [smem:$0x3FB5]  }
0x2f: {  	lr =	sadd.s32 s0, s3;
	s0 =	sld [smem:$0x3FAC]  }
0x30: {  	s3 =	sld [smem:$0x3FAF]  }
0x31: {  	[smem:$0x3FB8] =	sst s10  }
0x32: {  	s10 =	sld [smem:$0x3FB6];
	_ =	sdelay $0x3  }
0x33: {  	p0 =	seq.s32 s10, $0x1;
	s10 =	sld [smem:$0x3FB8];
	_ =	sdelay $0x3  }
0x34: {  	[smem:$0x3FB8] =	sst s10  }
0x35: {  	s10 =	sld [smem:$0x3FB7];
	_ =	sdelay $0x3  }
0x36: {  	p1 =	seq.s32 s10, $0x1;
	s10 =	sld [smem:$0x3FB8];
	_ =	sdelay $0x3  }
0x37: {  	[smem:$0x3FB8] =	sst s10  }
0x38: {  	s10 =	sld [smem:$0x3FB9]  }
0x39: {  	_ = 	snop;
	(pc) =	sbr.ind lr, $3  }
0x3a: {  	_ = 	snop  }
0x3b: {  	_ = 	snop  }
0x3c: {  	p2 =	seq.s32 s10, $0x1;
	s10 =	sld [smem:$0x3FB8]  }
0x3d: {  	_ =	shalt  }
0x3e: {  	_ =	shalt  }
0x3f: {  	_ =	shalt  }
0x40: {  	_ =	shalt  }
0x41: {  	_ =	shalt  }
0x42: {  	_ =	shalt  }
0x43: {  	_ =	shalt  }
0x44: {  	_ =	shalt  }
0x45: {  	_ =	shalt  }
0x46: {  	_ =	shalt  }
0x47: {  	_ =	shalt  }
0x48: {  	_ =	shalt  }
0x49: {  	_ =	shalt  }
0x4a: {  	_ =	shalt  }
0x4b: {  	_ =	shalt  }
0x4c: {  	_ =	shalt  }
0x4d: {  	_ =	shalt  }
0x4e: {  	_ =	shalt  }
0x4f: {  	_ =	shalt  }
0x50: {  	_ =	shalt  }
0x51: {  	_ =	shalt  }
0x52: {  	_ =	shalt  }
0x53: {  	_ =	shalt  }
0x54: {  	_ =	shalt  }
0x55: {  	_ =	shalt  }
0x56: {  	_ =	shalt  }
0x57: {  	_ =	shalt  }
0x58: {  	_ =	shalt  }
0x59: {  	_ =	shalt  }
0x5a: {  	_ =	shalt  }
0x5b: {  	_ =	shalt  }
0x5c: {  	_ =	shalt  }
0x5d: {  	_ =	shalt  }
0x5e: {  	_ =	shalt  }
0x5f: {  	_ =	shalt  }
0x60: {  	_ =	shalt  }
0x61: {  	_ =	shalt  }
0x62: {  	_ =	shalt  }
0x63: {  	_ =	shalt  }
0x64: {  	_ =	shalt  }
0x65: {  	_ =	shalt  }
0x66: {  	_ =	shalt  }
0x67: {  	_ =	shalt  }
0x68: {  	_ =	shalt  }
0x69: {  	_ =	shalt  }
0x6a: {  	_ =	shalt  }
0x6b: {  	_ =	shalt  }
0x6c: {  	_ =	shalt  }
0x6d: {  	_ =	shalt  }
0x6e: {  	_ =	shalt  }
0x6f: {  	_ =	shalt  }
0x70: {  	_ =	shalt  }
0x71: {  	_ =	shalt  }
0x72: {  	_ =	shalt  }
0x73: {  	_ =	shalt  }
0x74: {  	_ =	shalt  }
0x75: {  	_ =	shalt  }
0x76: {  	_ =	shalt  }
0x77: {  	_ =	shalt  }
0x78: {  	_ =	shalt  }
0x79: {  	_ =	shalt  }
0x7a: {  	_ =	shalt  }
0x7b: {  	_ =	shalt  }
0x7c: {  	_ =	shalt  }
0x7d: {  	_ =	shalt  }
0x7e: {  	_ =	shalt  }
0x7f: {  	_ =	shalt  }
0x80: {  	_ =	shalt  }
0x81: {  	_ =	shalt  }
0x82: {  	_ =	shalt  }
0x83: {  	_ =	shalt  }
0x84: {  	_ =	shalt  }
0x85: {  	_ =	shalt  }
0x86: {  	_ =	shalt  }
0x87: {  	_ =	shalt  }
.Lfunc_end0:
.L_simem_size_0:
called_computation.1_lowered:
.L_overlay_start_0:
0x88: {  	s2 =	sld [smem:$0x3FD9]  }
0x89: {  	s3 =	sld [smem:$0x3FFE];
	_ =	sdelay $0x1  }
0x8a: {  	s1 =	srdreg.scid  }
0x8b: {  	s0 =	sand.u32 $0x1, s1  }
0x8c: {  	s17 =	sshll.u32 s0, $0xA;
	s2 =	sadd.s32 s3, s2  }
0x8d: {  	s2 =	sadd.s32 s2, s17  }
0x8e: {  	[smem:$0x3FC4] =	sst s2  }
0x8f: {  	_ = 	snop  }
0x90: {  	(tm) =	ssettm $0x1  }
0x91: {  	s18 =	sld [smem:$0x3FFB];
	_ =	sdelay $0x3  }
0x92: {  	_ =	strace s18  }
0x93: {  	s2 =	sld [smem:$0x3FFC];
	_ =	sdelay $0x3  }
0x94: {  	_ =	strace s2  }
0x95: {  	s2 =	sld [smem:$0x3FFD];
	_ =	sdelay $0x3  }
0x96: {  	_ =	strace s2  }
0x97: {  	_ =	strace $0x8FFFFFFF  }
0x98: {  	s19 =	sld [smem:$0x3FDB];
	_ =	sdelay $0x1  }
0x99: {  	s20 =	simm.s32 $_scs_section_size  }
0x9a: {  	s4 =	simm.s32 $_size__tile_overlayer_lowered;
	s5 =	simm.s32 $_tile_overlayer_lowered  }
0x9b: {  	s6 =	simm.s32 $0x1BFF;
	s21 =	sshll.u32 s5, $0x1;
	s3 =	sadd.s32 s20, s19  }
0x9c: {  	s22 =	simm.s32 $0x0;
	s4 =	sshll.u32 s4, $0x1;
	s5 =	sadd.s32 s21, s3  }
0x9d: {  	[timem:s22], [sflag:s6] =	dma.local [hbm:s5], s4  }
0x9e: {  	_ =	swait.ge [sflag:s6], s4  }
0x9f: {  	s4 =	ssub.s32 $0x0, s4;
	[sflag:s6] =	ssyncset.done $0x0  }
0xa0: {  	[sflag:s6] =	ssyncadd.s32 s4;
	_ =	sdelay $0x1  }
0xa1: {  	s23 =	simm.s32 $0x1B8B  }
0xa2: {  	_ =	swait.ge [sflag:s23], $0x1  }
0xa3: {  	[sflag:s23] =	ssyncset.done $0x0  }
0xa4: {  	[sflag:s23] =	ssyncadd.s32 $0xFFFFFFFF  }
0xa5: {  	s4 =	sld [smem:$0x0]  }
0xa6: {  	s5 =	sand.u32 $0xFFFFFFFE, s1  }
0xa7: {  	p0 =	sne.s32 s1, s5  }
0xa8: {  	s5 =	sshll.u32 @p0 s5, $0xE  }
0xa9: {  	s5 =	sadd.s32 @p0 $0x11B8D, s5;
	s6 =	sshll.u32 @p0 s4, $0x11  }
0xaa: {  	s5 =	sor.u32 @p0 s6, s5  }
0xab: {  	[sflag:s5] =	ssyncadd.remote.s32 @p0 $0x1;
	_ =	sdelay $0x1  }
0xac: {  	s5 =	simm.s32 @p0 $0x1B8D  }
0xad: {  	_ =	swait.eq @p0 [sflag:s5], $0x1  }
0xae: {  	[sflag:s5] =	ssyncadd.s32 @p0 $0xFFFFFFFF  }
0xaf: {  	s6 =	sshll.u32 @!p0 s1, $0xE  }
0xb0: {  	s6 =	sor.u32 @!p0 $0x4000, s6;
	s5 =	simm.s32 @!p0 $0x1B8D  }
0xb1: {  	s4 =	sshll.u32 @!p0 s4, $0x11;
	s6 =	sadd.s32 @!p0 $0x11B8D, s6;
	_ =	swait.eq @!p0 [sflag:s5], $0x1  }
0xb2: {  	s4 =	sor.u32 @!p0 s4, s6;
	[sflag:s5] =	ssyncadd.s32 @!p0 $0xFFFFFFFF  }
0xb3: {  	s25 =	simm.s32 $0x1B8E;
	s24 =	sld [smem:$0x3FFE];
	[sflag:s4] =	ssyncadd.remote.s32 @!p0 $0x1  }
0xb4: {  	s26 =	simm.s32 $execute0_lowered;
	[smem:$0x3FD2] =	sst s25  }
0xb5: {  	s5 =	sshll.u32 s26, $0x1;
	_ =	strace $0x80000049;
	[dreg:$0x1] =	wrdreg $0xFFFFFFFF  }
0xb6: {  	s28 =	simm.s32 $_size_execute0_lowered;
	s3 =	sadd.s32 s3, s5;
	[dreg:$0x0] =	wrdreg $0x0  }
0xb7: {  	s5 =	sshll.u32 s28, $0x1;
	[dreg:$0x2] =	wrdreg s3  }
0xb8: {  	[dreg:$0x3] =	wrdreg s5  }
0xb9: {  	[dreg:$0x4] =	wrdreg $0xC0  }
0xba: {  	_ =	task [dreg:s22], $0x5FFFF  }
0xbb: {  	[dreg:$0x1] =	wrdreg $0xFFFFFFFF  }
0xbc: {  	[dreg:$0x0] =	wrdreg $0x60  }
0xbd: {  	[dreg:$0x2] =	wrdreg s24  }
0xbe: {  	[dreg:$0x3] =	wrdreg $0xA  }
0xbf: {  	_ =	task.clear_ibuf [dreg:s22], $0x4FFFF;
	_ =	strace $0x90000049  }
0xc0: {  	s29 =	simm.s32 $0xA;
	_ =	strace $0x8000004B  }
0xc1: {  	_ =	swait.ge [sflag:s29], $0x1  }
0xc2: {  	[sflag:s29] =	ssyncadd.s32 $0xFFFFFFFF  }
0xc3: {  	_ =	strace $0x9000004B  }
0xc4: {  	_ =	sfence  }
0xc5: {  	s30 =	sld [smem:$0x0];
	_ =	sdelay $0x2  }
0xc6: {  	s31 =	sshll.u32 s1, $0xD;
	s1 =	sshrl.u32 s1, $0x2  }
0xc7: {  	s4 =	sand.u32 $0x4000, s31;
	s1 =	sadd.s32 s1, s30  }
0xc8: {  	s0 =	sor.u32 s4, s0;
	s1 =	sshll.u32 s1, $0x11  }
0xc9: {  	s0 =	sor.u32 s1, s0  }
0xca: {  	s0 =	sadd.s32 $0x8F2B, s0  }
0xcb: {  	[sflag:s0] =	ssyncadd.remote.s32 $0x1  }
0xcc: {  	_ =	sfence.sel $0xFFFF  }
0xcd: {  	[dreg:$0x0] =	wrdreg $0xFFFFFFFF;
	(pc) =	sbr.abs _section_cstart, $3  }
0xce: {  	[dreg:$0x1] =	wrdreg $0xFFFFFFFF  }
0xcf: {  	_ =	task.clear_ibuf [dreg:s22], $0x2FFFF;
	_ =	strace $0x9FFFFFFF  }
0xd0: {  	(tm) =	ssettm $0x7FFFFFFF  }
0xd1: {  	_ =	shalt  }
tec
execute0_lowered:
.L_overlay_start_1:
0x0: {  	(tag) =	ssettag $0x1  }
0x1: {  	s4 =	rddreg [dreg:$0x0]  }
0x2: {  	s0 =	rddreg [dreg:$0x1];
	s2 =	simm.s32 $0x0  }
0x3: {  	s3 =	srdreg.scid;
	s1 =	stileid.u32;
	s9 =	simm.s32 $0x1000  }
0x4: {  	s10 =	simm.s32 $0x2;
	s11 =	simm.s32 $0x1;
	s12 =	simm.s32 $0xD680  }
0x5: {  	s13 =	simm.s32 $0xE680;
	s14 =	simm.s32 $0x0;
	s21 =	simm.s32 $0x0  }
0x6: {  	[smem:$0x7FF] =	sst s2;
	s5 =	sand.u32 $0x1, s3;
	s6 =	sshll.u32 s1, $0x1  }
0x7: {  	s3 =	sadd.s32 $0xEE4C00, s4;
	_ =	strace $0x8000004A;
	s6 =	sor.u32 s5, s6  }
0x8: {  	s5 =	ssub.s32 $0x2, s5;
	s7 =	sshll.u32 s6, $0x9;
	s6 =	sshll.u32 s6, $0x4  }
0x9: {  	s31 =	sshrl.u32 s5, $0x1;
	s7 =	sadd.s32 s7, s4;
	s6 =	sadd.s32 s6, s4  }
0xa: {  	s8 =	ssub.s32 s5, s31;
	s4 =	sadd.s32 $0x3400, s6;
	s5 =	sadd.s32 $0x58800, s7  }
0xb: {  	s6 =	sadd.s32 $0x5C800, s6;
	s7 =	smax.u32 s8, $0x1;
	s8 =	simm.s32 $0x80  }
.LBB2_1:
0xc: {  	[tilespmem:s2], [sflag:$0x2] =	stream.strided.gather [hbm4b:s4+s8], $0x680, s9, s8, $0x38;
	[tilespmem:$0xE700] =	vst v63  }
0xd: {  	s15 =	simm.s32 $0x680;
	s16 =	simm.s32 $0x4;
	_ =	swait.ge [sflag:s10], $0x680  }
0xe: {  	s20 =	sand.u32 $0x780, s2;
	s17 =	simm.s32 $0x700;
	[sflag:s10] =	ssyncset.done $0x0  }
0xf: {  	s18 =	sadd.s32 $0x30D4, s3;
	s19 =	smov.u32 s3;
	[sflag:s10] =	ssyncadd.s32 $0xFFFFF980  }
.LBB2_2:
0x10: {  	[tilespmem:s15], [sflag:$0x1] =	stream.indirect.gather [hbm4b:s19+s8], $0x1, s20, s8, $0xb8;
	[tilespmem:$0xE700] =	vst v63  }
0x11: {  	s20 =	smov.u32 s16  }
0x12: {  	s15 =	smov.u32 s17;
	s19 =	smov.u32 s18;
	p0 =	sne.s32 s16, $0x67C  }
.Ltmp0:
0x13: {  	s16 =	sadd.s32 $0x4, s16;
	(pc) =	sbr.rel @p0 .LBB2_2-.Ltmp0, $2  }
0x14: {  	_ =	sdelay $0x2  }
0x15: {  	s17 =	sadd.s32 $0x80, s17;
	s18 =	sadd.s32 $0x30D4, s18;
	s20 =	sand.u32 $0x780, s20  }
0x16: {  	[tilespmem:s15], [sflag:$0x1] =	stream.indirect.gather [hbm4b:s19+s8], $0x1, s20, s8, $0xb8;
	[tilespmem:$0xE700] =	vst v63  }
0x17: {  	_ =	swait.ge [sflag:s11], $0xD000  }
0x18: {  	s15 =	simm.s32 $0x0;
	[sflag:s11] =	ssyncset.done $0x0  }
0x19: {  	s16 =	simm.s32 $0x680;
	s17 =	simm.s32 $0xD680;
	[sflag:s11] =	ssyncadd.s32 $0xFFFF3000  }
.LBB2_4:
0x1a: {  	v0 =	vmov s16;
	_ =	sdelay $0x4  }
0x1b: {  	v1 =	vld.idx.msk [tilespmem:v0+s21+$0x0 ss:$0x1], $0xffff;
	_ =	sdelay $0x1  }
0x1c: {  	v2 =	vld.idx.msk [tilespmem:v0+s21+$0x1000 ss:$0x1], $0xffff;
	_ =	sdelay $0x1  }
0x1d: {  	v3 =	vld.idx.msk [tilespmem:v0+s21+$0x2000 ss:$0x1], $0xffff  }
0x1e: {  	v4 =	vadd.f32 $0.0e+00, v1  }
0x1f: {  	v5 =	vld.idx.msk [tilespmem:v0+s21+$0x3000 ss:$0x1], $0xffff  }
0x20: {  	v1 =	vmul.f32 v1, v1;
	v4 =	vadd.f32 v2, v4;
	v2 =	vmul.f32 v2, v2  }
0x21: {  	v6 =	vld.idx.msk [tilespmem:v0+s21+$0x4000 ss:$0x1], $0xffff  }
0x22: {  	v1 =	vadd.f32 v2, v1;
	v2 =	vadd.f32 v3, v4;
	v3 =	vmul.f32 v3, v3  }
0x23: {  	v4 =	vld.idx.msk [tilespmem:v0+s21+$0x5000 ss:$0x1], $0xffff  }
0x24: {  	v1 =	vadd.f32 v3, v1;
	v2 =	vadd.f32 v5, v2;
	v3 =	vmul.f32 v5, v5  }
0x25: {  	v5 =	vld.idx.msk [tilespmem:v0+s21+$0x6000 ss:$0x1], $0xffff  }
0x26: {  	v1 =	vadd.f32 v3, v1;
	v2 =	vadd.f32 v6, v2;
	v3 =	vmul.f32 v6, v6  }
0x27: {  	v62 =	vld.idx.msk [tilespmem:v0+s21+$0x7000 ss:$0x1], $0xffff  }
0x28: {  	v1 =	vadd.f32 v3, v1;
	v2 =	vadd.f32 v4, v2;
	v3 =	vmul.f32 v4, v4  }
0x29: {  	v4 =	vld.idx.msk [tilespmem:v0+s21+$0x8000 ss:$0x1], $0xffff  }
0x2a: {  	v1 =	vadd.f32 v3, v1;
	v2 =	vadd.f32 v5, v2;
	v3 =	vmul.f32 v5, v5  }
0x2b: {  	v5 =	vld.idx.msk [tilespmem:v0+s21+$0x9000 ss:$0x1], $0xffff  }
0x2c: {  	v1 =	vadd.f32 v3, v1;
	v2 =	vadd.f32 v62, v2;
	v3 =	vmul.f32 v62, v62  }
0x2d: {  	v63 =	vld.idx.msk [tilespmem:v0+s21+$0xA000 ss:$0x1], $0xffff  }
0x2e: {  	v1 =	vadd.f32 v3, v1;
	v2 =	vadd.f32 v4, v2;
	v3 =	vmul.f32 v4, v4  }
0x2f: {  	v4 =	vld.idx.msk [tilespmem:v0+s21+$0xB000 ss:$0x1], $0xffff  }
0x30: {  	v1 =	vadd.f32 v3, v1;
	v2 =	vadd.f32 v5, v2;
	v3 =	vmul.f32 v5, v5  }
0x31: {  	v5 =	vld.idx.msk [tilespmem:v0+s21+$0xC000 ss:$0x1], $0xffff  }
0x32: {  	v6 =	vmul.f32 v63, v63;
	v3 =	vadd.f32 v3, v1;
	v2 =	vadd.f32 v63, v2  }
0x33: {  	v1 =	vmov s17  }
0x34: {  	v3 =	vadd.f32 v6, v3;
	v2 =	vadd.f32 v4, v2;
	v4 =	vmul.f32 v4, v4;
	_ =	sdelay $0x1  }
0x35: {  	v3 =	vadd.f32 v4, v3;
	v4 =	vadd.f32 v5, v2;
	v5 =	vmul.f32 v5, v5;
	_ =	sdelay $0x1  }
0x36: {  	s18 =	sshll.u32 s15, $0x4;
	s19 =	simm.s32 $0x80;
	s20 =	simm.s32 $0x400;
	v2 =	vimm.f32 $0.0e+00;
	v3 =	vadd.f32 v5, v3;
	[tilespmem:v1+s21+$0x0 ss:$0x1] =	vst.idx.msk $0xffff, v4  }
.LBB2_5:
0x37: {  	p0 =	sne.s32 s20, $0x3E00;
	v4 =	vld.idx.msk [tilespmem:v0+s19+$0x0 ss:$0x1], $0xffff  }
0x38: {  	v2 =	vadd.f32 v3, v2  }
0x39: {  	v3 =	vld.idx.msk [tilespmem:v0+s19+$0x1000 ss:$0x1], $0xffff;
	_ =	sdelay $0x1  }
0x3a: {  	v5 =	vld.idx.msk [tilespmem:v0+s19+$0x2000 ss:$0x1], $0xffff;
	_ =	sdelay $0x1  }
0x3b: {  	v6 =	vadd.f32 $0.0e+00, v4;
	v4 =	vmul.f32 v4, v4;
	v7 =	vld.idx.msk [tilespmem:v0+s19+$0x3000 ss:$0x1], $0xffff;
	_ =	sdelay $0x1  }
0x3c: {  	v6 =	vadd.f32 v3, v6;
	v3 =	vmul.f32 v3, v3;
	v8 =	vld.idx.msk [tilespmem:v0+s19+$0x4000 ss:$0x1], $0xffff;
	_ =	sdelay $0x1  }
0x3d: {  	v3 =	vadd.f32 v3, v4;
	v4 =	vadd.f32 v5, v6;
	v5 =	vmul.f32 v5, v5;
	v6 =	vld.idx.msk [tilespmem:v0+s19+$0x5000 ss:$0x1], $0xffff;
	_ =	sdelay $0x1  }
0x3e: {  	v3 =	vadd.f32 v5, v3;
	v4 =	vadd.f32 v7, v4;
	v5 =	vmul.f32 v7, v7;
	v7 =	vld.idx.msk [tilespmem:v0+s19+$0x6000 ss:$0x1], $0xffff;
	_ =	sdelay $0x1  }
0x3f: {  	v3 =	vadd.f32 v5, v3;
	v4 =	vadd.f32 v8, v4;
	v5 =	vmul.f32 v8, v8;
	v8 =	vld.idx.msk [tilespmem:v0+s19+$0x7000 ss:$0x1], $0xffff;
	_ =	sdelay $0x1  }
0x40: {  	v3 =	vadd.f32 v5, v3;
	v4 =	vadd.f32 v6, v4;
	v5 =	vmul.f32 v6, v6;
	v6 =	vld.idx.msk [tilespmem:v0+s19+$0x8000 ss:$0x1], $0xffff;
	_ =	sdelay $0x1  }
0x41: {  	v3 =	vadd.f32 v5, v3;
	v4 =	vadd.f32 v7, v4;
	v5 =	vmul.f32 v7, v7;
	v7 =	vld.idx.msk [tilespmem:v0+s19+$0x9000 ss:$0x1], $0xffff;
	_ =	sdelay $0x1  }
0x42: {  	v3 =	vadd.f32 v5, v3;
	v4 =	vadd.f32 v8, v4;
	v5 =	vmul.f32 v8, v8;
	v8 =	vld.idx.msk [tilespmem:v0+s19+$0xA000 ss:$0x1], $0xffff;
	_ =	sdelay $0x1  }
0x43: {  	v3 =	vadd.f32 v5, v3;
	v4 =	vadd.f32 v6, v4;
	v5 =	vmul.f32 v6, v6;
	v6 =	vld.idx.msk [tilespmem:v0+s19+$0xB000 ss:$0x1], $0xffff;
	_ =	sdelay $0x1  }
0x44: {  	v3 =	vadd.f32 v5, v3;
	v4 =	vadd.f32 v7, v4;
	v5 =	vmul.f32 v7, v7;
	v7 =	vld.idx.msk [tilespmem:v0+s19+$0xC000 ss:$0x1], $0xffff;
	_ =	sdelay $0x1  }
0x45: {  	v3 =	vadd.f32 v5, v3;
	v4 =	vadd.f32 v8, v4;
	v5 =	vmul.f32 v8, v8;
	_ =	sdelay $0x1  }
.Ltmp1:
0x46: {  	v3 =	vadd.f32 v5, v3;
	v4 =	vadd.f32 v6, v4;
	v5 =	vmul.f32 v6, v6;
	(pc) =	sbr.rel @p0 .LBB2_5-.Ltmp1, $3  }
0x47: {  	_ = 	snop  }
0x48: {  	v3 =	vadd.f32 v5, v3;
	v4 =	vadd.f32 v7, v4;
	v5 =	vmul.f32 v7, v7;
	_ =	sdelay $0x1  }
0x49: {  	v3 =	vadd.f32 v5, v3;
	[tilespmem:v1+s19+$0x0 ss:$0x1] =	vst.idx.msk $0xffff, v4;
	s19 =	sshra.s32 s20, $0x2;
	s20 =	sadd.s32 $0x200, s20  }
0x4a: {  	_ =	sdelay $0x3  }
0x4b: {  	v4 =	vld.idx.msk [tilespmem:v0+s19+$0x0 ss:$0x1], $0xffff  }
0x4c: {  	v5 =	vld.idx.msk [tilespmem:v0+s19+$0x1000 ss:$0x1], $0xffff;
	_ =	sdelay $0x1  }
0x4d: {  	v6 =	vld.idx.msk [tilespmem:v0+s19+$0x2000 ss:$0x1], $0xffff;
	_ =	sdelay $0x1  }
0x4e: {  	v7 =	vld.idx.msk [tilespmem:v0+s19+$0x3000 ss:$0x1], $0xffff  }
0x4f: {  	v8 =	vmul.f32 v4, v4;
	v9 =	vmul.f32 v5, v5  }
0x50: {  	v10 =	vld.idx.msk [tilespmem:v0+s19+$0x4000 ss:$0x1], $0xffff;
	v4 =	vadd.f32 $0.0e+00, v4  }
0x51: {  	v43 =	vmul.f32 v6, v6;
	v8 =	vadd.f32 v9, v8  }
0x52: {  	v44 =	vld.idx.msk [tilespmem:v0+s19+$0x5000 ss:$0x1], $0xffff;
	v4 =	vadd.f32 v5, v4  }
0x53: {  	v45 =	vmul.f32 v7, v7;
	v8 =	vadd.f32 v43, v8  }
0x54: {  	v46 =	vld.idx.msk [tilespmem:v0+s19+$0x6000 ss:$0x1], $0xffff;
	v4 =	vadd.f32 v6, v4  }
0x55: {  	v47 =	vmul.f32 v10, v10;
	v8 =	vadd.f32 v45, v8  }
0x56: {  	v48 =	vld.idx.msk [tilespmem:v0+s19+$0x7000 ss:$0x1], $0xffff;
	v4 =	vadd.f32 v7, v4  }
0x57: {  	v49 =	vmul.f32 v44, v44;
	v8 =	vadd.f32 v47, v8  }
0x58: {  	v50 =	vld.idx.msk [tilespmem:v0+s19+$0x8000 ss:$0x1], $0xffff;
	v4 =	vadd.f32 v10, v4  }
0x59: {  	v51 =	vmul.f32 v46, v46;
	v8 =	vadd.f32 v49, v8  }
0x5a: {  	v52 =	vld.idx.msk [tilespmem:v0+s19+$0x9000 ss:$0x1], $0xffff;
	v4 =	vadd.f32 v44, v4  }
0x5b: {  	v53 =	vmul.f32 v48, v48;
	v8 =	vadd.f32 v51, v8  }
0x5c: {  	v54 =	vld.idx.msk [tilespmem:v0+s19+$0xA000 ss:$0x1], $0xffff;
	v4 =	vadd.f32 v46, v4  }
0x5d: {  	v55 =	vmul.f32 v50, v50;
	v8 =	vadd.f32 v53, v8  }
0x5e: {  	v56 =	vld.idx.msk [tilespmem:v0+s19+$0xB000 ss:$0x1], $0xffff;
	v4 =	vadd.f32 v48, v4  }
0x5f: {  	v57 =	vmul.f32 v52, v52;
	v8 =	vadd.f32 v55, v8  }
0x60: {  	v58 =	vld.idx.msk [tilespmem:v0+s19+$0xC000 ss:$0x1], $0xffff;
	v4 =	vadd.f32 v50, v4  }
0x61: {  	v59 =	vmul.f32 v54, v54;
	v8 =	vadd.f32 v57, v8  }
0x62: {  	v4 =	vadd.f32 v52, v4  }
0x63: {  	v61 =	vmul.f32 v56, v56;
	v60 =	vadd.f32 v59, v8  }
0x64: {  	v4 =	vadd.f32 v54, v4  }
0x65: {  	s15 =	sadd.s32 $0x1, s15;
	v62 =	vmul.f32 v58, v58;
	v5 =	vadd.f32 v61, v60  }
0x66: {  	p0 =	sne.s32 s15, $0x8;
	v4 =	vadd.f32 v56, v4  }
.Ltmp2:
0x67: {  	v2 =	vadd.f32 v3, v2;
	v63 =	vadd.f32 v62, v5;
	(pc) =	sbr.rel @p0 .LBB2_4-.Ltmp2, $4  }
0x68: {  	v0 =	vadd.f32 v58, v4  }
0x69: {  	v2 =	vadd.f32 v63, v2  }
0x6a: {  	[tilespmem:v1+s19+$0x0 ss:$0x1] =	vst.idx.msk $0xffff, v0  }
0x6b: {  	s16 =	sadd.s32 $0x10, s16;
	s17 =	sadd.s32 $0x10, s17;
	[tilespmem:s18+$0xE680] =	vst v2  }
0x6c: {  	[hbm4b:s5+s2] =	stream.linear.scatter [tilespmem:s12], [sflag:$0x2], $0x1000, $0x38;
	[tilespmem:$0xE700] =	vst v63  }
0x6d: {  	s14 =	sadd.s32 $0x1, s14;
	_ =	swait.ge [sflag:s10], $0x1000  }
0x6e: {  	p0 =	sne.s32 s14, s7;
	[sflag:s10] =	ssyncset.done $0x0  }
.Ltmp3:
0x6f: {  	[sflag:s10] =	ssyncadd.s32 $0xFFFFF000;
	(pc) =	sbr.rel @p0 .LBB2_1-.Ltmp3, $4  }
0x70: {  	[hbm4b:s6+s2] =	stream.linear.scatter [tilespmem:s13], [sflag:$0x2], $0x80, $0x38;
	[tilespmem:$0xE700] =	vst v63  }
0x71: {  	_ =	swait.ge [sflag:s10], $0x80  }
0x72: {  	[sflag:s10] =	ssyncset.done $0x0  }
0x73: {  	[sflag:s10] =	ssyncadd.s32 $0xFFFFFF80  }
0x74: {  	_ =	sfence.sel $0x180000  }
0x75: {  	[bflag:$0x0] =	sbarrier.arrive $0xFFFF  }
0x76: {  	p0 =	sne.s32 s1, $0x0;
	_ =	strace $0x9000004A  }
0x77: {  	s0 =	sadd.s32 @!p0 $0x100000, s0;
	[bflag:$0x2] =	sbarrier.arrive $0xFFFF  }
0x78: {  	[sflag:s0] =	ssyncadd.tile.s32 @!p0 $0x1;
	_ =	shalt  }
.Lfunc_end2:
_tile_overlayer_lowered:
.L_overlay_start_2:
0x79: {  	(tag) =	ssettag $0x2  }
0x7a: {  	s0 =	rddreg [dreg:$0x0];
	s2 =	stileid.u32  }
0x7b: {  	s1 =	rddreg [dreg:$0x1];
	p0 =	sne.s32 s2, $0x0  }
0x7c: {  	s3 =	rddreg [dreg:$0x2];
	[bflag:$0x3] =	sbarrier.arrive $0xFFFF;
	s2 =	simm.s32 @!p0 $0x1C02  }
0x7d: {  	[timem:s3], [sflag:s2] =	dma.local @!p0 [hbm:s0], s1  }
0x7e: {  	s0 =	simm.s32 @!p0 $0x2  }
0x7f: {  	_ =	swait.ge @!p0 [sflag:s0], s1  }
0x80: {  	s1 =	ssub.s32 @!p0 $0x0, s1;
	[sflag:s0] =	ssyncset.done @!p0 $0x0  }
0x81: {  	[sflag:s0] =	ssyncadd.s32 @!p0 s1  }
0x82: {  	[bflag:$0x3] =	sbarrier.arrive $0xFFFF  }
0x83: {  	_ =	shalt  }

</sc_bundles>
